<compile_context>
chip_gen: v7x
topology: tpu7x:2x2x1
jax: 0.10.2.dev20260603
libtpu: 0.0.44.dev20260713+nightly
codegen_flags: <defaults>
</compile_context>

<pallas_src>
import functools

import jax
import jax.numpy as jnp
from jax import lax
from jax.experimental import pallas as pl
from jax.experimental.pallas import tpu as pltpu
from jax.experimental.pallas import tpu_sc as plsc

EPS = 1e-10
LANES = 16


@functools.lru_cache(maxsize=None)
def _build_seg_kernel(n_samples: int, num_rays: int, nw: int, blk: int):
    nc, ns = 2, 16
    chunk = n_samples // nw
    nblk = chunk // blk
    assert nblk % 2 == 0 and chunk % blk == 0 and n_samples % nw == 0
    mesh = plsc.VectorSubcoreMesh(core_axis_name="c", subcore_axis_name="s")

    @functools.partial(
        pl.kernel,
        mesh=mesh,
        compiler_params=pltpu.CompilerParams(needs_layout_passes=False),
        out_type=[
            jax.ShapeDtypeStruct((nw, num_rays), jnp.float32),
            jax.ShapeDtypeStruct((nw, num_rays), jnp.float32),
            jax.ShapeDtypeStruct((nw, LANES), jnp.float32),
            jax.ShapeDtypeStruct((nw, LANES), jnp.float32),
        ],
        scratch_types=[
            pltpu.VMEM((blk + LANES,), jnp.int32),
            pltpu.VMEM((blk,), jnp.float32),
            pltpu.VMEM((blk,), jnp.float32),
            pltpu.VMEM((blk,), jnp.float32),
            pltpu.VMEM((blk + LANES,), jnp.int32),
            pltpu.VMEM((blk,), jnp.float32),
            pltpu.VMEM((blk,), jnp.float32),
            pltpu.VMEM((blk,), jnp.float32),
            pltpu.VMEM((num_rays,), jnp.float32),
            pltpu.VMEM((num_rays,), jnp.float32),
            pltpu.VMEM((LANES,), jnp.float32),
            pltpu.VMEM((LANES,), jnp.float32),
            pltpu.SemaphoreType.DMA,
            pltpu.SemaphoreType.DMA,
        ],
    )
    def seg_kernel(idx_hbm, w_hbm, s_hbm, e_hbm,
                   ws_out, w_out, min_out, max_out,
                   idx_a, w_a, s_a, e_a, idx_b, w_b, s_b, e_b,
                   acc_ws, acc_w, minv, maxv, sem_a, sem_b):
        wid = lax.axis_index("s") * nc + lax.axis_index("c")
        base = wid * chunk

        zeros16 = jnp.zeros((LANES,), jnp.float32)
        zunroll = 8

        def zero_body(i, carry):
            for u in range(zunroll):
                acc_ws[pl.ds((i * zunroll + u) * LANES, LANES)] = zeros16
                acc_w[pl.ds((i * zunroll + u) * LANES, LANES)] = zeros16
            return carry

        lax.fori_loop(0, num_rays // (LANES * zunroll), zero_body, 0)

        iota = lax.iota(jnp.int32, LANES)
        all15 = jnp.full((LANES,), LANES - 1, jnp.int32)
        shift1 = jnp.minimum(iota + 1, LANES - 1)
        lane15 = iota == (LANES - 1)
        unroll = 8

        def issue(b, bufs, sem):
            off = base + b * blk
            pltpu.async_copy(idx_hbm.at[pl.ds(off, blk)], bufs[0].at[pl.ds(0, blk)], sem)
            pltpu.async_copy(w_hbm.at[pl.ds(off, blk)], bufs[1], sem)
            pltpu.async_copy(s_hbm.at[pl.ds(off, blk)], bufs[2], sem)
            pltpu.async_copy(e_hbm.at[pl.ds(off, blk)], bufs[3], sem)

        def drain(b, bufs, sem):
            off = base + b * blk
            pltpu.make_async_copy(idx_hbm.at[pl.ds(off, blk)], bufs[0].at[pl.ds(0, blk)], sem).wait()
            pltpu.make_async_copy(w_hbm.at[pl.ds(off, blk)], bufs[1], sem).wait()
            pltpu.make_async_copy(s_hbm.at[pl.ds(off, blk)], bufs[2], sem).wait()
            pltpu.make_async_copy(e_hbm.at[pl.ds(off, blk)], bufs[3], sem).wait()

        def take(v, inds):
            return v.at[inds].get(mode="promise_in_bounds")

        def compute_block(bufs, carry):
            idx_r, w_r, s_r, e_r = bufs

            def vec_body(j, c2):
                mn2, mx2, rws, rw = c2
                lcs = []
                for u in range(unroll):
                    p = (j * unroll + u) * LANES
                    sl = pl.ds(p, LANES)
                    idx16 = idx_r[sl]
                    idxn16 = take(idx16, shift1)
                    w16 = w_r[sl]
                    st = (s_r[sl] + e_r[sl]) * 0.5
                    ws = w16 * st
                    lc_ws = plsc.cumsum(ws)
                    lc_w = plsc.cumsum(w16)
                    tot_ws = take(lc_ws, all15)
                    tot_w = take(lc_w, all15)
                    m = (idx16 != idxn16) | lane15
                    mn2 = jnp.minimum(mn2, st)
                    mx2 = jnp.maximum(mx2, st)
                    lcs.append((idx16, m, lc_ws, lc_w, tot_ws, tot_w))
                for idx16, m, lc_ws, lc_w, tot_ws, tot_w in lcs:
                    plsc.store_scatter(acc_ws, [idx16], rws + lc_ws, mask=m)
                    plsc.store_scatter(acc_w, [idx16], rw + lc_w, mask=m)
                    rws = rws + tot_ws
                    rw = rw + tot_w
                return (mn2, mx2, rws, rw)

            return lax.fori_loop(0, blk // (LANES * unroll), vec_body, carry)

        bufs_a = (idx_a, w_a, s_a, e_a)
        bufs_b = (idx_b, w_b, s_b, e_b)
        inf16 = jnp.full((LANES,), jnp.inf, jnp.float32)
        carry0 = (inf16, -inf16, zeros16, zeros16)

        issue(0, bufs_a, sem_a)

        def pipe_body(i, carry):
            b0 = 2 * i
            drain(b0, bufs_a, sem_a)
            issue(b0 + 1, bufs_b, sem_b)
            carry = compute_block(bufs_a, carry)
            drain(b0 + 1, bufs_b, sem_b)

            @pl.when(i < nblk // 2 - 1)
            def _():
                issue(b0 + 2, bufs_a, sem_a)

            return compute_block(bufs_b, carry)

        mn, mx, _, _ = lax.fori_loop(0, nblk // 2, pipe_body, carry0)
        minv[...] = mn
        maxv[...] = mx

        shift_back = jnp.maximum(iota - 1, 0)
        lane0 = iota == 0
        punroll = 4

        def post_body(v, c2):
            pws, pw = c2
            locs = []
            for u in range(punroll):
                sl = pl.ds((v * punroll + u) * LANES, LANES)
                lm_ws = plsc.cummax(acc_ws[sl])
                lm_w = plsc.cummax(acc_w[sl])
                locs.append((sl, lm_ws, lm_w,
                             take(lm_ws, all15), take(lm_w, all15),
                             take(lm_ws, shift_back), take(lm_w, shift_back)))
            for sl, lm_ws, lm_w, last_ws, last_w, sh_ws, sh_w in locs:
                ff_ws = jnp.maximum(lm_ws, pws)
                ff_w = jnp.maximum(lm_w, pw)
                prior_ws = jnp.where(lane0, pws, jnp.maximum(sh_ws, pws))
                prior_w = jnp.where(lane0, pw, jnp.maximum(sh_w, pw))
                acc_ws[sl] = ff_ws - prior_ws
                acc_w[sl] = ff_w - prior_w
                pws = jnp.maximum(pws, last_ws)
                pw = jnp.maximum(pw, last_w)
            return (pws, pw)

        lax.fori_loop(0, num_rays // (LANES * punroll), post_body,
                      (zeros16, zeros16))

        pltpu.async_copy(acc_ws, ws_out.at[wid], sem_a)
        pltpu.async_copy(acc_w, w_out.at[wid], sem_a)
        pltpu.async_copy(minv, min_out.at[wid], sem_a)
        pltpu.async_copy(maxv, max_out.at[wid], sem_a)
        pltpu.make_async_copy(acc_ws, ws_out.at[wid], sem_a).wait()
        pltpu.make_async_copy(acc_w, w_out.at[wid], sem_a).wait()
        pltpu.make_async_copy(minv, min_out.at[wid], sem_a).wait()
        pltpu.make_async_copy(maxv, max_out.at[wid], sem_a).wait()

    return seg_kernel


def _finalize_body(flag_ref, ws_ref, w_ref, min_ref, max_ref, out_ref):
    ws = jnp.sum(ws_ref[...], axis=0, keepdims=True)
    w = jnp.sum(w_ref[...], axis=0, keepdims=True)
    depth = ws / (w + EPS)
    smin = jnp.min(min_ref[...])
    smax = jnp.max(max_ref[...])
    depth = jnp.clip(depth, smin, smax)
    nears = jnp.min(depth)
    fars = jnp.max(depth)
    dn = 1.0 - (depth - nears) / (fars - nears + EPS)
    dn = jnp.clip(dn, 0.0, 1.0)
    out_ref[...] = jnp.where(flag_ref[0] != 0, dn, depth)


@functools.lru_cache(maxsize=None)
def _build_finalize(nw: int, num_rays: int):
    return pl.pallas_call(
        _finalize_body,
        out_shape=jax.ShapeDtypeStruct((1, num_rays), jnp.float32),
        in_specs=[
            pl.BlockSpec(memory_space=pltpu.SMEM),
            pl.BlockSpec(memory_space=pltpu.VMEM),
            pl.BlockSpec(memory_space=pltpu.VMEM),
            pl.BlockSpec(memory_space=pltpu.VMEM),
            pl.BlockSpec(memory_space=pltpu.VMEM),
        ],
    )


def kernel(weights, euclidean_starts, euclidean_ends, ray_indices, num_rays,
           normalize):
    n = ray_indices.shape[0]
    num_rays = 16384
    w = weights.reshape(-1).astype(jnp.float32)
    idx = ray_indices.astype(jnp.int32)
    s = euclidean_starts.astype(jnp.float32)
    e = euclidean_ends.astype(jnp.float32)

    seg = _build_seg_kernel(n, num_rays, 32, 8192)
    ws_p, w_p, mn, mx = seg(idx, w, s, e)

    flag = jnp.asarray(normalize, jnp.int32).reshape(1)
    fin = _build_finalize(32, num_rays)
    out = fin(flag, ws_p, w_p, mn, mx)
    return out.reshape(num_rays, 1)

# --- scband reference (transcript-rebuilt; emitter-appended) ---
"""Pipeline reference for scband-depth-renderer-11484742549536 (READ-ONLY COPY).

The authoritative reference and input builder live on the scoring server;
editing this copy changes nothing except your own understanding.
"""

import jax, jax.numpy as jnp
import numpy as np

EPS_1E10 = 1e-10

N_SAMPLES = 2097152
NUM_RAYS = 16384


def setup_inputs(seed: int = 0) -> dict:
    key = jax.random.key(seed)
    k1, k2, k3, k4 = jax.random.split(key, 4)
    weights = jax.random.uniform(k1, (N_SAMPLES, 1), dtype=jnp.float32)
    euclidean_starts = jax.random.uniform(k2, (N_SAMPLES,), dtype=jnp.float32)
    euclidean_ends = jax.random.uniform(k3, (N_SAMPLES,), dtype=jnp.float32)
    ray_indices = jnp.sort(jax.random.randint(k4, (N_SAMPLES,), 0, NUM_RAYS, dtype=jnp.int64))
    return {
        "weights": weights,
        "euclidean_starts": euclidean_starts,
        "euclidean_ends": euclidean_ends,
        "ray_indices": ray_indices,
        "num_rays": NUM_RAYS,
        "normalize": True,
    }


def reference(weights, euclidean_starts, euclidean_ends, ray_indices, num_rays, normalize):
    # steps = midpoint of each sample interval, shape [n_samples, 1]
    steps = ((euclidean_starts + euclidean_ends) / 2.0)[:, None]
    # method == 'expected' with packed (ragged) samples:
    # nerfacc.accumulate_along_rays == segment_sum over ray_indices
    depth = jax.ops.segment_sum(weights * steps, ray_indices, num_segments=NUM_RAYS)
    accumulation = jax.ops.segment_sum(weights, ray_indices, num_segments=NUM_RAYS)
    depth = depth / (accumulation + EPS_1E10)
    depth = jnp.clip(depth, jnp.min(steps), jnp.max(steps))
    depth = depth + num_rays * 0
    nears = jnp.min(depth)
    fars = jnp.max(depth)
    depth_normalized = 1.0 - (depth - nears) / (fars - nears + EPS_1E10)
    depth_normalized = jnp.clip(depth_normalized, 0.0, 1.0)
    depth = jnp.where(normalize, depth_normalized, depth)
    return depth

if __name__ == "__main__":
    import jax
    _d = setup_inputs()
    print(jax.jit(kernel)(*tuple(_d.values())))

</pallas_src>

<mosaic_0001>
#map = affine_map<(d0, d1) -> (0)>
#map1 = affine_map<(d0, d1) -> (0, 0)>
module attributes {stable_mosaic.version = 14 : i64} {
  func.func @seg_kernel(%arg0: i32, %arg1: i32, %arg2: memref<2097152xi32, #tpu.memory_space<hbm>>, %arg3: memref<2097152xf32, #tpu.memory_space<hbm>>, %arg4: memref<2097152xf32, #tpu.memory_space<hbm>>, %arg5: memref<2097152xf32, #tpu.memory_space<hbm>>, %arg6: memref<32x16384xf32, #tpu.memory_space<hbm>>, %arg7: memref<32x16384xf32, #tpu.memory_space<hbm>>, %arg8: memref<32x16xf32, #tpu.memory_space<hbm>>, %arg9: memref<32x16xf32, #tpu.memory_space<hbm>>, %arg10: memref<8208xi32, #tpu.memory_space<vmem>>, %arg11: memref<8192xf32, #tpu.memory_space<vmem>>, %arg12: memref<8192xf32, #tpu.memory_space<vmem>>, %arg13: memref<8192xf32, #tpu.memory_space<vmem>>, %arg14: memref<8208xi32, #tpu.memory_space<vmem>>, %arg15: memref<8192xf32, #tpu.memory_space<vmem>>, %arg16: memref<8192xf32, #tpu.memory_space<vmem>>, %arg17: memref<8192xf32, #tpu.memory_space<vmem>>, %arg18: memref<16384xf32, #tpu.memory_space<vmem>>, %arg19: memref<16384xf32, #tpu.memory_space<vmem>>, %arg20: memref<16xf32, #tpu.memory_space<vmem>>, %arg21: memref<16xf32, #tpu.memory_space<vmem>>, %arg22: memref<!tpu.dma_semaphore, #tpu.memory_space<semaphore_mem>>, %arg23: memref<!tpu.dma_semaphore, #tpu.memory_space<semaphore_mem>>) attributes {dimension_semantics = [#tpu.dimension_semantics<core_parallel>, #tpu.dimension_semantics<subcore_parallel>], iteration_bounds = array<i64: 2, 16>, scalar_prefetch = 0 : i64, scratch_operands = 14 : i64, tpu.core_type = #tpu.core_type<sc_vector_subcore>, window_params = [{transform_indices = #map}, {transform_indices = #map}, {transform_indices = #map}, {transform_indices = #map}, {transform_indices = #map1}, {transform_indices = #map1}, {transform_indices = #map1}, {transform_indices = #map1}]} {
    %mul3A = arith.constant 2 : i32
    %mul3A_0 = arith.muli %arg1, %mul3A : i32
    %add3A = arith.addi %mul3A_0, %arg0 : i32
    %mul3A_1 = arith.constant 65536 : i32
    %mul3A_2 = arith.muli %add3A, %mul3A_1 : i32
    %broadcast_in_dim3A = arith.constant 0.000000e+00 : f32
    %broadcast_in_dim3A_3 = vector.broadcast %broadcast_in_dim3A : f32 to vector<16xf32>
    %scan3A = arith.constant 0 : i32
    %scan3A_4 = arith.constant 0 : i32
    %scan3A_5 = arith.constant 128 : i32
    %scan3A_6 = arith.addi %scan3A_4, %scan3A_5 : i32
    %scan3A_7 = arith.constant 1 : i32
    scf.for %scan3A_104 = %scan3A_4 to %scan3A_6 step %scan3A_7  : i32 {
      %mul3A_105 = arith.constant 8 : i32
      %mul3A_106 = arith.muli %scan3A_104, %mul3A_105 : i32
      %add3A_107 = arith.constant 0 : i32
      %add3A_108 = arith.addi %mul3A_106, %add3A_107 : i32
      %mul3A_109 = arith.constant 16 : i32
      %mul3A_110 = arith.muli %add3A_108, %mul3A_109 : i32
      %swap3A_111 = arith.index_cast %mul3A_110 : i32 to index
      %swap3A_112 = tpu.vector_load %arg18[%swap3A_111] {strides = array<i32>} : memref<16384xf32, #tpu.memory_space<vmem>>, vector<16xf32>,
      tpu.vector_store %arg18[%swap3A_111], %broadcast_in_dim3A_3 {strides = array<i32>} : memref<16384xf32, #tpu.memory_space<vmem>>, vector<16xf32>,
      %mul3A_113 = arith.constant 8 : i32
      %mul3A_114 = arith.muli %scan3A_104, %mul3A_113 : i32
      %add3A_115 = arith.constant 0 : i32
      %add3A_116 = arith.addi %mul3A_114, %add3A_115 : i32
      %mul3A_117 = arith.constant 16 : i32
      %mul3A_118 = arith.muli %add3A_116, %mul3A_117 : i32
      %swap3A_119 = arith.index_cast %mul3A_118 : i32 to index
      %swap3A_120 = tpu.vector_load %arg19[%swap3A_119] {strides = array<i32>} : memref<16384xf32, #tpu.memory_space<vmem>>, vector<16xf32>,
      tpu.vector_store %arg19[%swap3A_119], %broadcast_in_dim3A_3 {strides = array<i32>} : memref<16384xf32, #tpu.memory_space<vmem>>, vector<16xf32>,
      %mul3A_121 = arith.constant 8 : i32
      %mul3A_122 = arith.muli %scan3A_104, %mul3A_121 : i32
      %add3A_123 = arith.constant 1 : i32
      %add3A_124 = arith.addi %mul3A_122, %add3A_123 : i32
      %mul3A_125 = arith.constant 16 : i32
      %mul3A_126 = arith.muli %add3A_124, %mul3A_125 : i32
      %swap3A_127 = arith.index_cast %mul3A_126 : i32 to index
      %swap3A_128 = tpu.vector_load %arg18[%swap3A_127] {strides = array<i32>} : memref<16384xf32, #tpu.memory_space<vmem>>, vector<16xf32>,
      tpu.vector_store %arg18[%swap3A_127], %broadcast_in_dim3A_3 {strides = array<i32>} : memref<16384xf32, #tpu.memory_space<vmem>>, vector<16xf32>,
      %mul3A_129 = arith.constant 8 : i32
      %mul3A_130 = arith.muli %scan3A_104, %mul3A_129 : i32
      %add3A_131 = arith.constant 1 : i32
      %add3A_132 = arith.addi %mul3A_130, %add3A_131 : i32
      %mul3A_133 = arith.constant 16 : i32
      %mul3A_134 = arith.muli %add3A_132, %mul3A_133 : i32
      %swap3A_135 = arith.index_cast %mul3A_134 : i32 to index
      %swap3A_136 = tpu.vector_load %arg19[%swap3A_135] {strides = array<i32>} : memref<16384xf32, #tpu.memory_space<vmem>>, vector<16xf32>,
      tpu.vector_store %arg19[%swap3A_135], %broadcast_in_dim3A_3 {strides = array<i32>} : memref<16384xf32, #tpu.memory_space<vmem>>, vector<16xf32>,
      %mul3A_137 = arith.constant 8 : i32
      %mul3A_138 = arith.muli %scan3A_104, %mul3A_137 : i32
      %add3A_139 = arith.constant 2 : i32
      %add3A_140 = arith.addi %mul3A_138, %add3A_139 : i32
      %mul3A_141 = arith.constant 16 : i32
      %mul3A_142 = arith.muli %add3A_140, %mul3A_141 : i32
      %swap3A_143 = arith.index_cast %mul3A_142 : i32 to index
      %swap3A_144 = tpu.vector_load %arg18[%swap3A_143] {strides = array<i32>} : memref<16384xf32, #tpu.memory_space<vmem>>, vector<16xf32>,
      tpu.vector_store %arg18[%swap3A_143], %broadcast_in_dim3A_3 {strides = array<i32>} : memref<16384xf32, #tpu.memory_space<vmem>>, vector<16xf32>,
      %mul3A_145 = arith.constant 8 : i32
      %mul3A_146 = arith.muli %scan3A_104, %mul3A_145 : i32
      %add3A_147 = arith.constant 2 : i32
      %add3A_148 = arith.addi %mul3A_146, %add3A_147 : i32
      %mul3A_149 = arith.constant 16 : i32
      %mul3A_150 = arith.muli %add3A_148, %mul3A_149 : i32
      %swap3A_151 = arith.index_cast %mul3A_150 : i32 to index
      %swap3A_152 = tpu.vector_load %arg19[%swap3A_151] {strides = array<i32>} : memref<16384xf32, #tpu.memory_space<vmem>>, vector<16xf32>,
      tpu.vector_store %arg19[%swap3A_151], %broadcast_in_dim3A_3 {strides = array<i32>} : memref<16384xf32, #tpu.memory_space<vmem>>, vector<16xf32>,
      %mul3A_153 = arith.constant 8 : i32
      %mul3A_154 = arith.muli %scan3A_104, %mul3A_153 : i32
      %add3A_155 = arith.constant 3 : i32
      %add3A_156 = arith.addi %mul3A_154, %add3A_155 : i32
      %mul3A_157 = arith.constant 16 : i32
      %mul3A_158 = arith.muli %add3A_156, %mul3A_157 : i32
      %swap3A_159 = arith.index_cast %mul3A_158 : i32 to index
      %swap3A_160 = tpu.vector_load %arg18[%swap3A_159] {strides = array<i32>} : memref<16384xf32, #tpu.memory_space<vmem>>, vector<16xf32>,
      tpu.vector_store %arg18[%swap3A_159], %broadcast_in_dim3A_3 {strides = array<i32>} : memref<16384xf32, #tpu.memory_space<vmem>>, vector<16xf32>,
      %mul3A_161 = arith.constant 8 : i32
      %mul3A_162 = arith.muli %scan3A_104, %mul3A_161 : i32
      %add3A_163 = arith.constant 3 : i32
      %add3A_164 = arith.addi %mul3A_162, %add3A_163 : i32
      %mul3A_165 = arith.constant 16 : i32
      %mul3A_166 = arith.muli %add3A_164, %mul3A_165 : i32
      %swap3A_167 = arith.index_cast %mul3A_166 : i32 to index
      %swap3A_168 = tpu.vector_load %arg19[%swap3A_167] {strides = array<i32>} : memref<16384xf32, #tpu.memory_space<vmem>>, vector<16xf32>,
      tpu.vector_store %arg19[%swap3A_167], %broadcast_in_dim3A_3 {strides = array<i32>} : memref<16384xf32, #tpu.memory_space<vmem>>, vector<16xf32>,
      %mul3A_169 = arith.constant 8 : i32
      %mul3A_170 = arith.muli %scan3A_104, %mul3A_169 : i32
      %add3A_171 = arith.constant 4 : i32
      %add3A_172 = arith.addi %mul3A_170, %add3A_171 : i32
      %mul3A_173 = arith.constant 16 : i32
      %mul3A_174 = arith.muli %add3A_172, %mul3A_173 : i32
      %swap3A_175 = arith.index_cast %mul3A_174 : i32 to index
      %swap3A_176 = tpu.vector_load %arg18[%swap3A_175] {strides = array<i32>} : memref<16384xf32, #tpu.memory_space<vmem>>, vector<16xf32>,
      tpu.vector_store %arg18[%swap3A_175], %broadcast_in_dim3A_3 {strides = array<i32>} : memref<16384xf32, #tpu.memory_space<vmem>>, vector<16xf32>,
      %mul3A_177 = arith.constant 8 : i32
      %mul3A_178 = arith.muli %scan3A_104, %mul3A_177 : i32
      %add3A_179 = arith.constant 4 : i32
      %add3A_180 = arith.addi %mul3A_178, %add3A_179 : i32
      %mul3A_181 = arith.constant 16 : i32
      %mul3A_182 = arith.muli %add3A_180, %mul3A_181 : i32
      %swap3A_183 = arith.index_cast %mul3A_182 : i32 to index
      %swap3A_184 = tpu.vector_load %arg19[%swap3A_183] {strides = array<i32>} : memref<16384xf32, #tpu.memory_space<vmem>>, vector<16xf32>,
      tpu.vector_store %arg19[%swap3A_183], %broadcast_in_dim3A_3 {strides = array<i32>} : memref<16384xf32, #tpu.memory_space<vmem>>, vector<16xf32>,
      %mul3A_185 = arith.constant 8 : i32
      %mul3A_186 = arith.muli %scan3A_104, %mul3A_185 : i32
      %add3A_187 = arith.constant 5 : i32
      %add3A_188 = arith.addi %mul3A_186, %add3A_187 : i32
      %mul3A_189 = arith.constant 16 : i32
      %mul3A_190 = arith.muli %add3A_188, %mul3A_189 : i32
      %swap3A_191 = arith.index_cast %mul3A_190 : i32 to index
      %swap3A_192 = tpu.vector_load %arg18[%swap3A_191] {strides = array<i32>} : memref<16384xf32, #tpu.memory_space<vmem>>, vector<16xf32>,
      tpu.vector_store %arg18[%swap3A_191], %broadcast_in_dim3A_3 {strides = array<i32>} : memref<16384xf32, #tpu.memory_space<vmem>>, vector<16xf32>,
      %mul3A_193 = arith.constant 8 : i32
      %mul3A_194 = arith.muli %scan3A_104, %mul3A_193 : i32
      %add3A_195 = arith.constant 5 : i32
      %add3A_196 = arith.addi %mul3A_194, %add3A_195 : i32
      %mul3A_197 = arith.constant 16 : i32
      %mul3A_198 = arith.muli %add3A_196, %mul3A_197 : i32
      %swap3A_199 = arith.index_cast %mul3A_198 : i32 to index
      %swap3A_200 = tpu.vector_load %arg19[%swap3A_199] {strides = array<i32>} : memref<16384xf32, #tpu.memory_space<vmem>>, vector<16xf32>,
      tpu.vector_store %arg19[%swap3A_199], %broadcast_in_dim3A_3 {strides = array<i32>} : memref<16384xf32, #tpu.memory_space<vmem>>, vector<16xf32>,
      %mul3A_201 = arith.constant 8 : i32
      %mul3A_202 = arith.muli %scan3A_104, %mul3A_201 : i32
      %add3A_203 = arith.constant 6 : i32
      %add3A_204 = arith.addi %mul3A_202, %add3A_203 : i32
      %mul3A_205 = arith.constant 16 : i32
      %mul3A_206 = arith.muli %add3A_204, %mul3A_205 : i32
      %swap3A_207 = arith.index_cast %mul3A_206 : i32 to index
      %swap3A_208 = tpu.vector_load %arg18[%swap3A_207] {strides = array<i32>} : memref<16384xf32, #tpu.memory_space<vmem>>, vector<16xf32>,
      tpu.vector_store %arg18[%swap3A_207], %broadcast_in_dim3A_3 {strides = array<i32>} : memref<16384xf32, #tpu.memory_space<vmem>>, vector<16xf32>,
      %mul3A_209 = arith.constant 8 : i32
      %mul3A_210 = arith.muli %scan3A_104, %mul3A_209 : i32
      %add3A_211 = arith.constant 6 : i32
      %add3A_212 = arith.addi %mul3A_210, %add3A_211 : i32
      %mul3A_213 = arith.constant 16 : i32
      %mul3A_214 = arith.muli %add3A_212, %mul3A_213 : i32
      %swap3A_215 = arith.index_cast %mul3A_214 : i32 to index
      %swap3A_216 = tpu.vector_load %arg19[%swap3A_215] {strides = array<i32>} : memref<16384xf32, #tpu.memory_space<vmem>>, vector<16xf32>,
      tpu.vector_store %arg19[%swap3A_215], %broadcast_in_dim3A_3 {strides = array<i32>} : memref<16384xf32, #tpu.memory_space<vmem>>, vector<16xf32>,
      %mul3A_217 = arith.constant 8 : i32
      %mul3A_218 = arith.muli %scan3A_104, %mul3A_217 : i32
      %add3A_219 = arith.constant 7 : i32
      %add3A_220 = arith.addi %mul3A_218, %add3A_219 : i32
      %mul3A_221 = arith.constant 16 : i32
      %mul3A_222 = arith.muli %add3A_220, %mul3A_221 : i32
      %swap3A_223 = arith.index_cast %mul3A_222 : i32 to index
      %swap3A_224 = tpu.vector_load %arg18[%swap3A_223] {strides = array<i32>} : memref<16384xf32, #tpu.memory_space<vmem>>, vector<16xf32>,
      tpu.vector_store %arg18[%swap3A_223], %broadcast_in_dim3A_3 {strides = array<i32>} : memref<16384xf32, #tpu.memory_space<vmem>>, vector<16xf32>,
      %mul3A_225 = arith.constant 8 : i32
      %mul3A_226 = arith.muli %scan3A_104, %mul3A_225 : i32
      %add3A_227 = arith.constant 7 : i32
      %add3A_228 = arith.addi %mul3A_226, %add3A_227 : i32
      %mul3A_229 = arith.constant 16 : i32
      %mul3A_230 = arith.muli %add3A_228, %mul3A_229 : i32
      %swap3A_231 = arith.index_cast %mul3A_230 : i32 to index
      %swap3A_232 = tpu.vector_load %arg19[%swap3A_231] {strides = array<i32>} : memref<16384xf32, #tpu.memory_space<vmem>>, vector<16xf32>,
      tpu.vector_store %arg19[%swap3A_231], %broadcast_in_dim3A_3 {strides = array<i32>} : memref<16384xf32, #tpu.memory_space<vmem>>, vector<16xf32>,
    }
    %scan3A_8 = arith.constant 128 : i32
    %iota3A = tpu.iota {dimensions = array<i32: 0>} : vector<16xi32>
    %broadcast_in_dim3A_9 = arith.constant 15 : i32
    %broadcast_in_dim3A_10 = vector.broadcast %broadcast_in_dim3A_9 : i32 to vector<16xi32>
    %add3A_11 = arith.constant 1 : i32
    %add3A_12 = vector.broadcast %add3A_11 : i32 to vector<16xi32>
    %add3A_13 = arith.addi %iota3A, %add3A_12 : vector<16xi32>
    %min3A = arith.constant 15 : i32
    %min3A_14 = vector.broadcast %min3A : i32 to vector<16xi32>
    %min3A_15 = arith.minsi %add3A_13, %min3A_14 : vector<16xi32>
    %eq3A = arith.constant 15 : i32
    %eq3A_16 = vector.broadcast %eq3A : i32 to vector<16xi32>
    %eq3A_17 = arith.cmpi eq, %iota3A, %eq3A_16 : vector<16xi32>
    %broadcast_in_dim3A_18 = arith.constant 0x7F800000 : f32
    %broadcast_in_dim3A_19 = vector.broadcast %broadcast_in_dim3A_18 : f32 to vector<16xf32>
    %neg3A = arith.constant 0.000000e+00 : f32
    %neg3A_20 = vector.broadcast %neg3A : f32 to vector<16xf32>
    %neg3A_21 = arith.subf %neg3A_20, %broadcast_in_dim3A_19 : vector<16xf32>
    %add3A_22 = arith.constant 0 : i32
    %add3A_23 = arith.addi %mul3A_2, %add3A_22 : i32
    %dma_start3A = arith.constant 0 : i32
    %dma_start3A_24 = tpu.memref_slice %arg10[%dma_start3A] : memref<8208xi32, #tpu.memory_space<vmem>> -> memref<8192xi32, #tpu.memory_space<vmem>>
    %dma_start3A_25 = tpu.memref_slice %arg2[%add3A_23] : memref<2097152xi32, #tpu.memory_space<hbm>> -> memref<8192xi32, #tpu.memory_space<hbm>>
    %dma_start3A_26 = arith.constant 0 : i32
    %dma_start3A_27 = tpu.memref_slice %arg10[%dma_start3A_26] : memref<8208xi32, #tpu.memory_space<vmem>> -> memref<8192xi32, #tpu.memory_space<vmem>>
    %dma_start3A_28 = tpu.memref_slice %arg2[%add3A_23] : memref<2097152xi32, #tpu.memory_space<hbm>> -> memref<8192xi32, #tpu.memory_space<hbm>>
    tpu.enqueue_dma source(%dma_start3A_28 : memref<8192xi32, #tpu.memory_space<hbm>>) target(%dma_start3A_27 : memref<8192xi32, #tpu.memory_space<vmem>>) target_semaphore(%arg22 : memref<!tpu.dma_semaphore, #tpu.memory_space<semaphore_mem>>)
    %dma_start3A_29 = tpu.memref_slice %arg3[%add3A_23] : memref<2097152xf32, #tpu.memory_space<hbm>> -> memref<8192xf32, #tpu.memory_space<hbm>>
    %dma_start3A_30 = tpu.memref_slice %arg3[%add3A_23] : memref<2097152xf32, #tpu.memory_space<hbm>> -> memref<8192xf32, #tpu.memory_space<hbm>>
    tpu.enqueue_dma source(%dma_start3A_30 : memref<8192xf32, #tpu.memory_space<hbm>>) target(%arg11 : memref<8192xf32, #tpu.memory_space<vmem>>) target_semaphore(%arg22 : memref<!tpu.dma_semaphore, #tpu.memory_space<semaphore_mem>>)
    %dma_start3A_31 = tpu.memref_slice %arg4[%add3A_23] : memref<2097152xf32, #tpu.memory_space<hbm>> -> memref<8192xf32, #tpu.memory_space<hbm>>
    %dma_start3A_32 = tpu.memref_slice %arg4[%add3A_23] : memref<2097152xf32, #tpu.memory_space<hbm>> -> memref<8192xf32, #tpu.memory_space<hbm>>
    tpu.enqueue_dma source(%dma_start3A_32 : memref<8192xf32, #tpu.memory_space<hbm>>) target(%arg12 : memref<8192xf32, #tpu.memory_space<vmem>>) target_semaphore(%arg22 : memref<!tpu.dma_semaphore, #tpu.memory_space<semaphore_mem>>)
    %dma_start3A_33 = tpu.memref_slice %arg5[%add3A_23] : memref<2097152xf32, #tpu.memory_space<hbm>> -> memref<8192xf32, #tpu.memory_space<hbm>>
    %dma_start3A_34 = tpu.memref_slice %arg5[%add3A_23] : memref<2097152xf32, #tpu.memory_space<hbm>> -> memref<8192xf32, #tpu.memory_space<hbm>>
    tpu.enqueue_dma source(%dma_start3A_34 : memref<8192xf32, #tpu.memory_space<hbm>>) target(%arg13 : memref<8192xf32, #tpu.memory_space<vmem>>) target_semaphore(%arg22 : memref<!tpu.dma_semaphore, #tpu.memory_space<semaphore_mem>>)
    %scan3A_35 = arith.constant 0 : i32
    %scan3A_36 = arith.constant 4 : i32
    %scan3A_37 = arith.addi %scan3A_35, %scan3A_36 : i32
    %scan3A_38 = arith.constant 1 : i32
    %scan3A_39:4 = scf.for %scan3A_104 = %scan3A_35 to %scan3A_37 step %scan3A_38 iter_args(%scan3A_105 = %broadcast_in_dim3A_19, %scan3A_106 = %neg3A_21, %scan3A_107 = %broadcast_in_dim3A_3, %scan3A_108 = %broadcast_in_dim3A_3) -> (vector<16xf32>, vector<16xf32>, vector<16xf32>, vector<16xf32>)  : i32 {
      %mul3A_109 = arith.constant 2 : i32
      %mul3A_110 = arith.muli %mul3A_109, %scan3A_104 : i32
      %mul3A_111 = arith.constant 8192 : i32
      %mul3A_112 = arith.muli %mul3A_110, %mul3A_111 : i32
      %add3A_113 = arith.addi %mul3A_2, %mul3A_112 : i32
      %dma_wait3A_114 = arith.constant 0 : i32
      %dma_wait3A_115 = tpu.memref_slice %arg10[%dma_wait3A_114] : memref<8208xi32, #tpu.memory_space<vmem>> -> memref<8192xi32, #tpu.memory_space<vmem>>
      %dma_wait3A_116 = tpu.memref_slice %arg2[%add3A_113] : memref<2097152xi32, #tpu.memory_space<hbm>> -> memref<8192xi32, #tpu.memory_space<hbm>>
      %dma_wait3A_117 = arith.constant 0 : i32
      %dma_wait3A_118 = tpu.memref_slice %arg10[%dma_wait3A_117] : memref<8208xi32, #tpu.memory_space<vmem>> -> memref<8192xi32, #tpu.memory_space<vmem>>
      %dma_wait3A_119 = tpu.memref_slice %arg2[%add3A_113] : memref<2097152xi32, #tpu.memory_space<hbm>> -> memref<8192xi32, #tpu.memory_space<hbm>>
      tpu.wait_dma2 semaphore(%arg22 : memref<!tpu.dma_semaphore, #tpu.memory_space<semaphore_mem>>) src(%dma_wait3A_119 : memref<8192xi32, #tpu.memory_space<hbm>>) dst(%dma_wait3A_118 : memref<8192xi32, #tpu.memory_space<vmem>>)
      %dma_wait3A_120 = tpu.memref_slice %arg3[%add3A_113] : memref<2097152xf32, #tpu.memory_space<hbm>> -> memref<8192xf32, #tpu.memory_space<hbm>>
      %dma_wait3A_121 = tpu.memref_slice %arg3[%add3A_113] : memref<2097152xf32, #tpu.memory_space<hbm>> -> memref<8192xf32, #tpu.memory_space<hbm>>
      tpu.wait_dma2 semaphore(%arg22 : memref<!tpu.dma_semaphore, #tpu.memory_space<semaphore_mem>>) src(%dma_wait3A_121 : memref<8192xf32, #tpu.memory_space<hbm>>) dst(%arg11 : memref<8192xf32, #tpu.memory_space<vmem>>)
      %dma_wait3A_122 = tpu.memref_slice %arg4[%add3A_113] : memref<2097152xf32, #tpu.memory_space<hbm>> -> memref<8192xf32, #tpu.memory_space<hbm>>
      %dma_wait3A_123 = tpu.memref_slice %arg4[%add3A_113] : memref<2097152xf32, #tpu.memory_space<hbm>> -> memref<8192xf32, #tpu.memory_space<hbm>>
      tpu.wait_dma2 semaphore(%arg22 : memref<!tpu.dma_semaphore, #tpu.memory_space<semaphore_mem>>) src(%dma_wait3A_123 : memref<8192xf32, #tpu.memory_space<hbm>>) dst(%arg12 : memref<8192xf32, #tpu.memory_space<vmem>>)
      %dma_wait3A_124 = tpu.memref_slice %arg5[%add3A_113] : memref<2097152xf32, #tpu.memory_space<hbm>> -> memref<8192xf32, #tpu.memory_space<hbm>>
      %dma_wait3A_125 = tpu.memref_slice %arg5[%add3A_113] : memref<2097152xf32, #tpu.memory_space<hbm>> -> memref<8192xf32, #tpu.memory_space<hbm>>
      tpu.wait_dma2 semaphore(%arg22 : memref<!tpu.dma_semaphore, #tpu.memory_space<semaphore_mem>>) src(%dma_wait3A_125 : memref<8192xf32, #tpu.memory_space<hbm>>) dst(%arg13 : memref<8192xf32, #tpu.memory_space<vmem>>)
      %add3A_126 = arith.constant 1 : i32
      %add3A_127 = arith.addi %mul3A_110, %add3A_126 : i32
      %mul3A_128 = arith.constant 8192 : i32
      %mul3A_129 = arith.muli %add3A_127, %mul3A_128 : i32
      %add3A_130 = arith.addi %mul3A_2, %mul3A_129 : i32
      %dma_start3A_131 = arith.constant 0 : i32
      %dma_start3A_132 = tpu.memref_slice %arg14[%dma_start3A_131] : memref<8208xi32, #tpu.memory_space<vmem>> -> memref<8192xi32, #tpu.memory_space<vmem>>
      %dma_start3A_133 = tpu.memref_slice %arg2[%add3A_130] : memref<2097152xi32, #tpu.memory_space<hbm>> -> memref<8192xi32, #tpu.memory_space<hbm>>
      %dma_start3A_134 = arith.constant 0 : i32
      %dma_start3A_135 = tpu.memref_slice %arg14[%dma_start3A_134] : memref<8208xi32, #tpu.memory_space<vmem>> -> memref<8192xi32, #tpu.memory_space<vmem>>
      %dma_start3A_136 = tpu.memref_slice %arg2[%add3A_130] : memref<2097152xi32, #tpu.memory_space<hbm>> -> memref<8192xi32, #tpu.memory_space<hbm>>
      tpu.enqueue_dma source(%dma_start3A_136 : memref<8192xi32, #tpu.memory_space<hbm>>) target(%dma_start3A_135 : memref<8192xi32, #tpu.memory_space<vmem>>) target_semaphore(%arg23 : memref<!tpu.dma_semaphore, #tpu.memory_space<semaphore_mem>>)
      %dma_start3A_137 = tpu.memref_slice %arg3[%add3A_130] : memref<2097152xf32, #tpu.memory_space<hbm>> -> memref<8192xf32, #tpu.memory_space<hbm>>
      %dma_start3A_138 = tpu.memref_slice %arg3[%add3A_130] : memref<2097152xf32, #tpu.memory_space<hbm>> -> memref<8192xf32, #tpu.memory_space<hbm>>
      tpu.enqueue_dma source(%dma_start3A_138 : memref<8192xf32, #tpu.memory_space<hbm>>) target(%arg15 : memref<8192xf32, #tpu.memory_space<vmem>>) target_semaphore(%arg23 : memref<!tpu.dma_semaphore, #tpu.memory_space<semaphore_mem>>)
      %dma_start3A_139 = tpu.memref_slice %arg4[%add3A_130] : memref<2097152xf32, #tpu.memory_space<hbm>> -> memref<8192xf32, #tpu.memory_space<hbm>>
      %dma_start3A_140 = tpu.memref_slice %arg4[%add3A_130] : memref<2097152xf32, #tpu.memory_space<hbm>> -> memref<8192xf32, #tpu.memory_space<hbm>>
      tpu.enqueue_dma source(%dma_start3A_140 : memref<8192xf32, #tpu.memory_space<hbm>>) target(%arg16 : memref<8192xf32, #tpu.memory_space<vmem>>) target_semaphore(%arg23 : memref<!tpu.dma_semaphore, #tpu.memory_space<semaphore_mem>>)
      %dma_start3A_141 = tpu.memref_slice %arg5[%add3A_130] : memref<2097152xf32, #tpu.memory_space<hbm>> -> memref<8192xf32, #tpu.memory_space<hbm>>
      %dma_start3A_142 = tpu.memref_slice %arg5[%add3A_130] : memref<2097152xf32, #tpu.memory_space<hbm>> -> memref<8192xf32, #tpu.memory_space<hbm>>
      tpu.enqueue_dma source(%dma_start3A_142 : memref<8192xf32, #tpu.memory_space<hbm>>) target(%arg17 : memref<8192xf32, #tpu.memory_space<vmem>>) target_semaphore(%arg23 : memref<!tpu.dma_semaphore, #tpu.memory_space<semaphore_mem>>)
      %scan3A_143 = arith.constant 0 : i32
      %scan3A_144 = arith.constant 64 : i32
      %scan3A_145 = arith.addi %scan3A_143, %scan3A_144 : i32
      %scan3A_146 = arith.constant 1 : i32
      %scan3A_147:4 = scf.for %scan3A_174 = %scan3A_143 to %scan3A_145 step %scan3A_146 iter_args(%scan3A_175 = %scan3A_105, %scan3A_176 = %scan3A_106, %scan3A_177 = %scan3A_107, %scan3A_178 = %scan3A_108) -> (vector<16xf32>, vector<16xf32>, vector<16xf32>, vector<16xf32>)  : i32 {
        %mul3A_179 = arith.constant 8 : i32
        %mul3A_180 = arith.muli %scan3A_174, %mul3A_179 : i32
        %add3A_181 = arith.constant 0 : i32
        %add3A_182 = arith.addi %mul3A_180, %add3A_181 : i32
        %mul3A_183 = arith.constant 16 : i32
        %mul3A_184 = arith.muli %add3A_182, %mul3A_183 : i32
        %get3A = arith.index_cast %mul3A_184 : i32 to index
        %get3A_185 = tpu.vector_load %arg10[%get3A] {strides = array<i32>} : memref<8208xi32, #tpu.memory_space<vmem>>, vector<16xi32>,
        %lt3A_186 = arith.constant 0 : i32
        %lt3A_187 = vector.broadcast %lt3A_186 : i32 to vector<16xi32>
        %lt3A_188 = arith.cmpi slt, %min3A_15, %lt3A_187 : vector<16xi32>
        %add3A_189 = arith.constant 16 : i32
        %add3A_190 = vector.broadcast %add3A_189 : i32 to vector<16xi32>
        %add3A_191 = arith.addi %min3A_15, %add3A_190 : vector<16xi32>
        %select_n3A = arith.select %lt3A_188, %add3A_191, %min3A_15 : vector<16xi1>, vector<16xi32>
        %broadcast_in_dim3A_192 = vector.shape_cast %select_n3A : vector<16xi32> to vector<16x1xi32>
        %gather3A = vector.shape_cast %broadcast_in_dim3A_192 : vector<16x1xi32> to vector<16xi32>
        %gather3A_193 = tpu.dynamic_gather %get3A_185[%gather3A] in [0] : vector<16xi32>, vector<16xi32> -> vector<16xi32>
        %get3A_194 = arith.index_cast %mul3A_184 : i32 to index
        %get3A_195 = tpu.vector_load %arg11[%get3A_194] {strides = array<i32>} : memref<8192xf32, #tpu.memory_space<vmem>>, vector<16xf32>,
        %get3A_196 = arith.index_cast %mul3A_184 : i32 to index
        %get3A_197 = tpu.vector_load %arg12[%get3A_196] {strides = array<i32>} : memref<8192xf32, #tpu.memory_space<vmem>>, vector<16xf32>,
        %get3A_198 = arith.index_cast %mul3A_184 : i32 to index
        %get3A_199 = tpu.vector_load %arg13[%get3A_198] {strides = array<i32>} : memref<8192xf32, #tpu.memory_space<vmem>>, vector<16xf32>,
        %add3A_200 = arith.addf %get3A_197, %get3A_199 : vector<16xf32>
        %mul3A_201 = arith.constant 5.000000e-01 : f32
        %mul3A_202 = vector.broadcast %mul3A_201 : f32 to vector<16xf32>
        %mul3A_203 = arith.mulf %add3A_200, %mul3A_202 : vector<16xf32>
        %mul3A_204 = arith.mulf %get3A_195, %mul3A_203 : vector<16xf32>
        %broadcast_in_dim3A_205 = arith.constant true
        %broadcast_in_dim3A_206 = vector.broadcast %broadcast_in_dim3A_205 : i1 to vector<16xi1>
        %masked_cumsum3A = tpu.scan <sum>, %mul3A_204 masked %broadcast_in_dim3A_206 : vector<16xf32>, vector<16xi1> -> vector<16xf32>
        %broadcast_in_dim3A_207 = arith.constant true
        %broadcast_in_dim3A_208 = vector.broadcast %broadcast_in_dim3A_207 : i1 to vector<16xi1>
        %masked_cumsum3A_209 = tpu.scan <sum>, %get3A_195 masked %broadcast_in_dim3A_208 : vector<16xf32>, vector<16xi1> -> vector<16xf32>
        %lt3A_210 = arith.constant 0 : i32
        %lt3A_211 = vector.broadcast %lt3A_210 : i32 to vector<16xi32>
        %lt3A_212 = arith.cmpi slt, %broadcast_in_dim3A_10, %lt3A_211 : vector<16xi32>
        %add3A_213 = arith.constant 16 : i32
        %add3A_214 = vector.broadcast %add3A_213 : i32 to vector<16xi32>
        %add3A_215 = arith.addi %broadcast_in_dim3A_10, %add3A_214 : vector<16xi32>
        %select_n3A_216 = arith.select %lt3A_212, %add3A_215, %broadcast_in_dim3A_10 : vector<16xi1>, vector<16xi32>
        %broadcast_in_dim3A_217 = vector.shape_cast %select_n3A_216 : vector<16xi32> to vector<16x1xi32>
        %gather3A_218 = vector.shape_cast %broadcast_in_dim3A_217 : vector<16x1xi32> to vector<16xi32>
        %gather3A_219 = tpu.dynamic_gather %masked_cumsum3A[%gather3A_218] in [0] : vector<16xf32>, vector<16xi32> -> vector<16xf32>
        %lt3A_220 = arith.constant 0 : i32
        %lt3A_221 = vector.broadcast %lt3A_220 : i32 to vector<16xi32>
        %lt3A_222 = arith.cmpi slt, %broadcast_in_dim3A_10, %lt3A_221 : vector<16xi32>
        %add3A_223 = arith.constant 16 : i32
        %add3A_224 = vector.broadcast %add3A_223 : i32 to vector<16xi32>
        %add3A_225 = arith.addi %broadcast_in_dim3A_10, %add3A_224 : vector<16xi32>
        %select_n3A_226 = arith.select %lt3A_222, %add3A_225, %broadcast_in_dim3A_10 : vector<16xi1>, vector<16xi32>
        %broadcast_in_dim3A_227 = vector.shape_cast %select_n3A_226 : vector<16xi32> to vector<16x1xi32>
        %gather3A_228 = vector.shape_cast %broadcast_in_dim3A_227 : vector<16x1xi32> to vector<16xi32>
        %gather3A_229 = tpu.dynamic_gather %masked_cumsum3A_209[%gather3A_228] in [0] : vector<16xf32>, vector<16xi32> -> vector<16xf32>
        %ne3A = arith.cmpi ne, %get3A_185, %gather3A_193 : vector<16xi32>
        %or3A = arith.ori %ne3A, %eq3A_17 : vector<16xi1>
        %min3A_230 = arith.minimumf %scan3A_175, %mul3A_203 : vector<16xf32>
        %max3A_231 = arith.maximumf %scan3A_176, %mul3A_203 : vector<16xf32>
        %mul3A_232 = arith.constant 8 : i32
        %mul3A_233 = arith.muli %scan3A_174, %mul3A_232 : i32
        %add3A_234 = arith.constant 1 : i32
        %add3A_235 = arith.addi %mul3A_233, %add3A_234 : i32
        %mul3A_236 = arith.constant 16 : i32
        %mul3A_237 = arith.muli %add3A_235, %mul3A_236 : i32
        %get3A_238 = arith.index_cast %mul3A_237 : i32 to index
        %get3A_239 = tpu.vector_load %arg10[%get3A_238] {strides = array<i32>} : memref<8208xi32, #tpu.memory_space<vmem>>, vector<16xi32>,
        %lt3A_240 = arith.constant 0 : i32
        %lt3A_241 = vector.broadcast %lt3A_240 : i32 to vector<16xi32>
        %lt3A_242 = arith.cmpi slt, %min3A_15, %lt3A_241 : vector<16xi32>
        %add3A_243 = arith.constant 16 : i32
        %add3A_244 = vector.broadcast %add3A_243 : i32 to vector<16xi32>
        %add3A_245 = arith.addi %min3A_15, %add3A_244 : vector<16xi32>
        %select_n3A_246 = arith.select %lt3A_242, %add3A_245, %min3A_15 : vector<16xi1>, vector<16xi32>
        %broadcast_in_dim3A_247 = vector.shape_cast %select_n3A_246 : vector<16xi32> to vector<16x1xi32>
        %gather3A_248 = vector.shape_cast %broadcast_in_dim3A_247 : vector<16x1xi32> to vector<16xi32>
        %gather3A_249 = tpu.dynamic_gather %get3A_239[%gather3A_248] in [0] : vector<16xi32>, vector<16xi32> -> vector<16xi32>
        %get3A_250 = arith.index_cast %mul3A_237 : i32 to index
        %get3A_251 = tpu.vector_load %arg11[%get3A_250] {strides = array<i32>} : memref<8192xf32, #tpu.memory_space<vmem>>, vector<16xf32>,
        %get3A_252 = arith.index_cast %mul3A_237 : i32 to index
        %get3A_253 = tpu.vector_load %arg12[%get3A_252] {strides = array<i32>} : memref<8192xf32, #tpu.memory_space<vmem>>, vector<16xf32>,
        %get3A_254 = arith.index_cast %mul3A_237 : i32 to index
        %get3A_255 = tpu.vector_load %arg13[%get3A_254] {strides = array<i32>} : memref<8192xf32, #tpu.memory_space<vmem>>, vector<16xf32>,
        %add3A_256 = arith.addf %get3A_253, %get3A_255 : vector<16xf32>
        %mul3A_257 = arith.constant 5.000000e-01 : f32
        %mul3A_258 = vector.broadcast %mul3A_257 : f32 to vector<16xf32>
        %mul3A_259 = arith.mulf %add3A_256, %mul3A_258 : vector<16xf32>
        %mul3A_260 = arith.mulf %get3A_251, %mul3A_259 : vector<16xf32>
        %broadcast_in_dim3A_261 = arith.constant true
        %broadcast_in_dim3A_262 = vector.broadcast %broadcast_in_dim3A_261 : i1 to vector<16xi1>
        %masked_cumsum3A_263 = tpu.scan <sum>, %mul3A_260 masked %broadcast_in_dim3A_262 : vector<16xf32>, vector<16xi1> -> vector<16xf32>
        %broadcast_in_dim3A_264 = arith.constant true
        %broadcast_in_dim3A_265 = vector.broadcast %broadcast_in_dim3A_264 : i1 to vector<16xi1>
        %masked_cumsum3A_266 = tpu.scan <sum>, %get3A_251 masked %broadcast_in_dim3A_265 : vector<16xf32>, vector<16xi1> -> vector<16xf32>
        %lt3A_267 = arith.constant 0 : i32
        %lt3A_268 = vector.broadcast %lt3A_267 : i32 to vector<16xi32>
        %lt3A_269 = arith.cmpi slt, %broadcast_in_dim3A_10, %lt3A_268 : vector<16xi32>
        %add3A_270 = arith.constant 16 : i32
        %add3A_271 = vector.broadcast %add3A_270 : i32 to vector<16xi32>
        %add3A_272 = arith.addi %broadcast_in_dim3A_10, %add3A_271 : vector<16xi32>
        %select_n3A_273 = arith.select %lt3A_269, %add3A_272, %broadcast_in_dim3A_10 : vector<16xi1>, vector<16xi32>
        %broadcast_in_dim3A_274 = vector.shape_cast %select_n3A_273 : vector<16xi32> to vector<16x1xi32>
        %gather3A_275 = vector.shape_cast %broadcast_in_dim3A_274 : vector<16x1xi32> to vector<16xi32>
        %gather3A_276 = tpu.dynamic_gather %masked_cumsum3A_263[%gather3A_275] in [0] : vector<16xf32>, vector<16xi32> -> vector<16xf32>
        %lt3A_277 = arith.constant 0 : i32
        %lt3A_278 = vector.broadcast %lt3A_277 : i32 to vector<16xi32>
        %lt3A_279 = arith.cmpi slt, %broadcast_in_dim3A_10, %lt3A_278 : vector<16xi32>
        %add3A_280 = arith.constant 16 : i32
        %add3A_281 = vector.broadcast %add3A_280 : i32 to vector<16xi32>
        %add3A_282 = arith.addi %broadcast_in_dim3A_10, %add3A_281 : vector<16xi32>
        %select_n3A_283 = arith.select %lt3A_279, %add3A_282, %broadcast_in_dim3A_10 : vector<16xi1>, vector<16xi32>
        %broadcast_in_dim3A_284 = vector.shape_cast %select_n3A_283 : vector<16xi32> to vector<16x1xi32>
        %gather3A_285 = vector.shape_cast %broadcast_in_dim3A_284 : vector<16x1xi32> to vector<16xi32>
        %gather3A_286 = tpu.dynamic_gather %masked_cumsum3A_266[%gather3A_285] in [0] : vector<16xf32>, vector<16xi32> -> vector<16xf32>
        %ne3A_287 = arith.cmpi ne, %get3A_239, %gather3A_249 : vector<16xi32>
        %or3A_288 = arith.ori %ne3A_287, %eq3A_17 : vector<16xi1>
        %min3A_289 = arith.minimumf %min3A_230, %mul3A_259 : vector<16xf32>
        %max3A_290 = arith.maximumf %max3A_231, %mul3A_259 : vector<16xf32>
        %mul3A_291 = arith.constant 8 : i32
        %mul3A_292 = arith.muli %scan3A_174, %mul3A_291 : i32
        %add3A_293 = arith.constant 2 : i32
        %add3A_294 = arith.addi %mul3A_292, %add3A_293 : i32
        %mul3A_295 = arith.constant 16 : i32
        %mul3A_296 = arith.muli %add3A_294, %mul3A_295 : i32
        %get3A_297 = arith.index_cast %mul3A_296 : i32 to index
        %get3A_298 = tpu.vector_load %arg10[%get3A_297] {strides = array<i32>} : memref<8208xi32, #tpu.memory_space<vmem>>, vector<16xi32>,
        %lt3A_299 = arith.constant 0 : i32
        %lt3A_300 = vector.broadcast %lt3A_299 : i32 to vector<16xi32>
        %lt3A_301 = arith.cmpi slt, %min3A_15, %lt3A_300 : vector<16xi32>
        %add3A_302 = arith.constant 16 : i32
        %add3A_303 = vector.broadcast %add3A_302 : i32 to vector<16xi32>
        %add3A_304 = arith.addi %min3A_15, %add3A_303 : vector<16xi32>
        %select_n3A_305 = arith.select %lt3A_301, %add3A_304, %min3A_15 : vector<16xi1>, vector<16xi32>
        %broadcast_in_dim3A_306 = vector.shape_cast %select_n3A_305 : vector<16xi32> to vector<16x1xi32>
        %gather3A_307 = vector.shape_cast %broadcast_in_dim3A_306 : vector<16x1xi32> to vector<16xi32>
        %gather3A_308 = tpu.dynamic_gather %get3A_298[%gather3A_307] in [0] : vector<16xi32>, vector<16xi32> -> vector<16xi32>
        %get3A_309 = arith.index_cast %mul3A_296 : i32 to index
        %get3A_310 = tpu.vector_load %arg11[%get3A_309] {strides = array<i32>} : memref<8192xf32, #tpu.memory_space<vmem>>, vector<16xf32>,
        %get3A_311 = arith.index_cast %mul3A_296 : i32 to index
        %get3A_312 = tpu.vector_load %arg12[%get3A_311] {strides = array<i32>} : memref<8192xf32, #tpu.memory_space<vmem>>, vector<16xf32>,
        %get3A_313 = arith.index_cast %mul3A_296 : i32 to index
        %get3A_314 = tpu.vector_load %arg13[%get3A_313] {strides = array<i32>} : memref<8192xf32, #tpu.memory_space<vmem>>, vector<16xf32>,
        %add3A_315 = arith.addf %get3A_312, %get3A_314 : vector<16xf32>
        %mul3A_316 = arith.constant 5.000000e-01 : f32
        %mul3A_317 = vector.broadcast %mul3A_316 : f32 to vector<16xf32>
        %mul3A_318 = arith.mulf %add3A_315, %mul3A_317 : vector<16xf32>
        %mul3A_319 = arith.mulf %get3A_310, %mul3A_318 : vector<16xf32>
        %broadcast_in_dim3A_320 = arith.constant true
        %broadcast_in_dim3A_321 = vector.broadcast %broadcast_in_dim3A_320 : i1 to vector<16xi1>
        %masked_cumsum3A_322 = tpu.scan <sum>, %mul3A_319 masked %broadcast_in_dim3A_321 : vector<16xf32>, vector<16xi1> -> vector<16xf32>
        %broadcast_in_dim3A_323 = arith.constant true
        %broadcast_in_dim3A_324 = vector.broadcast %broadcast_in_dim3A_323 : i1 to vector<16xi1>
        %masked_cumsum3A_325 = tpu.scan <sum>, %get3A_310 masked %broadcast_in_dim3A_324 : vector<16xf32>, vector<16xi1> -> vector<16xf32>
        %lt3A_326 = arith.constant 0 : i32
        %lt3A_327 = vector.broadcast %lt3A_326 : i32 to vector<16xi32>
        %lt3A_328 = arith.cmpi slt, %broadcast_in_dim3A_10, %lt3A_327 : vector<16xi32>
        %add3A_329 = arith.constant 16 : i32
        %add3A_330 = vector.broadcast %add3A_329 : i32 to vector<16xi32>
        %add3A_331 = arith.addi %broadcast_in_dim3A_10, %add3A_330 : vector<16xi32>
        %select_n3A_332 = arith.select %lt3A_328, %add3A_331, %broadcast_in_dim3A_10 : vector<16xi1>, vector<16xi32>
        %broadcast_in_dim3A_333 = vector.shape_cast %select_n3A_332 : vector<16xi32> to vector<16x1xi32>
        %gather3A_334 = vector.shape_cast %broadcast_in_dim3A_333 : vector<16x1xi32> to vector<16xi32>
        %gather3A_335 = tpu.dynamic_gather %masked_cumsum3A_322[%gather3A_334] in [0] : vector<16xf32>, vector<16xi32> -> vector<16xf32>
        %lt3A_336 = arith.constant 0 : i32
        %lt3A_337 = vector.broadcast %lt3A_336 : i32 to vector<16xi32>
        %lt3A_338 = arith.cmpi slt, %broadcast_in_dim3A_10, %lt3A_337 : vector<16xi32>
        %add3A_339 = arith.constant 16 : i32
        %add3A_340 = vector.broadcast %add3A_339 : i32 to vector<16xi32>
        %add3A_341 = arith.addi %broadcast_in_dim3A_10, %add3A_340 : vector<16xi32>
        %select_n3A_342 = arith.select %lt3A_338, %add3A_341, %broadcast_in_dim3A_10 : vector<16xi1>, vector<16xi32>
        %broadcast_in_dim3A_343 = vector.shape_cast %select_n3A_342 : vector<16xi32> to vector<16x1xi32>
        %gather3A_344 = vector.shape_cast %broadcast_in_dim3A_343 : vector<16x1xi32> to vector<16xi32>
        %gather3A_345 = tpu.dynamic_gather %masked_cumsum3A_325[%gather3A_344] in [0] : vector<16xf32>, vector<16xi32> -> vector<16xf32>
        %ne3A_346 = arith.cmpi ne, %get3A_298, %gather3A_308 : vector<16xi32>
        %or3A_347 = arith.ori %ne3A_346, %eq3A_17 : vector<16xi1>
        %min3A_348 = arith.minimumf %min3A_289, %mul3A_318 : vector<16xf32>
        %max3A_349 = arith.maximumf %max3A_290, %mul3A_318 : vector<16xf32>
        %mul3A_350 = arith.constant 8 : i32
        %mul3A_351 = arith.muli %scan3A_174, %mul3A_350 : i32
        %add3A_352 = arith.constant 3 : i32
        %add3A_353 = arith.addi %mul3A_351, %add3A_352 : i32
        %mul3A_354 = arith.constant 16 : i32
        %mul3A_355 = arith.muli %add3A_353, %mul3A_354 : i32
        %get3A_356 = arith.index_cast %mul3A_355 : i32 to index
        %get3A_357 = tpu.vector_load %arg10[%get3A_356] {strides = array<i32>} : memref<8208xi32, #tpu.memory_space<vmem>>, vector<16xi32>,
        %lt3A_358 = arith.constant 0 : i32
        %lt3A_359 = vector.broadcast %lt3A_358 : i32 to vector<16xi32>
        %lt3A_360 = arith.cmpi slt, %min3A_15, %lt3A_359 : vector<16xi32>
        %add3A_361 = arith.constant 16 : i32
        %add3A_362 = vector.broadcast %add3A_361 : i32 to vector<16xi32>
        %add3A_363 = arith.addi %min3A_15, %add3A_362 : vector<16xi32>
        %select_n3A_364 = arith.select %lt3A_360, %add3A_363, %min3A_15 : vector<16xi1>, vector<16xi32>
        %broadcast_in_dim3A_365 = vector.shape_cast %select_n3A_364 : vector<16xi32> to vector<16x1xi32>
        %gather3A_366 = vector.shape_cast %broadcast_in_dim3A_365 : vector<16x1xi32> to vector<16xi32>
        %gather3A_367 = tpu.dynamic_gather %get3A_357[%gather3A_366] in [0] : vector<16xi32>, vector<16xi32> -> vector<16xi32>
        %get3A_368 = arith.index_cast %mul3A_355 : i32 to index
        %get3A_369 = tpu.vector_load %arg11[%get3A_368] {strides = array<i32>} : memref<8192xf32, #tpu.memory_space<vmem>>, vector<16xf32>,
        %get3A_370 = arith.index_cast %mul3A_355 : i32 to index
        %get3A_371 = tpu.vector_load %arg12[%get3A_370] {strides = array<i32>} : memref<8192xf32, #tpu.memory_space<vmem>>, vector<16xf32>,
        %get3A_372 = arith.index_cast %mul3A_355 : i32 to index
        %get3A_373 = tpu.vector_load %arg13[%get3A_372] {strides = array<i32>} : memref<8192xf32, #tpu.memory_space<vmem>>, vector<16xf32>,
        %add3A_374 = arith.addf %get3A_371, %get3A_373 : vector<16xf32>
        %mul3A_375 = arith.constant 5.000000e-01 : f32
        %mul3A_376 = vector.broadcast %mul3A_375 : f32 to vector<16xf32>
        %mul3A_377 = arith.mulf %add3A_374, %mul3A_376 : vector<16xf32>
        %mul3A_378 = arith.mulf %get3A_369, %mul3A_377 : vector<16xf32>
        %broadcast_in_dim3A_379 = arith.constant true
        %broadcast_in_dim3A_380 = vector.broadcast %broadcast_in_dim3A_379 : i1 to vector<16xi1>
        %masked_cumsum3A_381 = tpu.scan <sum>, %mul3A_378 masked %broadcast_in_dim3A_380 : vector<16xf32>, vector<16xi1> -> vector<16xf32>
        %broadcast_in_dim3A_382 = arith.constant true
        %broadcast_in_dim3A_383 = vector.broadcast %broadcast_in_dim3A_382 : i1 to vector<16xi1>
        %masked_cumsum3A_384 = tpu.scan <sum>, %get3A_369 masked %broadcast_in_dim3A_383 : vector<16xf32>, vector<16xi1> -> vector<16xf32>
        %lt3A_385 = arith.constant 0 : i32
        %lt3A_386 = vector.broadcast %lt3A_385 : i32 to vector<16xi32>
        %lt3A_387 = arith.cmpi slt, %broadcast_in_dim3A_10, %lt3A_386 : vector<16xi32>
        %add3A_388 = arith.constant 16 : i32
        %add3A_389 = vector.broadcast %add3A_388 : i32 to vector<16xi32>
        %add3A_390 = arith.addi %broadcast_in_dim3A_10, %add3A_389 : vector<16xi32>
        %select_n3A_391 = arith.select %lt3A_387, %add3A_390, %broadcast_in_dim3A_10 : vector<16xi1>, vector<16xi32>
        %broadcast_in_dim3A_392 = vector.shape_cast %select_n3A_391 : vector<16xi32> to vector<16x1xi32>
        %gather3A_393 = vector.shape_cast %broadcast_in_dim3A_392 : vector<16x1xi32> to vector<16xi32>
        %gather3A_394 = tpu.dynamic_gather %masked_cumsum3A_381[%gather3A_393] in [0] : vector<16xf32>, vector<16xi32> -> vector<16xf32>
        %lt3A_395 = arith.constant 0 : i32
        %lt3A_396 = vector.broadcast %lt3A_395 : i32 to vector<16xi32>
        %lt3A_397 = arith.cmpi slt, %broadcast_in_dim3A_10, %lt3A_396 : vector<16xi32>
        %add3A_398 = arith.constant 16 : i32
        %add3A_399 = vector.broadcast %add3A_398 : i32 to vector<16xi32>
        %add3A_400 = arith.addi %broadcast_in_dim3A_10, %add3A_399 : vector<16xi32>
        %select_n3A_401 = arith.select %lt3A_397, %add3A_400, %broadcast_in_dim3A_10 : vector<16xi1>, vector<16xi32>
        %broadcast_in_dim3A_402 = vector.shape_cast %select_n3A_401 : vector<16xi32> to vector<16x1xi32>
        %gather3A_403 = vector.shape_cast %broadcast_in_dim3A_402 : vector<16x1xi32> to vector<16xi32>
        %gather3A_404 = tpu.dynamic_gather %masked_cumsum3A_384[%gather3A_403] in [0] : vector<16xf32>, vector<16xi32> -> vector<16xf32>
        %ne3A_405 = arith.cmpi ne, %get3A_357, %gather3A_367 : vector<16xi32>
        %or3A_406 = arith.ori %ne3A_405, %eq3A_17 : vector<16xi1>
        %min3A_407 = arith.minimumf %min3A_348, %mul3A_377 : vector<16xf32>
        %max3A_408 = arith.maximumf %max3A_349, %mul3A_377 : vector<16xf32>
        %mul3A_409 = arith.constant 8 : i32
        %mul3A_410 = arith.muli %scan3A_174, %mul3A_409 : i32
        %add3A_411 = arith.constant 4 : i32
        %add3A_412 = arith.addi %mul3A_410, %add3A_411 : i32
        %mul3A_413 = arith.constant 16 : i32
        %mul3A_414 = arith.muli %add3A_412, %mul3A_413 : i32
        %get3A_415 = arith.index_cast %mul3A_414 : i32 to index
        %get3A_416 = tpu.vector_load %arg10[%get3A_415] {strides = array<i32>} : memref<8208xi32, #tpu.memory_space<vmem>>, vector<16xi32>,
        %lt3A_417 = arith.constant 0 : i32
        %lt3A_418 = vector.broadcast %lt3A_417 : i32 to vector<16xi32>
        %lt3A_419 = arith.cmpi slt, %min3A_15, %lt3A_418 : vector<16xi32>
        %add3A_420 = arith.constant 16 : i32
        %add3A_421 = vector.broadcast %add3A_420 : i32 to vector<16xi32>
        %add3A_422 = arith.addi %min3A_15, %add3A_421 : vector<16xi32>
        %select_n3A_423 = arith.select %lt3A_419, %add3A_422, %min3A_15 : vector<16xi1>, vector<16xi32>
        %broadcast_in_dim3A_424 = vector.shape_cast %select_n3A_423 : vector<16xi32> to vector<16x1xi32>
        %gather3A_425 = vector.shape_cast %broadcast_in_dim3A_424 : vector<16x1xi32> to vector<16xi32>
        %gather3A_426 = tpu.dynamic_gather %get3A_416[%gather3A_425] in [0] : vector<16xi32>, vector<16xi32> -> vector<16xi32>
        %get3A_427 = arith.index_cast %mul3A_414 : i32 to index
        %get3A_428 = tpu.vector_load %arg11[%get3A_427] {strides = array<i32>} : memref<8192xf32, #tpu.memory_space<vmem>>, vector<16xf32>,
        %get3A_429 = arith.index_cast %mul3A_414 : i32 to index
        %get3A_430 = tpu.vector_load %arg12[%get3A_429] {strides = array<i32>} : memref<8192xf32, #tpu.memory_space<vmem>>, vector<16xf32>,
        %get3A_431 = arith.index_cast %mul3A_414 : i32 to index
        %get3A_432 = tpu.vector_load %arg13[%get3A_431] {strides = array<i32>} : memref<8192xf32, #tpu.memory_space<vmem>>, vector<16xf32>,
        %add3A_433 = arith.addf %get3A_430, %get3A_432 : vector<16xf32>
        %mul3A_434 = arith.constant 5.000000e-01 : f32
        %mul3A_435 = vector.broadcast %mul3A_434 : f32 to vector<16xf32>
        %mul3A_436 = arith.mulf %add3A_433, %mul3A_435 : vector<16xf32>
        %mul3A_437 = arith.mulf %get3A_428, %mul3A_436 : vector<16xf32>
        %broadcast_in_dim3A_438 = arith.constant true
        %broadcast_in_dim3A_439 = vector.broadcast %broadcast_in_dim3A_438 : i1 to vector<16xi1>
        %masked_cumsum3A_440 = tpu.scan <sum>, %mul3A_437 masked %broadcast_in_dim3A_439 : vector<16xf32>, vector<16xi1> -> vector<16xf32>
        %broadcast_in_dim3A_441 = arith.constant true
        %broadcast_in_dim3A_442 = vector.broadcast %broadcast_in_dim3A_441 : i1 to vector<16xi1>
        %masked_cumsum3A_443 = tpu.scan <sum>, %get3A_428 masked %broadcast_in_dim3A_442 : vector<16xf32>, vector<16xi1> -> vector<16xf32>
        %lt3A_444 = arith.constant 0 : i32
        %lt3A_445 = vector.broadcast %lt3A_444 : i32 to vector<16xi32>
        %lt3A_446 = arith.cmpi slt, %broadcast_in_dim3A_10, %lt3A_445 : vector<16xi32>
        %add3A_447 = arith.constant 16 : i32
        %add3A_448 = vector.broadcast %add3A_447 : i32 to vector<16xi32>
        %add3A_449 = arith.addi %broadcast_in_dim3A_10, %add3A_448 : vector<16xi32>
        %select_n3A_450 = arith.select %lt3A_446, %add3A_449, %broadcast_in_dim3A_10 : vector<16xi1>, vector<16xi32>
        %broadcast_in_dim3A_451 = vector.shape_cast %select_n3A_450 : vector<16xi32> to vector<16x1xi32>
        %gather3A_452 = vector.shape_cast %broadcast_in_dim3A_451 : vector<16x1xi32> to vector<16xi32>
        %gather3A_453 = tpu.dynamic_gather %masked_cumsum3A_440[%gather3A_452] in [0] : vector<16xf32>, vector<16xi32> -> vector<16xf32>
        %lt3A_454 = arith.constant 0 : i32
        %lt3A_455 = vector.broadcast %lt3A_454 : i32 to vector<16xi32>
        %lt3A_456 = arith.cmpi slt, %broadcast_in_dim3A_10, %lt3A_455 : vector<16xi32>
        %add3A_457 = arith.constant 16 : i32
        %add3A_458 = vector.broadcast %add3A_457 : i32 to vector<16xi32>
        %add3A_459 = arith.addi %broadcast_in_dim3A_10, %add3A_458 : vector<16xi32>
        %select_n3A_460 = arith.select %lt3A_456, %add3A_459, %broadcast_in_dim3A_10 : vector<16xi1>, vector<16xi32>
        %broadcast_in_dim3A_461 = vector.shape_cast %select_n3A_460 : vector<16xi32> to vector<16x1xi32>
        %gather3A_462 = vector.shape_cast %broadcast_in_dim3A_461 : vector<16x1xi32> to vector<16xi32>
        %gather3A_463 = tpu.dynamic_gather %masked_cumsum3A_443[%gather3A_462] in [0] : vector<16xf32>, vector<16xi32> -> vector<16xf32>
        %ne3A_464 = arith.cmpi ne, %get3A_416, %gather3A_426 : vector<16xi32>
        %or3A_465 = arith.ori %ne3A_464, %eq3A_17 : vector<16xi1>
        %min3A_466 = arith.minimumf %min3A_407, %mul3A_436 : vector<16xf32>
        %max3A_467 = arith.maximumf %max3A_408, %mul3A_436 : vector<16xf32>
        %mul3A_468 = arith.constant 8 : i32
        %mul3A_469 = arith.muli %scan3A_174, %mul3A_468 : i32
        %add3A_470 = arith.constant 5 : i32
        %add3A_471 = arith.addi %mul3A_469, %add3A_470 : i32
        %mul3A_472 = arith.constant 16 : i32
        %mul3A_473 = arith.muli %add3A_471, %mul3A_472 : i32
        %get3A_474 = arith.index_cast %mul3A_473 : i32 to index
        %get3A_475 = tpu.vector_load %arg10[%get3A_474] {strides = array<i32>} : memref<8208xi32, #tpu.memory_space<vmem>>, vector<16xi32>,
        %lt3A_476 = arith.constant 0 : i32
        %lt3A_477 = vector.broadcast %lt3A_476 : i32 to vector<16xi32>
        %lt3A_478 = arith.cmpi slt, %min3A_15, %lt3A_477 : vector<16xi32>
        %add3A_479 = arith.constant 16 : i32
        %add3A_480 = vector.broadcast %add3A_479 : i32 to vector<16xi32>
        %add3A_481 = arith.addi %min3A_15, %add3A_480 : vector<16xi32>
        %select_n3A_482 = arith.select %lt3A_478, %add3A_481, %min3A_15 : vector<16xi1>, vector<16xi32>
        %broadcast_in_dim3A_483 = vector.shape_cast %select_n3A_482 : vector<16xi32> to vector<16x1xi32>
        %gather3A_484 = vector.shape_cast %broadcast_in_dim3A_483 : vector<16x1xi32> to vector<16xi32>
        %gather3A_485 = tpu.dynamic_gather %get3A_475[%gather3A_484] in [0] : vector<16xi32>, vector<16xi32> -> vector<16xi32>
        %get3A_486 = arith.index_cast %mul3A_473 : i32 to index
        %get3A_487 = tpu.vector_load %arg11[%get3A_486] {strides = array<i32>} : memref<8192xf32, #tpu.memory_space<vmem>>, vector<16xf32>,
        %get3A_488 = arith.index_cast %mul3A_473 : i32 to index
        %get3A_489 = tpu.vector_load %arg12[%get3A_488] {strides = array<i32>} : memref<8192xf32, #tpu.memory_space<vmem>>, vector<16xf32>,
        %get3A_490 = arith.index_cast %mul3A_473 : i32 to index
        %get3A_491 = tpu.vector_load %arg13[%get3A_490] {strides = array<i32>} : memref<8192xf32, #tpu.memory_space<vmem>>, vector<16xf32>,
        %add3A_492 = arith.addf %get3A_489, %get3A_491 : vector<16xf32>
        %mul3A_493 = arith.constant 5.000000e-01 : f32
        %mul3A_494 = vector.broadcast %mul3A_493 : f32 to vector<16xf32>
        %mul3A_495 = arith.mulf %add3A_492, %mul3A_494 : vector<16xf32>
        %mul3A_496 = arith.mulf %get3A_487, %mul3A_495 : vector<16xf32>
        %broadcast_in_dim3A_497 = arith.constant true
        %broadcast_in_dim3A_498 = vector.broadcast %broadcast_in_dim3A_497 : i1 to vector<16xi1>
        %masked_cumsum3A_499 = tpu.scan <sum>, %mul3A_496 masked %broadcast_in_dim3A_498 : vector<16xf32>, vector<16xi1> -> vector<16xf32>
        %broadcast_in_dim3A_500 = arith.constant true
        %broadcast_in_dim3A_501 = vector.broadcast %broadcast_in_dim3A_500 : i1 to vector<16xi1>
        %masked_cumsum3A_502 = tpu.scan <sum>, %get3A_487 masked %broadcast_in_dim3A_501 : vector<16xf32>, vector<16xi1> -> vector<16xf32>
        %lt3A_503 = arith.constant 0 : i32
        %lt3A_504 = vector.broadcast %lt3A_503 : i32 to vector<16xi32>
        %lt3A_505 = arith.cmpi slt, %broadcast_in_dim3A_10, %lt3A_504 : vector<16xi32>
        %add3A_506 = arith.constant 16 : i32
        %add3A_507 = vector.broadcast %add3A_506 : i32 to vector<16xi32>
        %add3A_508 = arith.addi %broadcast_in_dim3A_10, %add3A_507 : vector<16xi32>
        %select_n3A_509 = arith.select %lt3A_505, %add3A_508, %broadcast_in_dim3A_10 : vector<16xi1>, vector<16xi32>
        %broadcast_in_dim3A_510 = vector.shape_cast %select_n3A_509 : vector<16xi32> to vector<16x1xi32>
        %gather3A_511 = vector.shape_cast %broadcast_in_dim3A_510 : vector<16x1xi32> to vector<16xi32>
        %gather3A_512 = tpu.dynamic_gather %masked_cumsum3A_499[%gather3A_511] in [0] : vector<16xf32>, vector<16xi32> -> vector<16xf32>
        %lt3A_513 = arith.constant 0 : i32
        %lt3A_514 = vector.broadcast %lt3A_513 : i32 to vector<16xi32>
        %lt3A_515 = arith.cmpi slt, %broadcast_in_dim3A_10, %lt3A_514 : vector<16xi32>
        %add3A_516 = arith.constant 16 : i32
        %add3A_517 = vector.broadcast %add3A_516 : i32 to vector<16xi32>
        %add3A_518 = arith.addi %broadcast_in_dim3A_10, %add3A_517 : vector<16xi32>
        %select_n3A_519 = arith.select %lt3A_515, %add3A_518, %broadcast_in_dim3A_10 : vector<16xi1>, vector<16xi32>
        %broadcast_in_dim3A_520 = vector.shape_cast %select_n3A_519 : vector<16xi32> to vector<16x1xi32>
        %gather3A_521 = vector.shape_cast %broadcast_in_dim3A_520 : vector<16x1xi32> to vector<16xi32>
        %gather3A_522 = tpu.dynamic_gather %masked_cumsum3A_502[%gather3A_521] in [0] : vector<16xf32>, vector<16xi32> -> vector<16xf32>
        %ne3A_523 = arith.cmpi ne, %get3A_475, %gather3A_485 : vector<16xi32>
        %or3A_524 = arith.ori %ne3A_523, %eq3A_17 : vector<16xi1>
        %min3A_525 = arith.minimumf %min3A_466, %mul3A_495 : vector<16xf32>
        %max3A_526 = arith.maximumf %max3A_467, %mul3A_495 : vector<16xf32>
        %mul3A_527 = arith.constant 8 : i32
        %mul3A_528 = arith.muli %scan3A_174, %mul3A_527 : i32
        %add3A_529 = arith.constant 6 : i32
        %add3A_530 = arith.addi %mul3A_528, %add3A_529 : i32
        %mul3A_531 = arith.constant 16 : i32
        %mul3A_532 = arith.muli %add3A_530, %mul3A_531 : i32
        %get3A_533 = arith.index_cast %mul3A_532 : i32 to index
        %get3A_534 = tpu.vector_load %arg10[%get3A_533] {strides = array<i32>} : memref<8208xi32, #tpu.memory_space<vmem>>, vector<16xi32>,
        %lt3A_535 = arith.constant 0 : i32
        %lt3A_536 = vector.broadcast %lt3A_535 : i32 to vector<16xi32>
        %lt3A_537 = arith.cmpi slt, %min3A_15, %lt3A_536 : vector<16xi32>
        %add3A_538 = arith.constant 16 : i32
        %add3A_539 = vector.broadcast %add3A_538 : i32 to vector<16xi32>
        %add3A_540 = arith.addi %min3A_15, %add3A_539 : vector<16xi32>
        %select_n3A_541 = arith.select %lt3A_537, %add3A_540, %min3A_15 : vector<16xi1>, vector<16xi32>
        %broadcast_in_dim3A_542 = vector.shape_cast %select_n3A_541 : vector<16xi32> to vector<16x1xi32>
        %gather3A_543 = vector.shape_cast %broadcast_in_dim3A_542 : vector<16x1xi32> to vector<16xi32>
        %gather3A_544 = tpu.dynamic_gather %get3A_534[%gather3A_543] in [0] : vector<16xi32>, vector<16xi32> -> vector<16xi32>
        %get3A_545 = arith.index_cast %mul3A_532 : i32 to index
        %get3A_546 = tpu.vector_load %arg11[%get3A_545] {strides = array<i32>} : memref<8192xf32, #tpu.memory_space<vmem>>, vector<16xf32>,
        %get3A_547 = arith.index_cast %mul3A_532 : i32 to index
        %get3A_548 = tpu.vector_load %arg12[%get3A_547] {strides = array<i32>} : memref<8192xf32, #tpu.memory_space<vmem>>, vector<16xf32>,
        %get3A_549 = arith.index_cast %mul3A_532 : i32 to index
        %get3A_550 = tpu.vector_load %arg13[%get3A_549] {strides = array<i32>} : memref<8192xf32, #tpu.memory_space<vmem>>, vector<16xf32>,
        %add3A_551 = arith.addf %get3A_548, %get3A_550 : vector<16xf32>
        %mul3A_552 = arith.constant 5.000000e-01 : f32
        %mul3A_553 = vector.broadcast %mul3A_552 : f32 to vector<16xf32>
        %mul3A_554 = arith.mulf %add3A_551, %mul3A_553 : vector<16xf32>
        %mul3A_555 = arith.mulf %get3A_546, %mul3A_554 : vector<16xf32>
        %broadcast_in_dim3A_556 = arith.constant true
        %broadcast_in_dim3A_557 = vector.broadcast %broadcast_in_dim3A_556 : i1 to vector<16xi1>
        %masked_cumsum3A_558 = tpu.scan <sum>, %mul3A_555 masked %broadcast_in_dim3A_557 : vector<16xf32>, vector<16xi1> -> vector<16xf32>
        %broadcast_in_dim3A_559 = arith.constant true
        %broadcast_in_dim3A_560 = vector.broadcast %broadcast_in_dim3A_559 : i1 to vector<16xi1>
        %masked_cumsum3A_561 = tpu.scan <sum>, %get3A_546 masked %broadcast_in_dim3A_560 : vector<16xf32>, vector<16xi1> -> vector<16xf32>
        %lt3A_562 = arith.constant 0 : i32
        %lt3A_563 = vector.broadcast %lt3A_562 : i32 to vector<16xi32>
        %lt3A_564 = arith.cmpi slt, %broadcast_in_dim3A_10, %lt3A_563 : vector<16xi32>
        %add3A_565 = arith.constant 16 : i32
        %add3A_566 = vector.broadcast %add3A_565 : i32 to vector<16xi32>
        %add3A_567 = arith.addi %broadcast_in_dim3A_10, %add3A_566 : vector<16xi32>
        %select_n3A_568 = arith.select %lt3A_564, %add3A_567, %broadcast_in_dim3A_10 : vector<16xi1>, vector<16xi32>
        %broadcast_in_dim3A_569 = vector.shape_cast %select_n3A_568 : vector<16xi32> to vector<16x1xi32>
        %gather3A_570 = vector.shape_cast %broadcast_in_dim3A_569 : vector<16x1xi32> to vector<16xi32>
        %gather3A_571 = tpu.dynamic_gather %masked_cumsum3A_558[%gather3A_570] in [0] : vector<16xf32>, vector<16xi32> -> vector<16xf32>
        %lt3A_572 = arith.constant 0 : i32
        %lt3A_573 = vector.broadcast %lt3A_572 : i32 to vector<16xi32>
        %lt3A_574 = arith.cmpi slt, %broadcast_in_dim3A_10, %lt3A_573 : vector<16xi32>
        %add3A_575 = arith.constant 16 : i32
        %add3A_576 = vector.broadcast %add3A_575 : i32 to vector<16xi32>
        %add3A_577 = arith.addi %broadcast_in_dim3A_10, %add3A_576 : vector<16xi32>
        %select_n3A_578 = arith.select %lt3A_574, %add3A_577, %broadcast_in_dim3A_10 : vector<16xi1>, vector<16xi32>
        %broadcast_in_dim3A_579 = vector.shape_cast %select_n3A_578 : vector<16xi32> to vector<16x1xi32>
        %gather3A_580 = vector.shape_cast %broadcast_in_dim3A_579 : vector<16x1xi32> to vector<16xi32>
        %gather3A_581 = tpu.dynamic_gather %masked_cumsum3A_561[%gather3A_580] in [0] : vector<16xf32>, vector<16xi32> -> vector<16xf32>
        %ne3A_582 = arith.cmpi ne, %get3A_534, %gather3A_544 : vector<16xi32>
        %or3A_583 = arith.ori %ne3A_582, %eq3A_17 : vector<16xi1>
        %min3A_584 = arith.minimumf %min3A_525, %mul3A_554 : vector<16xf32>
        %max3A_585 = arith.maximumf %max3A_526, %mul3A_554 : vector<16xf32>
        %mul3A_586 = arith.constant 8 : i32
        %mul3A_587 = arith.muli %scan3A_174, %mul3A_586 : i32
        %add3A_588 = arith.constant 7 : i32
        %add3A_589 = arith.addi %mul3A_587, %add3A_588 : i32
        %mul3A_590 = arith.constant 16 : i32
        %mul3A_591 = arith.muli %add3A_589, %mul3A_590 : i32
        %get3A_592 = arith.index_cast %mul3A_591 : i32 to index
        %get3A_593 = tpu.vector_load %arg10[%get3A_592] {strides = array<i32>} : memref<8208xi32, #tpu.memory_space<vmem>>, vector<16xi32>,
        %lt3A_594 = arith.constant 0 : i32
        %lt3A_595 = vector.broadcast %lt3A_594 : i32 to vector<16xi32>
        %lt3A_596 = arith.cmpi slt, %min3A_15, %lt3A_595 : vector<16xi32>
        %add3A_597 = arith.constant 16 : i32
        %add3A_598 = vector.broadcast %add3A_597 : i32 to vector<16xi32>
        %add3A_599 = arith.addi %min3A_15, %add3A_598 : vector<16xi32>
        %select_n3A_600 = arith.select %lt3A_596, %add3A_599, %min3A_15 : vector<16xi1>, vector<16xi32>
        %broadcast_in_dim3A_601 = vector.shape_cast %select_n3A_600 : vector<16xi32> to vector<16x1xi32>
        %gather3A_602 = vector.shape_cast %broadcast_in_dim3A_601 : vector<16x1xi32> to vector<16xi32>
        %gather3A_603 = tpu.dynamic_gather %get3A_593[%gather3A_602] in [0] : vector<16xi32>, vector<16xi32> -> vector<16xi32>
        %get3A_604 = arith.index_cast %mul3A_591 : i32 to index
        %get3A_605 = tpu.vector_load %arg11[%get3A_604] {strides = array<i32>} : memref<8192xf32, #tpu.memory_space<vmem>>, vector<16xf32>,
        %get3A_606 = arith.index_cast %mul3A_591 : i32 to index
        %get3A_607 = tpu.vector_load %arg12[%get3A_606] {strides = array<i32>} : memref<8192xf32, #tpu.memory_space<vmem>>, vector<16xf32>,
        %get3A_608 = arith.index_cast %mul3A_591 : i32 to index
        %get3A_609 = tpu.vector_load %arg13[%get3A_608] {strides = array<i32>} : memref<8192xf32, #tpu.memory_space<vmem>>, vector<16xf32>,
        %add3A_610 = arith.addf %get3A_607, %get3A_609 : vector<16xf32>
        %mul3A_611 = arith.constant 5.000000e-01 : f32
        %mul3A_612 = vector.broadcast %mul3A_611 : f32 to vector<16xf32>
        %mul3A_613 = arith.mulf %add3A_610, %mul3A_612 : vector<16xf32>
        %mul3A_614 = arith.mulf %get3A_605, %mul3A_613 : vector<16xf32>
        %broadcast_in_dim3A_615 = arith.constant true
        %broadcast_in_dim3A_616 = vector.broadcast %broadcast_in_dim3A_615 : i1 to vector<16xi1>
        %masked_cumsum3A_617 = tpu.scan <sum>, %mul3A_614 masked %broadcast_in_dim3A_616 : vector<16xf32>, vector<16xi1> -> vector<16xf32>
        %broadcast_in_dim3A_618 = arith.constant true
        %broadcast_in_dim3A_619 = vector.broadcast %broadcast_in_dim3A_618 : i1 to vector<16xi1>
        %masked_cumsum3A_620 = tpu.scan <sum>, %get3A_605 masked %broadcast_in_dim3A_619 : vector<16xf32>, vector<16xi1> -> vector<16xf32>
        %lt3A_621 = arith.constant 0 : i32
        %lt3A_622 = vector.broadcast %lt3A_621 : i32 to vector<16xi32>
        %lt3A_623 = arith.cmpi slt, %broadcast_in_dim3A_10, %lt3A_622 : vector<16xi32>
        %add3A_624 = arith.constant 16 : i32
        %add3A_625 = vector.broadcast %add3A_624 : i32 to vector<16xi32>
        %add3A_626 = arith.addi %broadcast_in_dim3A_10, %add3A_625 : vector<16xi32>
        %select_n3A_627 = arith.select %lt3A_623, %add3A_626, %broadcast_in_dim3A_10 : vector<16xi1>, vector<16xi32>
        %broadcast_in_dim3A_628 = vector.shape_cast %select_n3A_627 : vector<16xi32> to vector<16x1xi32>
        %gather3A_629 = vector.shape_cast %broadcast_in_dim3A_628 : vector<16x1xi32> to vector<16xi32>
        %gather3A_630 = tpu.dynamic_gather %masked_cumsum3A_617[%gather3A_629] in [0] : vector<16xf32>, vector<16xi32> -> vector<16xf32>
        %lt3A_631 = arith.constant 0 : i32
        %lt3A_632 = vector.broadcast %lt3A_631 : i32 to vector<16xi32>
        %lt3A_633 = arith.cmpi slt, %broadcast_in_dim3A_10, %lt3A_632 : vector<16xi32>
        %add3A_634 = arith.constant 16 : i32
        %add3A_635 = vector.broadcast %add3A_634 : i32 to vector<16xi32>
        %add3A_636 = arith.addi %broadcast_in_dim3A_10, %add3A_635 : vector<16xi32>
        %select_n3A_637 = arith.select %lt3A_633, %add3A_636, %broadcast_in_dim3A_10 : vector<16xi1>, vector<16xi32>
        %broadcast_in_dim3A_638 = vector.shape_cast %select_n3A_637 : vector<16xi32> to vector<16x1xi32>
        %gather3A_639 = vector.shape_cast %broadcast_in_dim3A_638 : vector<16x1xi32> to vector<16xi32>
        %gather3A_640 = tpu.dynamic_gather %masked_cumsum3A_620[%gather3A_639] in [0] : vector<16xf32>, vector<16xi32> -> vector<16xf32>
        %ne3A_641 = arith.cmpi ne, %get3A_593, %gather3A_603 : vector<16xi32>
        %or3A_642 = arith.ori %ne3A_641, %eq3A_17 : vector<16xi1>
        %min3A_643 = arith.minimumf %min3A_584, %mul3A_613 : vector<16xf32>
        %max3A_644 = arith.maximumf %max3A_585, %mul3A_613 : vector<16xf32>
        %add3A_645 = arith.addf %scan3A_177, %masked_cumsum3A : vector<16xf32>
        tpu.vector_store_idx %arg18[%get3A_185], %add3A_645 masked %or3A : memref<16384xf32, #tpu.memory_space<vmem>>[vector<16xi32>], vector<16xf32>, vector<16xi1>
        %add3A_646 = arith.addf %scan3A_178, %masked_cumsum3A_209 : vector<16xf32>
        tpu.vector_store_idx %arg19[%get3A_185], %add3A_646 masked %or3A : memref<16384xf32, #tpu.memory_space<vmem>>[vector<16xi32>], vector<16xf32>, vector<16xi1>
        %add3A_647 = arith.addf %scan3A_177, %gather3A_219 : vector<16xf32>
        %add3A_648 = arith.addf %scan3A_178, %gather3A_229 : vector<16xf32>
        %add3A_649 = arith.addf %add3A_647, %masked_cumsum3A_263 : vector<16xf32>
        tpu.vector_store_idx %arg18[%get3A_239], %add3A_649 masked %or3A_288 : memref<16384xf32, #tpu.memory_space<vmem>>[vector<16xi32>], vector<16xf32>, vector<16xi1>
        %add3A_650 = arith.addf %add3A_648, %masked_cumsum3A_266 : vector<16xf32>
        tpu.vector_store_idx %arg19[%get3A_239], %add3A_650 masked %or3A_288 : memref<16384xf32, #tpu.memory_space<vmem>>[vector<16xi32>], vector<16xf32>, vector<16xi1>
        %add3A_651 = arith.addf %add3A_647, %gather3A_276 : vector<16xf32>
        %add3A_652 = arith.addf %add3A_648, %gather3A_286 : vector<16xf32>
        %add3A_653 = arith.addf %add3A_651, %masked_cumsum3A_322 : vector<16xf32>
        tpu.vector_store_idx %arg18[%get3A_298], %add3A_653 masked %or3A_347 : memref<16384xf32, #tpu.memory_space<vmem>>[vector<16xi32>], vector<16xf32>, vector<16xi1>
        %add3A_654 = arith.addf %add3A_652, %masked_cumsum3A_325 : vector<16xf32>
        tpu.vector_store_idx %arg19[%get3A_298], %add3A_654 masked %or3A_347 : memref<16384xf32, #tpu.memory_space<vmem>>[vector<16xi32>], vector<16xf32>, vector<16xi1>
        %add3A_655 = arith.addf %add3A_651, %gather3A_335 : vector<16xf32>
        %add3A_656 = arith.addf %add3A_652, %gather3A_345 : vector<16xf32>
        %add3A_657 = arith.addf %add3A_655, %masked_cumsum3A_381 : vector<16xf32>
        tpu.vector_store_idx %arg18[%get3A_357], %add3A_657 masked %or3A_406 : memref<16384xf32, #tpu.memory_space<vmem>>[vector<16xi32>], vector<16xf32>, vector<16xi1>
        %add3A_658 = arith.addf %add3A_656, %masked_cumsum3A_384 : vector<16xf32>
        tpu.vector_store_idx %arg19[%get3A_357], %add3A_658 masked %or3A_406 : memref<16384xf32, #tpu.memory_space<vmem>>[vector<16xi32>], vector<16xf32>, vector<16xi1>
        %add3A_659 = arith.addf %add3A_655, %gather3A_394 : vector<16xf32>
        %add3A_660 = arith.addf %add3A_656, %gather3A_404 : vector<16xf32>
        %add3A_661 = arith.addf %add3A_659, %masked_cumsum3A_440 : vector<16xf32>
        tpu.vector_store_idx %arg18[%get3A_416], %add3A_661 masked %or3A_465 : memref<16384xf32, #tpu.memory_space<vmem>>[vector<16xi32>], vector<16xf32>, vector<16xi1>
        %add3A_662 = arith.addf %add3A_660, %masked_cumsum3A_443 : vector<16xf32>
        tpu.vector_store_idx %arg19[%get3A_416], %add3A_662 masked %or3A_465 : memref<16384xf32, #tpu.memory_space<vmem>>[vector<16xi32>], vector<16xf32>, vector<16xi1>
        %add3A_663 = arith.addf %add3A_659, %gather3A_453 : vector<16xf32>
        %add3A_664 = arith.addf %add3A_660, %gather3A_463 : vector<16xf32>
        %add3A_665 = arith.addf %add3A_663, %masked_cumsum3A_499 : vector<16xf32>
        tpu.vector_store_idx %arg18[%get3A_475], %add3A_665 masked %or3A_524 : memref<16384xf32, #tpu.memory_space<vmem>>[vector<16xi32>], vector<16xf32>, vector<16xi1>
        %add3A_666 = arith.addf %add3A_664, %masked_cumsum3A_502 : vector<16xf32>
        tpu.vector_store_idx %arg19[%get3A_475], %add3A_666 masked %or3A_524 : memref<16384xf32, #tpu.memory_space<vmem>>[vector<16xi32>], vector<16xf32>, vector<16xi1>
        %add3A_667 = arith.addf %add3A_663, %gather3A_512 : vector<16xf32>
        %add3A_668 = arith.addf %add3A_664, %gather3A_522 : vector<16xf32>
        %add3A_669 = arith.addf %add3A_667, %masked_cumsum3A_558 : vector<16xf32>
        tpu.vector_store_idx %arg18[%get3A_534], %add3A_669 masked %or3A_583 : memref<16384xf32, #tpu.memory_space<vmem>>[vector<16xi32>], vector<16xf32>, vector<16xi1>
        %add3A_670 = arith.addf %add3A_668, %masked_cumsum3A_561 : vector<16xf32>
        tpu.vector_store_idx %arg19[%get3A_534], %add3A_670 masked %or3A_583 : memref<16384xf32, #tpu.memory_space<vmem>>[vector<16xi32>], vector<16xf32>, vector<16xi1>
        %add3A_671 = arith.addf %add3A_667, %gather3A_571 : vector<16xf32>
        %add3A_672 = arith.addf %add3A_668, %gather3A_581 : vector<16xf32>
        %add3A_673 = arith.addf %add3A_671, %masked_cumsum3A_617 : vector<16xf32>
        tpu.vector_store_idx %arg18[%get3A_593], %add3A_673 masked %or3A_642 : memref<16384xf32, #tpu.memory_space<vmem>>[vector<16xi32>], vector<16xf32>, vector<16xi1>
        %add3A_674 = arith.addf %add3A_672, %masked_cumsum3A_620 : vector<16xf32>
        tpu.vector_store_idx %arg19[%get3A_593], %add3A_674 masked %or3A_642 : memref<16384xf32, #tpu.memory_space<vmem>>[vector<16xi32>], vector<16xf32>, vector<16xi1>
        %add3A_675 = arith.addf %add3A_671, %gather3A_630 : vector<16xf32>
        %add3A_676 = arith.addf %add3A_672, %gather3A_640 : vector<16xf32>
        scf.yield %min3A_643, %max3A_644, %add3A_675, %add3A_676 : vector<16xf32>, vector<16xf32>, vector<16xf32>, vector<16xf32>
      }
      %scan3A_148 = arith.constant 64 : i32
      %add3A_149 = arith.constant 1 : i32
      %add3A_150 = arith.addi %mul3A_110, %add3A_149 : i32
      %mul3A_151 = arith.constant 8192 : i32
      %mul3A_152 = arith.muli %add3A_150, %mul3A_151 : i32
      %add3A_153 = arith.addi %mul3A_2, %mul3A_152 : i32
      %dma_wait3A_154 = arith.constant 0 : i32
      %dma_wait3A_155 = tpu.memref_slice %arg14[%dma_wait3A_154] : memref<8208xi32, #tpu.memory_space<vmem>> -> memref<8192xi32, #tpu.memory_space<vmem>>
      %dma_wait3A_156 = tpu.memref_slice %arg2[%add3A_153] : memref<2097152xi32, #tpu.memory_space<hbm>> -> memref<8192xi32, #tpu.memory_space<hbm>>
      %dma_wait3A_157 = arith.constant 0 : i32
      %dma_wait3A_158 = tpu.memref_slice %arg14[%dma_wait3A_157] : memref<8208xi32, #tpu.memory_space<vmem>> -> memref<8192xi32, #tpu.memory_space<vmem>>
      %dma_wait3A_159 = tpu.memref_slice %arg2[%add3A_153] : memref<2097152xi32, #tpu.memory_space<hbm>> -> memref<8192xi32, #tpu.memory_space<hbm>>
      tpu.wait_dma2 semaphore(%arg23 : memref<!tpu.dma_semaphore, #tpu.memory_space<semaphore_mem>>) src(%dma_wait3A_159 : memref<8192xi32, #tpu.memory_space<hbm>>) dst(%dma_wait3A_158 : memref<8192xi32, #tpu.memory_space<vmem>>)
      %dma_wait3A_160 = tpu.memref_slice %arg3[%add3A_153] : memref<2097152xf32, #tpu.memory_space<hbm>> -> memref<8192xf32, #tpu.memory_space<hbm>>
      %dma_wait3A_161 = tpu.memref_slice %arg3[%add3A_153] : memref<2097152xf32, #tpu.memory_space<hbm>> -> memref<8192xf32, #tpu.memory_space<hbm>>
      tpu.wait_dma2 semaphore(%arg23 : memref<!tpu.dma_semaphore, #tpu.memory_space<semaphore_mem>>) src(%dma_wait3A_161 : memref<8192xf32, #tpu.memory_space<hbm>>) dst(%arg15 : memref<8192xf32, #tpu.memory_space<vmem>>)
      %dma_wait3A_162 = tpu.memref_slice %arg4[%add3A_153] : memref<2097152xf32, #tpu.memory_space<hbm>> -> memref<8192xf32, #tpu.memory_space<hbm>>
      %dma_wait3A_163 = tpu.memref_slice %arg4[%add3A_153] : memref<2097152xf32, #tpu.memory_space<hbm>> -> memref<8192xf32, #tpu.memory_space<hbm>>
      tpu.wait_dma2 semaphore(%arg23 : memref<!tpu.dma_semaphore, #tpu.memory_space<semaphore_mem>>) src(%dma_wait3A_163 : memref<8192xf32, #tpu.memory_space<hbm>>) dst(%arg16 : memref<8192xf32, #tpu.memory_space<vmem>>)
      %dma_wait3A_164 = tpu.memref_slice %arg5[%add3A_153] : memref<2097152xf32, #tpu.memory_space<hbm>> -> memref<8192xf32, #tpu.memory_space<hbm>>
      %dma_wait3A_165 = tpu.memref_slice %arg5[%add3A_153] : memref<2097152xf32, #tpu.memory_space<hbm>> -> memref<8192xf32, #tpu.memory_space<hbm>>
      tpu.wait_dma2 semaphore(%arg23 : memref<!tpu.dma_semaphore, #tpu.memory_space<semaphore_mem>>) src(%dma_wait3A_165 : memref<8192xf32, #tpu.memory_space<hbm>>) dst(%arg17 : memref<8192xf32, #tpu.memory_space<vmem>>)
      %lt3A = arith.constant 3 : i32
      %lt3A_166 = arith.cmpi slt, %scan3A_104, %lt3A : i32
      %convert_element_type3A = arith.extui %lt3A_166 : i1 to i32
      %cond3A = arith.constant 0 : i32
      %cond3A_167 = arith.cmpi ne, %convert_element_type3A, %cond3A : i32
      scf.if %cond3A_167 {
        %add3A_174 = arith.constant 2 : i32
        %add3A_175 = arith.addi %mul3A_110, %add3A_174 : i32
        %mul3A_176 = arith.constant 8192 : i32
        %mul3A_177 = arith.muli %add3A_175, %mul3A_176 : i32
        %add3A_178 = arith.addi %mul3A_2, %mul3A_177 : i32
        %dma_start3A_179 = arith.constant 0 : i32
        %dma_start3A_180 = tpu.memref_slice %arg10[%dma_start3A_179] : memref<8208xi32, #tpu.memory_space<vmem>> -> memref<8192xi32, #tpu.memory_space<vmem>>
        %dma_start3A_181 = tpu.memref_slice %arg2[%add3A_178] : memref<2097152xi32, #tpu.memory_space<hbm>> -> memref<8192xi32, #tpu.memory_space<hbm>>
        %dma_start3A_182 = arith.constant 0 : i32
        %dma_start3A_183 = tpu.memref_slice %arg10[%dma_start3A_182] : memref<8208xi32, #tpu.memory_space<vmem>> -> memref<8192xi32, #tpu.memory_space<vmem>>
        %dma_start3A_184 = tpu.memref_slice %arg2[%add3A_178] : memref<2097152xi32, #tpu.memory_space<hbm>> -> memref<8192xi32, #tpu.memory_space<hbm>>
        tpu.enqueue_dma source(%dma_start3A_184 : memref<8192xi32, #tpu.memory_space<hbm>>) target(%dma_start3A_183 : memref<8192xi32, #tpu.memory_space<vmem>>) target_semaphore(%arg22 : memref<!tpu.dma_semaphore, #tpu.memory_space<semaphore_mem>>)
        %dma_start3A_185 = tpu.memref_slice %arg3[%add3A_178] : memref<2097152xf32, #tpu.memory_space<hbm>> -> memref<8192xf32, #tpu.memory_space<hbm>>
        %dma_start3A_186 = tpu.memref_slice %arg3[%add3A_178] : memref<2097152xf32, #tpu.memory_space<hbm>> -> memref<8192xf32, #tpu.memory_space<hbm>>
        tpu.enqueue_dma source(%dma_start3A_186 : memref<8192xf32, #tpu.memory_space<hbm>>) target(%arg11 : memref<8192xf32, #tpu.memory_space<vmem>>) target_semaphore(%arg22 : memref<!tpu.dma_semaphore, #tpu.memory_space<semaphore_mem>>)
        %dma_start3A_187 = tpu.memref_slice %arg4[%add3A_178] : memref<2097152xf32, #tpu.memory_space<hbm>> -> memref<8192xf32, #tpu.memory_space<hbm>>
        %dma_start3A_188 = tpu.memref_slice %arg4[%add3A_178] : memref<2097152xf32, #tpu.memory_space<hbm>> -> memref<8192xf32, #tpu.memory_space<hbm>>
        tpu.enqueue_dma source(%dma_start3A_188 : memref<8192xf32, #tpu.memory_space<hbm>>) target(%arg12 : memref<8192xf32, #tpu.memory_space<vmem>>) target_semaphore(%arg22 : memref<!tpu.dma_semaphore, #tpu.memory_space<semaphore_mem>>)
        %dma_start3A_189 = tpu.memref_slice %arg5[%add3A_178] : memref<2097152xf32, #tpu.memory_space<hbm>> -> memref<8192xf32, #tpu.memory_space<hbm>>
        %dma_start3A_190 = tpu.memref_slice %arg5[%add3A_178] : memref<2097152xf32, #tpu.memory_space<hbm>> -> memref<8192xf32, #tpu.memory_space<hbm>>
        tpu.enqueue_dma source(%dma_start3A_190 : memref<8192xf32, #tpu.memory_space<hbm>>) target(%arg13 : memref<8192xf32, #tpu.memory_space<vmem>>) target_semaphore(%arg22 : memref<!tpu.dma_semaphore, #tpu.memory_space<semaphore_mem>>)
      } else {
      }
      %scan3A_168 = arith.constant 0 : i32
      %scan3A_169 = arith.constant 64 : i32
      %scan3A_170 = arith.addi %scan3A_168, %scan3A_169 : i32
      %scan3A_171 = arith.constant 1 : i32
      %scan3A_172:4 = scf.for %scan3A_174 = %scan3A_168 to %scan3A_170 step %scan3A_171 iter_args(%scan3A_175 = %scan3A_147#0, %scan3A_176 = %scan3A_147#1, %scan3A_177 = %scan3A_147#2, %scan3A_178 = %scan3A_147#3) -> (vector<16xf32>, vector<16xf32>, vector<16xf32>, vector<16xf32>)  : i32 {
        %mul3A_179 = arith.constant 8 : i32
        %mul3A_180 = arith.muli %scan3A_174, %mul3A_179 : i32
        %add3A_181 = arith.constant 0 : i32
        %add3A_182 = arith.addi %mul3A_180, %add3A_181 : i32
        %mul3A_183 = arith.constant 16 : i32
        %mul3A_184 = arith.muli %add3A_182, %mul3A_183 : i32
        %get3A = arith.index_cast %mul3A_184 : i32 to index
        %get3A_185 = tpu.vector_load %arg14[%get3A] {strides = array<i32>} : memref<8208xi32, #tpu.memory_space<vmem>>, vector<16xi32>,
        %lt3A_186 = arith.constant 0 : i32
        %lt3A_187 = vector.broadcast %lt3A_186 : i32 to vector<16xi32>
        %lt3A_188 = arith.cmpi slt, %min3A_15, %lt3A_187 : vector<16xi32>
        %add3A_189 = arith.constant 16 : i32
        %add3A_190 = vector.broadcast %add3A_189 : i32 to vector<16xi32>
        %add3A_191 = arith.addi %min3A_15, %add3A_190 : vector<16xi32>
        %select_n3A = arith.select %lt3A_188, %add3A_191, %min3A_15 : vector<16xi1>, vector<16xi32>
        %broadcast_in_dim3A_192 = vector.shape_cast %select_n3A : vector<16xi32> to vector<16x1xi32>
        %gather3A = vector.shape_cast %broadcast_in_dim3A_192 : vector<16x1xi32> to vector<16xi32>
        %gather3A_193 = tpu.dynamic_gather %get3A_185[%gather3A] in [0] : vector<16xi32>, vector<16xi32> -> vector<16xi32>
        %get3A_194 = arith.index_cast %mul3A_184 : i32 to index
        %get3A_195 = tpu.vector_load %arg15[%get3A_194] {strides = array<i32>} : memref<8192xf32, #tpu.memory_space<vmem>>, vector<16xf32>,
        %get3A_196 = arith.index_cast %mul3A_184 : i32 to index
        %get3A_197 = tpu.vector_load %arg16[%get3A_196] {strides = array<i32>} : memref<8192xf32, #tpu.memory_space<vmem>>, vector<16xf32>,
        %get3A_198 = arith.index_cast %mul3A_184 : i32 to index
        %get3A_199 = tpu.vector_load %arg17[%get3A_198] {strides = array<i32>} : memref<8192xf32, #tpu.memory_space<vmem>>, vector<16xf32>,
        %add3A_200 = arith.addf %get3A_197, %get3A_199 : vector<16xf32>
        %mul3A_201 = arith.constant 5.000000e-01 : f32
        %mul3A_202 = vector.broadcast %mul3A_201 : f32 to vector<16xf32>
        %mul3A_203 = arith.mulf %add3A_200, %mul3A_202 : vector<16xf32>
        %mul3A_204 = arith.mulf %get3A_195, %mul3A_203 : vector<16xf32>
        %broadcast_in_dim3A_205 = arith.constant true
        %broadcast_in_dim3A_206 = vector.broadcast %broadcast_in_dim3A_205 : i1 to vector<16xi1>
        %masked_cumsum3A = tpu.scan <sum>, %mul3A_204 masked %broadcast_in_dim3A_206 : vector<16xf32>, vector<16xi1> -> vector<16xf32>
        %broadcast_in_dim3A_207 = arith.constant true
        %broadcast_in_dim3A_208 = vector.broadcast %broadcast_in_dim3A_207 : i1 to vector<16xi1>
        %masked_cumsum3A_209 = tpu.scan <sum>, %get3A_195 masked %broadcast_in_dim3A_208 : vector<16xf32>, vector<16xi1> -> vector<16xf32>
        %lt3A_210 = arith.constant 0 : i32
        %lt3A_211 = vector.broadcast %lt3A_210 : i32 to vector<16xi32>
        %lt3A_212 = arith.cmpi slt, %broadcast_in_dim3A_10, %lt3A_211 : vector<16xi32>
        %add3A_213 = arith.constant 16 : i32
        %add3A_214 = vector.broadcast %add3A_213 : i32 to vector<16xi32>
        %add3A_215 = arith.addi %broadcast_in_dim3A_10, %add3A_214 : vector<16xi32>
        %select_n3A_216 = arith.select %lt3A_212, %add3A_215, %broadcast_in_dim3A_10 : vector<16xi1>, vector<16xi32>
        %broadcast_in_dim3A_217 = vector.shape_cast %select_n3A_216 : vector<16xi32> to vector<16x1xi32>
        %gather3A_218 = vector.shape_cast %broadcast_in_dim3A_217 : vector<16x1xi32> to vector<16xi32>
        %gather3A_219 = tpu.dynamic_gather %masked_cumsum3A[%gather3A_218] in [0] : vector<16xf32>, vector<16xi32> -> vector<16xf32>
        %lt3A_220 = arith.constant 0 : i32
        %lt3A_221 = vector.broadcast %lt3A_220 : i32 to vector<16xi32>
        %lt3A_222 = arith.cmpi slt, %broadcast_in_dim3A_10, %lt3A_221 : vector<16xi32>
        %add3A_223 = arith.constant 16 : i32
        %add3A_224 = vector.broadcast %add3A_223 : i32 to vector<16xi32>
        %add3A_225 = arith.addi %broadcast_in_dim3A_10, %add3A_224 : vector<16xi32>
        %select_n3A_226 = arith.select %lt3A_222, %add3A_225, %broadcast_in_dim3A_10 : vector<16xi1>, vector<16xi32>
        %broadcast_in_dim3A_227 = vector.shape_cast %select_n3A_226 : vector<16xi32> to vector<16x1xi32>
        %gather3A_228 = vector.shape_cast %broadcast_in_dim3A_227 : vector<16x1xi32> to vector<16xi32>
        %gather3A_229 = tpu.dynamic_gather %masked_cumsum3A_209[%gather3A_228] in [0] : vector<16xf32>, vector<16xi32> -> vector<16xf32>
        %ne3A = arith.cmpi ne, %get3A_185, %gather3A_193 : vector<16xi32>
        %or3A = arith.ori %ne3A, %eq3A_17 : vector<16xi1>
        %min3A_230 = arith.minimumf %scan3A_175, %mul3A_203 : vector<16xf32>
        %max3A_231 = arith.maximumf %scan3A_176, %mul3A_203 : vector<16xf32>
        %mul3A_232 = arith.constant 8 : i32
        %mul3A_233 = arith.muli %scan3A_174, %mul3A_232 : i32
        %add3A_234 = arith.constant 1 : i32
        %add3A_235 = arith.addi %mul3A_233, %add3A_234 : i32
        %mul3A_236 = arith.constant 16 : i32
        %mul3A_237 = arith.muli %add3A_235, %mul3A_236 : i32
        %get3A_238 = arith.index_cast %mul3A_237 : i32 to index
        %get3A_239 = tpu.vector_load %arg14[%get3A_238] {strides = array<i32>} : memref<8208xi32, #tpu.memory_space<vmem>>, vector<16xi32>,
        %lt3A_240 = arith.constant 0 : i32
        %lt3A_241 = vector.broadcast %lt3A_240 : i32 to vector<16xi32>
        %lt3A_242 = arith.cmpi slt, %min3A_15, %lt3A_241 : vector<16xi32>
        %add3A_243 = arith.constant 16 : i32
        %add3A_244 = vector.broadcast %add3A_243 : i32 to vector<16xi32>
        %add3A_245 = arith.addi %min3A_15, %add3A_244 : vector<16xi32>
        %select_n3A_246 = arith.select %lt3A_242, %add3A_245, %min3A_15 : vector<16xi1>, vector<16xi32>
        %broadcast_in_dim3A_247 = vector.shape_cast %select_n3A_246 : vector<16xi32> to vector<16x1xi32>
        %gather3A_248 = vector.shape_cast %broadcast_in_dim3A_247 : vector<16x1xi32> to vector<16xi32>
        %gather3A_249 = tpu.dynamic_gather %get3A_239[%gather3A_248] in [0] : vector<16xi32>, vector<16xi32> -> vector<16xi32>
        %get3A_250 = arith.index_cast %mul3A_237 : i32 to index
        %get3A_251 = tpu.vector_load %arg15[%get3A_250] {strides = array<i32>} : memref<8192xf32, #tpu.memory_space<vmem>>, vector<16xf32>,
        %get3A_252 = arith.index_cast %mul3A_237 : i32 to index
        %get3A_253 = tpu.vector_load %arg16[%get3A_252] {strides = array<i32>} : memref<8192xf32, #tpu.memory_space<vmem>>, vector<16xf32>,
        %get3A_254 = arith.index_cast %mul3A_237 : i32 to index
        %get3A_255 = tpu.vector_load %arg17[%get3A_254] {strides = array<i32>} : memref<8192xf32, #tpu.memory_space<vmem>>, vector<16xf32>,
        %add3A_256 = arith.addf %get3A_253, %get3A_255 : vector<16xf32>
        %mul3A_257 = arith.constant 5.000000e-01 : f32
        %mul3A_258 = vector.broadcast %mul3A_257 : f32 to vector<16xf32>
        %mul3A_259 = arith.mulf %add3A_256, %mul3A_258 : vector<16xf32>
        %mul3A_260 = arith.mulf %get3A_251, %mul3A_259 : vector<16xf32>
        %broadcast_in_dim3A_261 = arith.constant true
        %broadcast_in_dim3A_262 = vector.broadcast %broadcast_in_dim3A_261 : i1 to vector<16xi1>
        %masked_cumsum3A_263 = tpu.scan <sum>, %mul3A_260 masked %broadcast_in_dim3A_262 : vector<16xf32>, vector<16xi1> -> vector<16xf32>
        %broadcast_in_dim3A_264 = arith.constant true
        %broadcast_in_dim3A_265 = vector.broadcast %broadcast_in_dim3A_264 : i1 to vector<16xi1>
        %masked_cumsum3A_266 = tpu.scan <sum>, %get3A_251 masked %broadcast_in_dim3A_265 : vector<16xf32>, vector<16xi1> -> vector<16xf32>
        %lt3A_267 = arith.constant 0 : i32
        %lt3A_268 = vector.broadcast %lt3A_267 : i32 to vector<16xi32>
        %lt3A_269 = arith.cmpi slt, %broadcast_in_dim3A_10, %lt3A_268 : vector<16xi32>
        %add3A_270 = arith.constant 16 : i32
        %add3A_271 = vector.broadcast %add3A_270 : i32 to vector<16xi32>
        %add3A_272 = arith.addi %broadcast_in_dim3A_10, %add3A_271 : vector<16xi32>
        %select_n3A_273 = arith.select %lt3A_269, %add3A_272, %broadcast_in_dim3A_10 : vector<16xi1>, vector<16xi32>
        %broadcast_in_dim3A_274 = vector.shape_cast %select_n3A_273 : vector<16xi32> to vector<16x1xi32>
        %gather3A_275 = vector.shape_cast %broadcast_in_dim3A_274 : vector<16x1xi32> to vector<16xi32>
        %gather3A_276 = tpu.dynamic_gather %masked_cumsum3A_263[%gather3A_275] in [0] : vector<16xf32>, vector<16xi32> -> vector<16xf32>
        %lt3A_277 = arith.constant 0 : i32
        %lt3A_278 = vector.broadcast %lt3A_277 : i32 to vector<16xi32>
        %lt3A_279 = arith.cmpi slt, %broadcast_in_dim3A_10, %lt3A_278 : vector<16xi32>
        %add3A_280 = arith.constant 16 : i32
        %add3A_281 = vector.broadcast %add3A_280 : i32 to vector<16xi32>
        %add3A_282 = arith.addi %broadcast_in_dim3A_10, %add3A_281 : vector<16xi32>
        %select_n3A_283 = arith.select %lt3A_279, %add3A_282, %broadcast_in_dim3A_10 : vector<16xi1>, vector<16xi32>
        %broadcast_in_dim3A_284 = vector.shape_cast %select_n3A_283 : vector<16xi32> to vector<16x1xi32>
        %gather3A_285 = vector.shape_cast %broadcast_in_dim3A_284 : vector<16x1xi32> to vector<16xi32>
        %gather3A_286 = tpu.dynamic_gather %masked_cumsum3A_266[%gather3A_285] in [0] : vector<16xf32>, vector<16xi32> -> vector<16xf32>
        %ne3A_287 = arith.cmpi ne, %get3A_239, %gather3A_249 : vector<16xi32>
        %or3A_288 = arith.ori %ne3A_287, %eq3A_17 : vector<16xi1>
        %min3A_289 = arith.minimumf %min3A_230, %mul3A_259 : vector<16xf32>
        %max3A_290 = arith.maximumf %max3A_231, %mul3A_259 : vector<16xf32>
        %mul3A_291 = arith.constant 8 : i32
        %mul3A_292 = arith.muli %scan3A_174, %mul3A_291 : i32
        %add3A_293 = arith.constant 2 : i32
        %add3A_294 = arith.addi %mul3A_292, %add3A_293 : i32
        %mul3A_295 = arith.constant 16 : i32
        %mul3A_296 = arith.muli %add3A_294, %mul3A_295 : i32
        %get3A_297 = arith.index_cast %mul3A_296 : i32 to index
        %get3A_298 = tpu.vector_load %arg14[%get3A_297] {strides = array<i32>} : memref<8208xi32, #tpu.memory_space<vmem>>, vector<16xi32>,
        %lt3A_299 = arith.constant 0 : i32
        %lt3A_300 = vector.broadcast %lt3A_299 : i32 to vector<16xi32>
        %lt3A_301 = arith.cmpi slt, %min3A_15, %lt3A_300 : vector<16xi32>
        %add3A_302 = arith.constant 16 : i32
        %add3A_303 = vector.broadcast %add3A_302 : i32 to vector<16xi32>
        %add3A_304 = arith.addi %min3A_15, %add3A_303 : vector<16xi32>
        %select_n3A_305 = arith.select %lt3A_301, %add3A_304, %min3A_15 : vector<16xi1>, vector<16xi32>
        %broadcast_in_dim3A_306 = vector.shape_cast %select_n3A_305 : vector<16xi32> to vector<16x1xi32>
        %gather3A_307 = vector.shape_cast %broadcast_in_dim3A_306 : vector<16x1xi32> to vector<16xi32>
        %gather3A_308 = tpu.dynamic_gather %get3A_298[%gather3A_307] in [0] : vector<16xi32>, vector<16xi32> -> vector<16xi32>
        %get3A_309 = arith.index_cast %mul3A_296 : i32 to index
        %get3A_310 = tpu.vector_load %arg15[%get3A_309] {strides = array<i32>} : memref<8192xf32, #tpu.memory_space<vmem>>, vector<16xf32>,
        %get3A_311 = arith.index_cast %mul3A_296 : i32 to index
        %get3A_312 = tpu.vector_load %arg16[%get3A_311] {strides = array<i32>} : memref<8192xf32, #tpu.memory_space<vmem>>, vector<16xf32>,
        %get3A_313 = arith.index_cast %mul3A_296 : i32 to index
        %get3A_314 = tpu.vector_load %arg17[%get3A_313] {strides = array<i32>} : memref<8192xf32, #tpu.memory_space<vmem>>, vector<16xf32>,
        %add3A_315 = arith.addf %get3A_312, %get3A_314 : vector<16xf32>
        %mul3A_316 = arith.constant 5.000000e-01 : f32
        %mul3A_317 = vector.broadcast %mul3A_316 : f32 to vector<16xf32>
        %mul3A_318 = arith.mulf %add3A_315, %mul3A_317 : vector<16xf32>
        %mul3A_319 = arith.mulf %get3A_310, %mul3A_318 : vector<16xf32>
        %broadcast_in_dim3A_320 = arith.constant true
        %broadcast_in_dim3A_321 = vector.broadcast %broadcast_in_dim3A_320 : i1 to vector<16xi1>
        %masked_cumsum3A_322 = tpu.scan <sum>, %mul3A_319 masked %broadcast_in_dim3A_321 : vector<16xf32>, vector<16xi1> -> vector<16xf32>
        %broadcast_in_dim3A_323 = arith.constant true
        %broadcast_in_dim3A_324 = vector.broadcast %broadcast_in_dim3A_323 : i1 to vector<16xi1>
        %masked_cumsum3A_325 = tpu.scan <sum>, %get3A_310 masked %broadcast_in_dim3A_324 : vector<16xf32>, vector<16xi1> -> vector<16xf32>
        %lt3A_326 = arith.constant 0 : i32
        %lt3A_327 = vector.broadcast %lt3A_326 : i32 to vector<16xi32>
        %lt3A_328 = arith.cmpi slt, %broadcast_in_dim3A_10, %lt3A_327 : vector<16xi32>
        %add3A_329 = arith.constant 16 : i32
        %add3A_330 = vector.broadcast %add3A_329 : i32 to vector<16xi32>
        %add3A_331 = arith.addi %broadcast_in_dim3A_10, %add3A_330 : vector<16xi32>
        %select_n3A_332 = arith.select %lt3A_328, %add3A_331, %broadcast_in_dim3A_10 : vector<16xi1>, vector<16xi32>
        %broadcast_in_dim3A_333 = vector.shape_cast %select_n3A_332 : vector<16xi32> to vector<16x1xi32>
        %gather3A_334 = vector.shape_cast %broadcast_in_dim3A_333 : vector<16x1xi32> to vector<16xi32>
        %gather3A_335 = tpu.dynamic_gather %masked_cumsum3A_322[%gather3A_334] in [0] : vector<16xf32>, vector<16xi32> -> vector<16xf32>
        %lt3A_336 = arith.constant 0 : i32
        %lt3A_337 = vector.broadcast %lt3A_336 : i32 to vector<16xi32>
        %lt3A_338 = arith.cmpi slt, %broadcast_in_dim3A_10, %lt3A_337 : vector<16xi32>
        %add3A_339 = arith.constant 16 : i32
        %add3A_340 = vector.broadcast %add3A_339 : i32 to vector<16xi32>
        %add3A_341 = arith.addi %broadcast_in_dim3A_10, %add3A_340 : vector<16xi32>
        %select_n3A_342 = arith.select %lt3A_338, %add3A_341, %broadcast_in_dim3A_10 : vector<16xi1>, vector<16xi32>
        %broadcast_in_dim3A_343 = vector.shape_cast %select_n3A_342 : vector<16xi32> to vector<16x1xi32>
        %gather3A_344 = vector.shape_cast %broadcast_in_dim3A_343 : vector<16x1xi32> to vector<16xi32>
        %gather3A_345 = tpu.dynamic_gather %masked_cumsum3A_325[%gather3A_344] in [0] : vector<16xf32>, vector<16xi32> -> vector<16xf32>
        %ne3A_346 = arith.cmpi ne, %get3A_298, %gather3A_308 : vector<16xi32>
        %or3A_347 = arith.ori %ne3A_346, %eq3A_17 : vector<16xi1>
        %min3A_348 = arith.minimumf %min3A_289, %mul3A_318 : vector<16xf32>
        %max3A_349 = arith.maximumf %max3A_290, %mul3A_318 : vector<16xf32>
        %mul3A_350 = arith.constant 8 : i32
        %mul3A_351 = arith.muli %scan3A_174, %mul3A_350 : i32
        %add3A_352 = arith.constant 3 : i32
        %add3A_353 = arith.addi %mul3A_351, %add3A_352 : i32
        %mul3A_354 = arith.constant 16 : i32
        %mul3A_355 = arith.muli %add3A_353, %mul3A_354 : i32
        %get3A_356 = arith.index_cast %mul3A_355 : i32 to index
        %get3A_357 = tpu.vector_load %arg14[%get3A_356] {strides = array<i32>} : memref<8208xi32, #tpu.memory_space<vmem>>, vector<16xi32>,
        %lt3A_358 = arith.constant 0 : i32
        %lt3A_359 = vector.broadcast %lt3A_358 : i32 to vector<16xi32>
        %lt3A_360 = arith.cmpi slt, %min3A_15, %lt3A_359 : vector<16xi32>
        %add3A_361 = arith.constant 16 : i32
        %add3A_362 = vector.broadcast %add3A_361 : i32 to vector<16xi32>
        %add3A_363 = arith.addi %min3A_15, %add3A_362 : vector<16xi32>
        %select_n3A_364 = arith.select %lt3A_360, %add3A_363, %min3A_15 : vector<16xi1>, vector<16xi32>
        %broadcast_in_dim3A_365 = vector.shape_cast %select_n3A_364 : vector<16xi32> to vector<16x1xi32>
        %gather3A_366 = vector.shape_cast %broadcast_in_dim3A_365 : vector<16x1xi32> to vector<16xi32>
        %gather3A_367 = tpu.dynamic_gather %get3A_357[%gather3A_366] in [0] : vector<16xi32>, vector<16xi32> -> vector<16xi32>
        %get3A_368 = arith.index_cast %mul3A_355 : i32 to index
        %get3A_369 = tpu.vector_load %arg15[%get3A_368] {strides = array<i32>} : memref<8192xf32, #tpu.memory_space<vmem>>, vector<16xf32>,
        %get3A_370 = arith.index_cast %mul3A_355 : i32 to index
        %get3A_371 = tpu.vector_load %arg16[%get3A_370] {strides = array<i32>} : memref<8192xf32, #tpu.memory_space<vmem>>, vector<16xf32>,
        %get3A_372 = arith.index_cast %mul3A_355 : i32 to index
        %get3A_373 = tpu.vector_load %arg17[%get3A_372] {strides = array<i32>} : memref<8192xf32, #tpu.memory_space<vmem>>, vector<16xf32>,
        %add3A_374 = arith.addf %get3A_371, %get3A_373 : vector<16xf32>
        %mul3A_375 = arith.constant 5.000000e-01 : f32
        %mul3A_376 = vector.broadcast %mul3A_375 : f32 to vector<16xf32>
        %mul3A_377 = arith.mulf %add3A_374, %mul3A_376 : vector<16xf32>
        %mul3A_378 = arith.mulf %get3A_369, %mul3A_377 : vector<16xf32>
        %broadcast_in_dim3A_379 = arith.constant true
        %broadcast_in_dim3A_380 = vector.broadcast %broadcast_in_dim3A_379 : i1 to vector<16xi1>
        %masked_cumsum3A_381 = tpu.scan <sum>, %mul3A_378 masked %broadcast_in_dim3A_380 : vector<16xf32>, vector<16xi1> -> vector<16xf32>
        %broadcast_in_dim3A_382 = arith.constant true
        %broadcast_in_dim3A_383 = vector.broadcast %broadcast_in_dim3A_382 : i1 to vector<16xi1>
        %masked_cumsum3A_384 = tpu.scan <sum>, %get3A_369 masked %broadcast_in_dim3A_383 : vector<16xf32>, vector<16xi1> -> vector<16xf32>
        %lt3A_385 = arith.constant 0 : i32
        %lt3A_386 = vector.broadcast %lt3A_385 : i32 to vector<16xi32>
        %lt3A_387 = arith.cmpi slt, %broadcast_in_dim3A_10, %lt3A_386 : vector<16xi32>
        %add3A_388 = arith.constant 16 : i32
        %add3A_389 = vector.broadcast %add3A_388 : i32 to vector<16xi32>
        %add3A_390 = arith.addi %broadcast_in_dim3A_10, %add3A_389 : vector<16xi32>
        %select_n3A_391 = arith.select %lt3A_387, %add3A_390, %broadcast_in_dim3A_10 : vector<16xi1>, vector<16xi32>
        %broadcast_in_dim3A_392 = vector.shape_cast %select_n3A_391 : vector<16xi32> to vector<16x1xi32>
        %gather3A_393 = vector.shape_cast %broadcast_in_dim3A_392 : vector<16x1xi32> to vector<16xi32>
        %gather3A_394 = tpu.dynamic_gather %masked_cumsum3A_381[%gather3A_393] in [0] : vector<16xf32>, vector<16xi32> -> vector<16xf32>
        %lt3A_395 = arith.constant 0 : i32
        %lt3A_396 = vector.broadcast %lt3A_395 : i32 to vector<16xi32>
        %lt3A_397 = arith.cmpi slt, %broadcast_in_dim3A_10, %lt3A_396 : vector<16xi32>
        %add3A_398 = arith.constant 16 : i32
        %add3A_399 = vector.broadcast %add3A_398 : i32 to vector<16xi32>
        %add3A_400 = arith.addi %broadcast_in_dim3A_10, %add3A_399 : vector<16xi32>
        %select_n3A_401 = arith.select %lt3A_397, %add3A_400, %broadcast_in_dim3A_10 : vector<16xi1>, vector<16xi32>
        %broadcast_in_dim3A_402 = vector.shape_cast %select_n3A_401 : vector<16xi32> to vector<16x1xi32>
        %gather3A_403 = vector.shape_cast %broadcast_in_dim3A_402 : vector<16x1xi32> to vector<16xi32>
        %gather3A_404 = tpu.dynamic_gather %masked_cumsum3A_384[%gather3A_403] in [0] : vector<16xf32>, vector<16xi32> -> vector<16xf32>
        %ne3A_405 = arith.cmpi ne, %get3A_357, %gather3A_367 : vector<16xi32>
        %or3A_406 = arith.ori %ne3A_405, %eq3A_17 : vector<16xi1>
        %min3A_407 = arith.minimumf %min3A_348, %mul3A_377 : vector<16xf32>
        %max3A_408 = arith.maximumf %max3A_349, %mul3A_377 : vector<16xf32>
        %mul3A_409 = arith.constant 8 : i32
        %mul3A_410 = arith.muli %scan3A_174, %mul3A_409 : i32
        %add3A_411 = arith.constant 4 : i32
        %add3A_412 = arith.addi %mul3A_410, %add3A_411 : i32
        %mul3A_413 = arith.constant 16 : i32
        %mul3A_414 = arith.muli %add3A_412, %mul3A_413 : i32
        %get3A_415 = arith.index_cast %mul3A_414 : i32 to index
        %get3A_416 = tpu.vector_load %arg14[%get3A_415] {strides = array<i32>} : memref<8208xi32, #tpu.memory_space<vmem>>, vector<16xi32>,
        %lt3A_417 = arith.constant 0 : i32
        %lt3A_418 = vector.broadcast %lt3A_417 : i32 to vector<16xi32>
        %lt3A_419 = arith.cmpi slt, %min3A_15, %lt3A_418 : vector<16xi32>
        %add3A_420 = arith.constant 16 : i32
        %add3A_421 = vector.broadcast %add3A_420 : i32 to vector<16xi32>
        %add3A_422 = arith.addi %min3A_15, %add3A_421 : vector<16xi32>
        %select_n3A_423 = arith.select %lt3A_419, %add3A_422, %min3A_15 : vector<16xi1>, vector<16xi32>
        %broadcast_in_dim3A_424 = vector.shape_cast %select_n3A_423 : vector<16xi32> to vector<16x1xi32>
        %gather3A_425 = vector.shape_cast %broadcast_in_dim3A_424 : vector<16x1xi32> to vector<16xi32>
        %gather3A_426 = tpu.dynamic_gather %get3A_416[%gather3A_425] in [0] : vector<16xi32>, vector<16xi32> -> vector<16xi32>
        %get3A_427 = arith.index_cast %mul3A_414 : i32 to index
        %get3A_428 = tpu.vector_load %arg15[%get3A_427] {strides = array<i32>} : memref<8192xf32, #tpu.memory_space<vmem>>, vector<16xf32>,
        %get3A_429 = arith.index_cast %mul3A_414 : i32 to index
        %get3A_430 = tpu.vector_load %arg16[%get3A_429] {strides = array<i32>} : memref<8192xf32, #tpu.memory_space<vmem>>, vector<16xf32>,
        %get3A_431 = arith.index_cast %mul3A_414 : i32 to index
        %get3A_432 = tpu.vector_load %arg17[%get3A_431] {strides = array<i32>} : memref<8192xf32, #tpu.memory_space<vmem>>, vector<16xf32>,
        %add3A_433 = arith.addf %get3A_430, %get3A_432 : vector<16xf32>
        %mul3A_434 = arith.constant 5.000000e-01 : f32
        %mul3A_435 = vector.broadcast %mul3A_434 : f32 to vector<16xf32>
        %mul3A_436 = arith.mulf %add3A_433, %mul3A_435 : vector<16xf32>
        %mul3A_437 = arith.mulf %get3A_428, %mul3A_436 : vector<16xf32>
        %broadcast_in_dim3A_438 = arith.constant true
        %broadcast_in_dim3A_439 = vector.broadcast %broadcast_in_dim3A_438 : i1 to vector<16xi1>
        %masked_cumsum3A_440 = tpu.scan <sum>, %mul3A_437 masked %broadcast_in_dim3A_439 : vector<16xf32>, vector<16xi1> -> vector<16xf32>
        %broadcast_in_dim3A_441 = arith.constant true
        %broadcast_in_dim3A_442 = vector.broadcast %broadcast_in_dim3A_441 : i1 to vector<16xi1>
        %masked_cumsum3A_443 = tpu.scan <sum>, %get3A_428 masked %broadcast_in_dim3A_442 : vector<16xf32>, vector<16xi1> -> vector<16xf32>
        %lt3A_444 = arith.constant 0 : i32
        %lt3A_445 = vector.broadcast %lt3A_444 : i32 to vector<16xi32>
        %lt3A_446 = arith.cmpi slt, %broadcast_in_dim3A_10, %lt3A_445 : vector<16xi32>
        %add3A_447 = arith.constant 16 : i32
        %add3A_448 = vector.broadcast %add3A_447 : i32 to vector<16xi32>
        %add3A_449 = arith.addi %broadcast_in_dim3A_10, %add3A_448 : vector<16xi32>
        %select_n3A_450 = arith.select %lt3A_446, %add3A_449, %broadcast_in_dim3A_10 : vector<16xi1>, vector<16xi32>
        %broadcast_in_dim3A_451 = vector.shape_cast %select_n3A_450 : vector<16xi32> to vector<16x1xi32>
        %gather3A_452 = vector.shape_cast %broadcast_in_dim3A_451 : vector<16x1xi32> to vector<16xi32>
        %gather3A_453 = tpu.dynamic_gather %masked_cumsum3A_440[%gather3A_452] in [0] : vector<16xf32>, vector<16xi32> -> vector<16xf32>
        %lt3A_454 = arith.constant 0 : i32
        %lt3A_455 = vector.broadcast %lt3A_454 : i32 to vector<16xi32>
        %lt3A_456 = arith.cmpi slt, %broadcast_in_dim3A_10, %lt3A_455 : vector<16xi32>
        %add3A_457 = arith.constant 16 : i32
        %add3A_458 = vector.broadcast %add3A_457 : i32 to vector<16xi32>
        %add3A_459 = arith.addi %broadcast_in_dim3A_10, %add3A_458 : vector<16xi32>
        %select_n3A_460 = arith.select %lt3A_456, %add3A_459, %broadcast_in_dim3A_10 : vector<16xi1>, vector<16xi32>
        %broadcast_in_dim3A_461 = vector.shape_cast %select_n3A_460 : vector<16xi32> to vector<16x1xi32>
        %gather3A_462 = vector.shape_cast %broadcast_in_dim3A_461 : vector<16x1xi32> to vector<16xi32>
        %gather3A_463 = tpu.dynamic_gather %masked_cumsum3A_443[%gather3A_462] in [0] : vector<16xf32>, vector<16xi32> -> vector<16xf32>
        %ne3A_464 = arith.cmpi ne, %get3A_416, %gather3A_426 : vector<16xi32>
        %or3A_465 = arith.ori %ne3A_464, %eq3A_17 : vector<16xi1>
        %min3A_466 = arith.minimumf %min3A_407, %mul3A_436 : vector<16xf32>
        %max3A_467 = arith.maximumf %max3A_408, %mul3A_436 : vector<16xf32>
        %mul3A_468 = arith.constant 8 : i32
        %mul3A_469 = arith.muli %scan3A_174, %mul3A_468 : i32
        %add3A_470 = arith.constant 5 : i32
        %add3A_471 = arith.addi %mul3A_469, %add3A_470 : i32
        %mul3A_472 = arith.constant 16 : i32
        %mul3A_473 = arith.muli %add3A_471, %mul3A_472 : i32
        %get3A_474 = arith.index_cast %mul3A_473 : i32 to index
        %get3A_475 = tpu.vector_load %arg14[%get3A_474] {strides = array<i32>} : memref<8208xi32, #tpu.memory_space<vmem>>, vector<16xi32>,
        %lt3A_476 = arith.constant 0 : i32
        %lt3A_477 = vector.broadcast %lt3A_476 : i32 to vector<16xi32>
        %lt3A_478 = arith.cmpi slt, %min3A_15, %lt3A_477 : vector<16xi32>
        %add3A_479 = arith.constant 16 : i32
        %add3A_480 = vector.broadcast %add3A_479 : i32 to vector<16xi32>
        %add3A_481 = arith.addi %min3A_15, %add3A_480 : vector<16xi32>
        %select_n3A_482 = arith.select %lt3A_478, %add3A_481, %min3A_15 : vector<16xi1>, vector<16xi32>
        %broadcast_in_dim3A_483 = vector.shape_cast %select_n3A_482 : vector<16xi32> to vector<16x1xi32>
        %gather3A_484 = vector.shape_cast %broadcast_in_dim3A_483 : vector<16x1xi32> to vector<16xi32>
        %gather3A_485 = tpu.dynamic_gather %get3A_475[%gather3A_484] in [0] : vector<16xi32>, vector<16xi32> -> vector<16xi32>
        %get3A_486 = arith.index_cast %mul3A_473 : i32 to index
        %get3A_487 = tpu.vector_load %arg15[%get3A_486] {strides = array<i32>} : memref<8192xf32, #tpu.memory_space<vmem>>, vector<16xf32>,
        %get3A_488 = arith.index_cast %mul3A_473 : i32 to index
        %get3A_489 = tpu.vector_load %arg16[%get3A_488] {strides = array<i32>} : memref<8192xf32, #tpu.memory_space<vmem>>, vector<16xf32>,
        %get3A_490 = arith.index_cast %mul3A_473 : i32 to index
        %get3A_491 = tpu.vector_load %arg17[%get3A_490] {strides = array<i32>} : memref<8192xf32, #tpu.memory_space<vmem>>, vector<16xf32>,
        %add3A_492 = arith.addf %get3A_489, %get3A_491 : vector<16xf32>
        %mul3A_493 = arith.constant 5.000000e-01 : f32
        %mul3A_494 = vector.broadcast %mul3A_493 : f32 to vector<16xf32>
        %mul3A_495 = arith.mulf %add3A_492, %mul3A_494 : vector<16xf32>
        %mul3A_496 = arith.mulf %get3A_487, %mul3A_495 : vector<16xf32>
        %broadcast_in_dim3A_497 = arith.constant true
        %broadcast_in_dim3A_498 = vector.broadcast %broadcast_in_dim3A_497 : i1 to vector<16xi1>
        %masked_cumsum3A_499 = tpu.scan <sum>, %mul3A_496 masked %broadcast_in_dim3A_498 : vector<16xf32>, vector<16xi1> -> vector<16xf32>
        %broadcast_in_dim3A_500 = arith.constant true
        %broadcast_in_dim3A_501 = vector.broadcast %broadcast_in_dim3A_500 : i1 to vector<16xi1>
        %masked_cumsum3A_502 = tpu.scan <sum>, %get3A_487 masked %broadcast_in_dim3A_501 : vector<16xf32>, vector<16xi1> -> vector<16xf32>
        %lt3A_503 = arith.constant 0 : i32
        %lt3A_504 = vector.broadcast %lt3A_503 : i32 to vector<16xi32>
        %lt3A_505 = arith.cmpi slt, %broadcast_in_dim3A_10, %lt3A_504 : vector<16xi32>
        %add3A_506 = arith.constant 16 : i32
        %add3A_507 = vector.broadcast %add3A_506 : i32 to vector<16xi32>
        %add3A_508 = arith.addi %broadcast_in_dim3A_10, %add3A_507 : vector<16xi32>
        %select_n3A_509 = arith.select %lt3A_505, %add3A_508, %broadcast_in_dim3A_10 : vector<16xi1>, vector<16xi32>
        %broadcast_in_dim3A_510 = vector.shape_cast %select_n3A_509 : vector<16xi32> to vector<16x1xi32>
        %gather3A_511 = vector.shape_cast %broadcast_in_dim3A_510 : vector<16x1xi32> to vector<16xi32>
        %gather3A_512 = tpu.dynamic_gather %masked_cumsum3A_499[%gather3A_511] in [0] : vector<16xf32>, vector<16xi32> -> vector<16xf32>
        %lt3A_513 = arith.constant 0 : i32
        %lt3A_514 = vector.broadcast %lt3A_513 : i32 to vector<16xi32>
        %lt3A_515 = arith.cmpi slt, %broadcast_in_dim3A_10, %lt3A_514 : vector<16xi32>
        %add3A_516 = arith.constant 16 : i32
        %add3A_517 = vector.broadcast %add3A_516 : i32 to vector<16xi32>
        %add3A_518 = arith.addi %broadcast_in_dim3A_10, %add3A_517 : vector<16xi32>
        %select_n3A_519 = arith.select %lt3A_515, %add3A_518, %broadcast_in_dim3A_10 : vector<16xi1>, vector<16xi32>
        %broadcast_in_dim3A_520 = vector.shape_cast %select_n3A_519 : vector<16xi32> to vector<16x1xi32>
        %gather3A_521 = vector.shape_cast %broadcast_in_dim3A_520 : vector<16x1xi32> to vector<16xi32>
        %gather3A_522 = tpu.dynamic_gather %masked_cumsum3A_502[%gather3A_521] in [0] : vector<16xf32>, vector<16xi32> -> vector<16xf32>
        %ne3A_523 = arith.cmpi ne, %get3A_475, %gather3A_485 : vector<16xi32>
        %or3A_524 = arith.ori %ne3A_523, %eq3A_17 : vector<16xi1>
        %min3A_525 = arith.minimumf %min3A_466, %mul3A_495 : vector<16xf32>
        %max3A_526 = arith.maximumf %max3A_467, %mul3A_495 : vector<16xf32>
        %mul3A_527 = arith.constant 8 : i32
        %mul3A_528 = arith.muli %scan3A_174, %mul3A_527 : i32
        %add3A_529 = arith.constant 6 : i32
        %add3A_530 = arith.addi %mul3A_528, %add3A_529 : i32
        %mul3A_531 = arith.constant 16 : i32
        %mul3A_532 = arith.muli %add3A_530, %mul3A_531 : i32
        %get3A_533 = arith.index_cast %mul3A_532 : i32 to index
        %get3A_534 = tpu.vector_load %arg14[%get3A_533] {strides = array<i32>} : memref<8208xi32, #tpu.memory_space<vmem>>, vector<16xi32>,
        %lt3A_535 = arith.constant 0 : i32
        %lt3A_536 = vector.broadcast %lt3A_535 : i32 to vector<16xi32>
        %lt3A_537 = arith.cmpi slt, %min3A_15, %lt3A_536 : vector<16xi32>
        %add3A_538 = arith.constant 16 : i32
        %add3A_539 = vector.broadcast %add3A_538 : i32 to vector<16xi32>
        %add3A_540 = arith.addi %min3A_15, %add3A_539 : vector<16xi32>
        %select_n3A_541 = arith.select %lt3A_537, %add3A_540, %min3A_15 : vector<16xi1>, vector<16xi32>
        %broadcast_in_dim3A_542 = vector.shape_cast %select_n3A_541 : vector<16xi32> to vector<16x1xi32>
        %gather3A_543 = vector.shape_cast %broadcast_in_dim3A_542 : vector<16x1xi32> to vector<16xi32>
        %gather3A_544 = tpu.dynamic_gather %get3A_534[%gather3A_543] in [0] : vector<16xi32>, vector<16xi32> -> vector<16xi32>
        %get3A_545 = arith.index_cast %mul3A_532 : i32 to index
        %get3A_546 = tpu.vector_load %arg15[%get3A_545] {strides = array<i32>} : memref<8192xf32, #tpu.memory_space<vmem>>, vector<16xf32>,
        %get3A_547 = arith.index_cast %mul3A_532 : i32 to index
        %get3A_548 = tpu.vector_load %arg16[%get3A_547] {strides = array<i32>} : memref<8192xf32, #tpu.memory_space<vmem>>, vector<16xf32>,
        %get3A_549 = arith.index_cast %mul3A_532 : i32 to index
        %get3A_550 = tpu.vector_load %arg17[%get3A_549] {strides = array<i32>} : memref<8192xf32, #tpu.memory_space<vmem>>, vector<16xf32>,
        %add3A_551 = arith.addf %get3A_548, %get3A_550 : vector<16xf32>
        %mul3A_552 = arith.constant 5.000000e-01 : f32
        %mul3A_553 = vector.broadcast %mul3A_552 : f32 to vector<16xf32>
        %mul3A_554 = arith.mulf %add3A_551, %mul3A_553 : vector<16xf32>
        %mul3A_555 = arith.mulf %get3A_546, %mul3A_554 : vector<16xf32>
        %broadcast_in_dim3A_556 = arith.constant true
        %broadcast_in_dim3A_557 = vector.broadcast %broadcast_in_dim3A_556 : i1 to vector<16xi1>
        %masked_cumsum3A_558 = tpu.scan <sum>, %mul3A_555 masked %broadcast_in_dim3A_557 : vector<16xf32>, vector<16xi1> -> vector<16xf32>
        %broadcast_in_dim3A_559 = arith.constant true
        %broadcast_in_dim3A_560 = vector.broadcast %broadcast_in_dim3A_559 : i1 to vector<16xi1>
        %masked_cumsum3A_561 = tpu.scan <sum>, %get3A_546 masked %broadcast_in_dim3A_560 : vector<16xf32>, vector<16xi1> -> vector<16xf32>
        %lt3A_562 = arith.constant 0 : i32
        %lt3A_563 = vector.broadcast %lt3A_562 : i32 to vector<16xi32>
        %lt3A_564 = arith.cmpi slt, %broadcast_in_dim3A_10, %lt3A_563 : vector<16xi32>
        %add3A_565 = arith.constant 16 : i32
        %add3A_566 = vector.broadcast %add3A_565 : i32 to vector<16xi32>
        %add3A_567 = arith.addi %broadcast_in_dim3A_10, %add3A_566 : vector<16xi32>
        %select_n3A_568 = arith.select %lt3A_564, %add3A_567, %broadcast_in_dim3A_10 : vector<16xi1>, vector<16xi32>
        %broadcast_in_dim3A_569 = vector.shape_cast %select_n3A_568 : vector<16xi32> to vector<16x1xi32>
        %gather3A_570 = vector.shape_cast %broadcast_in_dim3A_569 : vector<16x1xi32> to vector<16xi32>
        %gather3A_571 = tpu.dynamic_gather %masked_cumsum3A_558[%gather3A_570] in [0] : vector<16xf32>, vector<16xi32> -> vector<16xf32>
        %lt3A_572 = arith.constant 0 : i32
        %lt3A_573 = vector.broadcast %lt3A_572 : i32 to vector<16xi32>
        %lt3A_574 = arith.cmpi slt, %broadcast_in_dim3A_10, %lt3A_573 : vector<16xi32>
        %add3A_575 = arith.constant 16 : i32
        %add3A_576 = vector.broadcast %add3A_575 : i32 to vector<16xi32>
        %add3A_577 = arith.addi %broadcast_in_dim3A_10, %add3A_576 : vector<16xi32>
        %select_n3A_578 = arith.select %lt3A_574, %add3A_577, %broadcast_in_dim3A_10 : vector<16xi1>, vector<16xi32>
        %broadcast_in_dim3A_579 = vector.shape_cast %select_n3A_578 : vector<16xi32> to vector<16x1xi32>
        %gather3A_580 = vector.shape_cast %broadcast_in_dim3A_579 : vector<16x1xi32> to vector<16xi32>
        %gather3A_581 = tpu.dynamic_gather %masked_cumsum3A_561[%gather3A_580] in [0] : vector<16xf32>, vector<16xi32> -> vector<16xf32>
        %ne3A_582 = arith.cmpi ne, %get3A_534, %gather3A_544 : vector<16xi32>
        %or3A_583 = arith.ori %ne3A_582, %eq3A_17 : vector<16xi1>
        %min3A_584 = arith.minimumf %min3A_525, %mul3A_554 : vector<16xf32>
        %max3A_585 = arith.maximumf %max3A_526, %mul3A_554 : vector<16xf32>
        %mul3A_586 = arith.constant 8 : i32
        %mul3A_587 = arith.muli %scan3A_174, %mul3A_586 : i32
        %add3A_588 = arith.constant 7 : i32
        %add3A_589 = arith.addi %mul3A_587, %add3A_588 : i32
        %mul3A_590 = arith.constant 16 : i32
        %mul3A_591 = arith.muli %add3A_589, %mul3A_590 : i32
        %get3A_592 = arith.index_cast %mul3A_591 : i32 to index
        %get3A_593 = tpu.vector_load %arg14[%get3A_592] {strides = array<i32>} : memref<8208xi32, #tpu.memory_space<vmem>>, vector<16xi32>,
        %lt3A_594 = arith.constant 0 : i32
        %lt3A_595 = vector.broadcast %lt3A_594 : i32 to vector<16xi32>
        %lt3A_596 = arith.cmpi slt, %min3A_15, %lt3A_595 : vector<16xi32>
        %add3A_597 = arith.constant 16 : i32
        %add3A_598 = vector.broadcast %add3A_597 : i32 to vector<16xi32>
        %add3A_599 = arith.addi %min3A_15, %add3A_598 : vector<16xi32>
        %select_n3A_600 = arith.select %lt3A_596, %add3A_599, %min3A_15 : vector<16xi1>, vector<16xi32>
        %broadcast_in_dim3A_601 = vector.shape_cast %select_n3A_600 : vector<16xi32> to vector<16x1xi32>
        %gather3A_602 = vector.shape_cast %broadcast_in_dim3A_601 : vector<16x1xi32> to vector<16xi32>
        %gather3A_603 = tpu.dynamic_gather %get3A_593[%gather3A_602] in [0] : vector<16xi32>, vector<16xi32> -> vector<16xi32>
        %get3A_604 = arith.index_cast %mul3A_591 : i32 to index
        %get3A_605 = tpu.vector_load %arg15[%get3A_604] {strides = array<i32>} : memref<8192xf32, #tpu.memory_space<vmem>>, vector<16xf32>,
        %get3A_606 = arith.index_cast %mul3A_591 : i32 to index
        %get3A_607 = tpu.vector_load %arg16[%get3A_606] {strides = array<i32>} : memref<8192xf32, #tpu.memory_space<vmem>>, vector<16xf32>,
        %get3A_608 = arith.index_cast %mul3A_591 : i32 to index
        %get3A_609 = tpu.vector_load %arg17[%get3A_608] {strides = array<i32>} : memref<8192xf32, #tpu.memory_space<vmem>>, vector<16xf32>,
        %add3A_610 = arith.addf %get3A_607, %get3A_609 : vector<16xf32>
        %mul3A_611 = arith.constant 5.000000e-01 : f32
        %mul3A_612 = vector.broadcast %mul3A_611 : f32 to vector<16xf32>
        %mul3A_613 = arith.mulf %add3A_610, %mul3A_612 : vector<16xf32>
        %mul3A_614 = arith.mulf %get3A_605, %mul3A_613 : vector<16xf32>
        %broadcast_in_dim3A_615 = arith.constant true
        %broadcast_in_dim3A_616 = vector.broadcast %broadcast_in_dim3A_615 : i1 to vector<16xi1>
        %masked_cumsum3A_617 = tpu.scan <sum>, %mul3A_614 masked %broadcast_in_dim3A_616 : vector<16xf32>, vector<16xi1> -> vector<16xf32>
        %broadcast_in_dim3A_618 = arith.constant true
        %broadcast_in_dim3A_619 = vector.broadcast %broadcast_in_dim3A_618 : i1 to vector<16xi1>
        %masked_cumsum3A_620 = tpu.scan <sum>, %get3A_605 masked %broadcast_in_dim3A_619 : vector<16xf32>, vector<16xi1> -> vector<16xf32>
        %lt3A_621 = arith.constant 0 : i32
        %lt3A_622 = vector.broadcast %lt3A_621 : i32 to vector<16xi32>
        %lt3A_623 = arith.cmpi slt, %broadcast_in_dim3A_10, %lt3A_622 : vector<16xi32>
        %add3A_624 = arith.constant 16 : i32
        %add3A_625 = vector.broadcast %add3A_624 : i32 to vector<16xi32>
        %add3A_626 = arith.addi %broadcast_in_dim3A_10, %add3A_625 : vector<16xi32>
        %select_n3A_627 = arith.select %lt3A_623, %add3A_626, %broadcast_in_dim3A_10 : vector<16xi1>, vector<16xi32>
        %broadcast_in_dim3A_628 = vector.shape_cast %select_n3A_627 : vector<16xi32> to vector<16x1xi32>
        %gather3A_629 = vector.shape_cast %broadcast_in_dim3A_628 : vector<16x1xi32> to vector<16xi32>
        %gather3A_630 = tpu.dynamic_gather %masked_cumsum3A_617[%gather3A_629] in [0] : vector<16xf32>, vector<16xi32> -> vector<16xf32>
        %lt3A_631 = arith.constant 0 : i32
        %lt3A_632 = vector.broadcast %lt3A_631 : i32 to vector<16xi32>
        %lt3A_633 = arith.cmpi slt, %broadcast_in_dim3A_10, %lt3A_632 : vector<16xi32>
        %add3A_634 = arith.constant 16 : i32
        %add3A_635 = vector.broadcast %add3A_634 : i32 to vector<16xi32>
        %add3A_636 = arith.addi %broadcast_in_dim3A_10, %add3A_635 : vector<16xi32>
        %select_n3A_637 = arith.select %lt3A_633, %add3A_636, %broadcast_in_dim3A_10 : vector<16xi1>, vector<16xi32>
        %broadcast_in_dim3A_638 = vector.shape_cast %select_n3A_637 : vector<16xi32> to vector<16x1xi32>
        %gather3A_639 = vector.shape_cast %broadcast_in_dim3A_638 : vector<16x1xi32> to vector<16xi32>
        %gather3A_640 = tpu.dynamic_gather %masked_cumsum3A_620[%gather3A_639] in [0] : vector<16xf32>, vector<16xi32> -> vector<16xf32>
        %ne3A_641 = arith.cmpi ne, %get3A_593, %gather3A_603 : vector<16xi32>
        %or3A_642 = arith.ori %ne3A_641, %eq3A_17 : vector<16xi1>
        %min3A_643 = arith.minimumf %min3A_584, %mul3A_613 : vector<16xf32>
        %max3A_644 = arith.maximumf %max3A_585, %mul3A_613 : vector<16xf32>
        %add3A_645 = arith.addf %scan3A_177, %masked_cumsum3A : vector<16xf32>
        tpu.vector_store_idx %arg18[%get3A_185], %add3A_645 masked %or3A : memref<16384xf32, #tpu.memory_space<vmem>>[vector<16xi32>], vector<16xf32>, vector<16xi1>
        %add3A_646 = arith.addf %scan3A_178, %masked_cumsum3A_209 : vector<16xf32>
        tpu.vector_store_idx %arg19[%get3A_185], %add3A_646 masked %or3A : memref<16384xf32, #tpu.memory_space<vmem>>[vector<16xi32>], vector<16xf32>, vector<16xi1>
        %add3A_647 = arith.addf %scan3A_177, %gather3A_219 : vector<16xf32>
        %add3A_648 = arith.addf %scan3A_178, %gather3A_229 : vector<16xf32>
        %add3A_649 = arith.addf %add3A_647, %masked_cumsum3A_263 : vector<16xf32>
        tpu.vector_store_idx %arg18[%get3A_239], %add3A_649 masked %or3A_288 : memref<16384xf32, #tpu.memory_space<vmem>>[vector<16xi32>], vector<16xf32>, vector<16xi1>
        %add3A_650 = arith.addf %add3A_648, %masked_cumsum3A_266 : vector<16xf32>
        tpu.vector_store_idx %arg19[%get3A_239], %add3A_650 masked %or3A_288 : memref<16384xf32, #tpu.memory_space<vmem>>[vector<16xi32>], vector<16xf32>, vector<16xi1>
        %add3A_651 = arith.addf %add3A_647, %gather3A_276 : vector<16xf32>
        %add3A_652 = arith.addf %add3A_648, %gather3A_286 : vector<16xf32>
        %add3A_653 = arith.addf %add3A_651, %masked_cumsum3A_322 : vector<16xf32>
        tpu.vector_store_idx %arg18[%get3A_298], %add3A_653 masked %or3A_347 : memref<16384xf32, #tpu.memory_space<vmem>>[vector<16xi32>], vector<16xf32>, vector<16xi1>
        %add3A_654 = arith.addf %add3A_652, %masked_cumsum3A_325 : vector<16xf32>
        tpu.vector_store_idx %arg19[%get3A_298], %add3A_654 masked %or3A_347 : memref<16384xf32, #tpu.memory_space<vmem>>[vector<16xi32>], vector<16xf32>, vector<16xi1>
        %add3A_655 = arith.addf %add3A_651, %gather3A_335 : vector<16xf32>
        %add3A_656 = arith.addf %add3A_652, %gather3A_345 : vector<16xf32>
        %add3A_657 = arith.addf %add3A_655, %masked_cumsum3A_381 : vector<16xf32>
        tpu.vector_store_idx %arg18[%get3A_357], %add3A_657 masked %or3A_406 : memref<16384xf32, #tpu.memory_space<vmem>>[vector<16xi32>], vector<16xf32>, vector<16xi1>
        %add3A_658 = arith.addf %add3A_656, %masked_cumsum3A_384 : vector<16xf32>
        tpu.vector_store_idx %arg19[%get3A_357], %add3A_658 masked %or3A_406 : memref<16384xf32, #tpu.memory_space<vmem>>[vector<16xi32>], vector<16xf32>, vector<16xi1>
        %add3A_659 = arith.addf %add3A_655, %gather3A_394 : vector<16xf32>
        %add3A_660 = arith.addf %add3A_656, %gather3A_404 : vector<16xf32>
        %add3A_661 = arith.addf %add3A_659, %masked_cumsum3A_440 : vector<16xf32>
        tpu.vector_store_idx %arg18[%get3A_416], %add3A_661 masked %or3A_465 : memref<16384xf32, #tpu.memory_space<vmem>>[vector<16xi32>], vector<16xf32>, vector<16xi1>
        %add3A_662 = arith.addf %add3A_660, %masked_cumsum3A_443 : vector<16xf32>
        tpu.vector_store_idx %arg19[%get3A_416], %add3A_662 masked %or3A_465 : memref<16384xf32, #tpu.memory_space<vmem>>[vector<16xi32>], vector<16xf32>, vector<16xi1>
        %add3A_663 = arith.addf %add3A_659, %gather3A_453 : vector<16xf32>
        %add3A_664 = arith.addf %add3A_660, %gather3A_463 : vector<16xf32>
        %add3A_665 = arith.addf %add3A_663, %masked_cumsum3A_499 : vector<16xf32>
        tpu.vector_store_idx %arg18[%get3A_475], %add3A_665 masked %or3A_524 : memref<16384xf32, #tpu.memory_space<vmem>>[vector<16xi32>], vector<16xf32>, vector<16xi1>
        %add3A_666 = arith.addf %add3A_664, %masked_cumsum3A_502 : vector<16xf32>
        tpu.vector_store_idx %arg19[%get3A_475], %add3A_666 masked %or3A_524 : memref<16384xf32, #tpu.memory_space<vmem>>[vector<16xi32>], vector<16xf32>, vector<16xi1>
        %add3A_667 = arith.addf %add3A_663, %gather3A_512 : vector<16xf32>
        %add3A_668 = arith.addf %add3A_664, %gather3A_522 : vector<16xf32>
        %add3A_669 = arith.addf %add3A_667, %masked_cumsum3A_558 : vector<16xf32>
        tpu.vector_store_idx %arg18[%get3A_534], %add3A_669 masked %or3A_583 : memref<16384xf32, #tpu.memory_space<vmem>>[vector<16xi32>], vector<16xf32>, vector<16xi1>
        %add3A_670 = arith.addf %add3A_668, %masked_cumsum3A_561 : vector<16xf32>
        tpu.vector_store_idx %arg19[%get3A_534], %add3A_670 masked %or3A_583 : memref<16384xf32, #tpu.memory_space<vmem>>[vector<16xi32>], vector<16xf32>, vector<16xi1>
        %add3A_671 = arith.addf %add3A_667, %gather3A_571 : vector<16xf32>
        %add3A_672 = arith.addf %add3A_668, %gather3A_581 : vector<16xf32>
        %add3A_673 = arith.addf %add3A_671, %masked_cumsum3A_617 : vector<16xf32>
        tpu.vector_store_idx %arg18[%get3A_593], %add3A_673 masked %or3A_642 : memref<16384xf32, #tpu.memory_space<vmem>>[vector<16xi32>], vector<16xf32>, vector<16xi1>
        %add3A_674 = arith.addf %add3A_672, %masked_cumsum3A_620 : vector<16xf32>
        tpu.vector_store_idx %arg19[%get3A_593], %add3A_674 masked %or3A_642 : memref<16384xf32, #tpu.memory_space<vmem>>[vector<16xi32>], vector<16xf32>, vector<16xi1>
        %add3A_675 = arith.addf %add3A_671, %gather3A_630 : vector<16xf32>
        %add3A_676 = arith.addf %add3A_672, %gather3A_640 : vector<16xf32>
        scf.yield %min3A_643, %max3A_644, %add3A_675, %add3A_676 : vector<16xf32>, vector<16xf32>, vector<16xf32>, vector<16xf32>
      }
      %scan3A_173 = arith.constant 64 : i32
      scf.yield %scan3A_172#0, %scan3A_172#1, %scan3A_172#2, %scan3A_172#3 : vector<16xf32>, vector<16xf32>, vector<16xf32>, vector<16xf32>
    }
    %scan3A_40 = arith.constant 4 : i32
    %swap3A = arith.constant 0 : index
    %swap3A_41 = tpu.vector_load %arg20[%swap3A] {strides = array<i32>} : memref<16xf32, #tpu.memory_space<vmem>>, vector<16xf32>,
    tpu.vector_store %arg20[%swap3A], %scan3A_39#0 {strides = array<i32>} : memref<16xf32, #tpu.memory_space<vmem>>, vector<16xf32>,
    %swap3A_42 = arith.constant 0 : index
    %swap3A_43 = tpu.vector_load %arg21[%swap3A_42] {strides = array<i32>} : memref<16xf32, #tpu.memory_space<vmem>>, vector<16xf32>,
    tpu.vector_store %arg21[%swap3A_42], %scan3A_39#1 {strides = array<i32>} : memref<16xf32, #tpu.memory_space<vmem>>, vector<16xf32>,
    %sub3A = arith.constant 1 : i32
    %sub3A_44 = vector.broadcast %sub3A : i32 to vector<16xi32>
    %sub3A_45 = arith.subi %iota3A, %sub3A_44 : vector<16xi32>
    %max3A = arith.constant 0 : i32
    %max3A_46 = vector.broadcast %max3A : i32 to vector<16xi32>
    %max3A_47 = arith.maxsi %sub3A_45, %max3A_46 : vector<16xi32>
    %eq3A_48 = arith.constant 0 : i32
    %eq3A_49 = vector.broadcast %eq3A_48 : i32 to vector<16xi32>
    %eq3A_50 = arith.cmpi eq, %iota3A, %eq3A_49 : vector<16xi32>
    %scan3A_51 = arith.constant 0 : i32
    %scan3A_52 = arith.constant 256 : i32
    %scan3A_53 = arith.addi %scan3A_51, %scan3A_52 : i32
    %scan3A_54 = arith.constant 1 : i32
    %scan3A_55:2 = scf.for %scan3A_104 = %scan3A_51 to %scan3A_53 step %scan3A_54 iter_args(%scan3A_105 = %broadcast_in_dim3A_3, %scan3A_106 = %broadcast_in_dim3A_3) -> (vector<16xf32>, vector<16xf32>)  : i32 {
      %mul3A_107 = arith.constant 4 : i32
      %mul3A_108 = arith.muli %scan3A_104, %mul3A_107 : i32
      %add3A_109 = arith.constant 0 : i32
      %add3A_110 = arith.addi %mul3A_108, %add3A_109 : i32
      %mul3A_111 = arith.constant 16 : i32
      %mul3A_112 = arith.muli %add3A_110, %mul3A_111 : i32
      %get3A = arith.index_cast %mul3A_112 : i32 to index
      %get3A_113 = tpu.vector_load %arg18[%get3A] {strides = array<i32>} : memref<16384xf32, #tpu.memory_space<vmem>>, vector<16xf32>,
      %broadcast_in_dim3A_114 = arith.constant true
      %broadcast_in_dim3A_115 = vector.broadcast %broadcast_in_dim3A_114 : i1 to vector<16xi1>
      %masked_cummax3A = tpu.scan <max>, %get3A_113 masked %broadcast_in_dim3A_115 : vector<16xf32>, vector<16xi1> -> vector<16xf32>
      %get3A_116 = arith.index_cast %mul3A_112 : i32 to index
      %get3A_117 = tpu.vector_load %arg19[%get3A_116] {strides = array<i32>} : memref<16384xf32, #tpu.memory_space<vmem>>, vector<16xf32>,
      %broadcast_in_dim3A_118 = arith.constant true
      %broadcast_in_dim3A_119 = vector.broadcast %broadcast_in_dim3A_118 : i1 to vector<16xi1>
      %masked_cummax3A_120 = tpu.scan <max>, %get3A_117 masked %broadcast_in_dim3A_119 : vector<16xf32>, vector<16xi1> -> vector<16xf32>
      %lt3A = arith.constant 0 : i32
      %lt3A_121 = vector.broadcast %lt3A : i32 to vector<16xi32>
      %lt3A_122 = arith.cmpi slt, %broadcast_in_dim3A_10, %lt3A_121 : vector<16xi32>
      %add3A_123 = arith.constant 16 : i32
      %add3A_124 = vector.broadcast %add3A_123 : i32 to vector<16xi32>
      %add3A_125 = arith.addi %broadcast_in_dim3A_10, %add3A_124 : vector<16xi32>
      %select_n3A = arith.select %lt3A_122, %add3A_125, %broadcast_in_dim3A_10 : vector<16xi1>, vector<16xi32>
      %broadcast_in_dim3A_126 = vector.shape_cast %select_n3A : vector<16xi32> to vector<16x1xi32>
      %gather3A = vector.shape_cast %broadcast_in_dim3A_126 : vector<16x1xi32> to vector<16xi32>
      %gather3A_127 = tpu.dynamic_gather %masked_cummax3A[%gather3A] in [0] : vector<16xf32>, vector<16xi32> -> vector<16xf32>
      %lt3A_128 = arith.constant 0 : i32
      %lt3A_129 = vector.broadcast %lt3A_128 : i32 to vector<16xi32>
      %lt3A_130 = arith.cmpi slt, %broadcast_in_dim3A_10, %lt3A_129 : vector<16xi32>
      %add3A_131 = arith.constant 16 : i32
      %add3A_132 = vector.broadcast %add3A_131 : i32 to vector<16xi32>
      %add3A_133 = arith.addi %broadcast_in_dim3A_10, %add3A_132 : vector<16xi32>
      %select_n3A_134 = arith.select %lt3A_130, %add3A_133, %broadcast_in_dim3A_10 : vector<16xi1>, vector<16xi32>
      %broadcast_in_dim3A_135 = vector.shape_cast %select_n3A_134 : vector<16xi32> to vector<16x1xi32>
      %gather3A_136 = vector.shape_cast %broadcast_in_dim3A_135 : vector<16x1xi32> to vector<16xi32>
      %gather3A_137 = tpu.dynamic_gather %masked_cummax3A_120[%gather3A_136] in [0] : vector<16xf32>, vector<16xi32> -> vector<16xf32>
      %lt3A_138 = arith.constant 0 : i32
      %lt3A_139 = vector.broadcast %lt3A_138 : i32 to vector<16xi32>
      %lt3A_140 = arith.cmpi slt, %max3A_47, %lt3A_139 : vector<16xi32>
      %add3A_141 = arith.constant 16 : i32
      %add3A_142 = vector.broadcast %add3A_141 : i32 to vector<16xi32>
      %add3A_143 = arith.addi %max3A_47, %add3A_142 : vector<16xi32>
      %select_n3A_144 = arith.select %lt3A_140, %add3A_143, %max3A_47 : vector<16xi1>, vector<16xi32>
      %broadcast_in_dim3A_145 = vector.shape_cast %select_n3A_144 : vector<16xi32> to vector<16x1xi32>
      %gather3A_146 = vector.shape_cast %broadcast_in_dim3A_145 : vector<16x1xi32> to vector<16xi32>
      %gather3A_147 = tpu.dynamic_gather %masked_cummax3A[%gather3A_146] in [0] : vector<16xf32>, vector<16xi32> -> vector<16xf32>
      %lt3A_148 = arith.constant 0 : i32
      %lt3A_149 = vector.broadcast %lt3A_148 : i32 to vector<16xi32>
      %lt3A_150 = arith.cmpi slt, %max3A_47, %lt3A_149 : vector<16xi32>
      %add3A_151 = arith.constant 16 : i32
      %add3A_152 = vector.broadcast %add3A_151 : i32 to vector<16xi32>
      %add3A_153 = arith.addi %max3A_47, %add3A_152 : vector<16xi32>
      %select_n3A_154 = arith.select %lt3A_150, %add3A_153, %max3A_47 : vector<16xi1>, vector<16xi32>
      %broadcast_in_dim3A_155 = vector.shape_cast %select_n3A_154 : vector<16xi32> to vector<16x1xi32>
      %gather3A_156 = vector.shape_cast %broadcast_in_dim3A_155 : vector<16x1xi32> to vector<16xi32>
      %gather3A_157 = tpu.dynamic_gather %masked_cummax3A_120[%gather3A_156] in [0] : vector<16xf32>, vector<16xi32> -> vector<16xf32>
      %mul3A_158 = arith.constant 4 : i32
      %mul3A_159 = arith.muli %scan3A_104, %mul3A_158 : i32
      %add3A_160 = arith.constant 1 : i32
      %add3A_161 = arith.addi %mul3A_159, %add3A_160 : i32
      %mul3A_162 = arith.constant 16 : i32
      %mul3A_163 = arith.muli %add3A_161, %mul3A_162 : i32
      %get3A_164 = arith.index_cast %mul3A_163 : i32 to index
      %get3A_165 = tpu.vector_load %arg18[%get3A_164] {strides = array<i32>} : memref<16384xf32, #tpu.memory_space<vmem>>, vector<16xf32>,
      %broadcast_in_dim3A_166 = arith.constant true
      %broadcast_in_dim3A_167 = vector.broadcast %broadcast_in_dim3A_166 : i1 to vector<16xi1>
      %masked_cummax3A_168 = tpu.scan <max>, %get3A_165 masked %broadcast_in_dim3A_167 : vector<16xf32>, vector<16xi1> -> vector<16xf32>
      %get3A_169 = arith.index_cast %mul3A_163 : i32 to index
      %get3A_170 = tpu.vector_load %arg19[%get3A_169] {strides = array<i32>} : memref<16384xf32, #tpu.memory_space<vmem>>, vector<16xf32>,
      %broadcast_in_dim3A_171 = arith.constant true
      %broadcast_in_dim3A_172 = vector.broadcast %broadcast_in_dim3A_171 : i1 to vector<16xi1>
      %masked_cummax3A_173 = tpu.scan <max>, %get3A_170 masked %broadcast_in_dim3A_172 : vector<16xf32>, vector<16xi1> -> vector<16xf32>
      %lt3A_174 = arith.constant 0 : i32
      %lt3A_175 = vector.broadcast %lt3A_174 : i32 to vector<16xi32>
      %lt3A_176 = arith.cmpi slt, %broadcast_in_dim3A_10, %lt3A_175 : vector<16xi32>
      %add3A_177 = arith.constant 16 : i32
      %add3A_178 = vector.broadcast %add3A_177 : i32 to vector<16xi32>
      %add3A_179 = arith.addi %broadcast_in_dim3A_10, %add3A_178 : vector<16xi32>
      %select_n3A_180 = arith.select %lt3A_176, %add3A_179, %broadcast_in_dim3A_10 : vector<16xi1>, vector<16xi32>
      %broadcast_in_dim3A_181 = vector.shape_cast %select_n3A_180 : vector<16xi32> to vector<16x1xi32>
      %gather3A_182 = vector.shape_cast %broadcast_in_dim3A_181 : vector<16x1xi32> to vector<16xi32>
      %gather3A_183 = tpu.dynamic_gather %masked_cummax3A_168[%gather3A_182] in [0] : vector<16xf32>, vector<16xi32> -> vector<16xf32>
      %lt3A_184 = arith.constant 0 : i32
      %lt3A_185 = vector.broadcast %lt3A_184 : i32 to vector<16xi32>
      %lt3A_186 = arith.cmpi slt, %broadcast_in_dim3A_10, %lt3A_185 : vector<16xi32>
      %add3A_187 = arith.constant 16 : i32
      %add3A_188 = vector.broadcast %add3A_187 : i32 to vector<16xi32>
      %add3A_189 = arith.addi %broadcast_in_dim3A_10, %add3A_188 : vector<16xi32>
      %select_n3A_190 = arith.select %lt3A_186, %add3A_189, %broadcast_in_dim3A_10 : vector<16xi1>, vector<16xi32>
      %broadcast_in_dim3A_191 = vector.shape_cast %select_n3A_190 : vector<16xi32> to vector<16x1xi32>
      %gather3A_192 = vector.shape_cast %broadcast_in_dim3A_191 : vector<16x1xi32> to vector<16xi32>
      %gather3A_193 = tpu.dynamic_gather %masked_cummax3A_173[%gather3A_192] in [0] : vector<16xf32>, vector<16xi32> -> vector<16xf32>
      %lt3A_194 = arith.constant 0 : i32
      %lt3A_195 = vector.broadcast %lt3A_194 : i32 to vector<16xi32>
      %lt3A_196 = arith.cmpi slt, %max3A_47, %lt3A_195 : vector<16xi32>
      %add3A_197 = arith.constant 16 : i32
      %add3A_198 = vector.broadcast %add3A_197 : i32 to vector<16xi32>
      %add3A_199 = arith.addi %max3A_47, %add3A_198 : vector<16xi32>
      %select_n3A_200 = arith.select %lt3A_196, %add3A_199, %max3A_47 : vector<16xi1>, vector<16xi32>
      %broadcast_in_dim3A_201 = vector.shape_cast %select_n3A_200 : vector<16xi32> to vector<16x1xi32>
      %gather3A_202 = vector.shape_cast %broadcast_in_dim3A_201 : vector<16x1xi32> to vector<16xi32>
      %gather3A_203 = tpu.dynamic_gather %masked_cummax3A_168[%gather3A_202] in [0] : vector<16xf32>, vector<16xi32> -> vector<16xf32>
      %lt3A_204 = arith.constant 0 : i32
      %lt3A_205 = vector.broadcast %lt3A_204 : i32 to vector<16xi32>
      %lt3A_206 = arith.cmpi slt, %max3A_47, %lt3A_205 : vector<16xi32>
      %add3A_207 = arith.constant 16 : i32
      %add3A_208 = vector.broadcast %add3A_207 : i32 to vector<16xi32>
      %add3A_209 = arith.addi %max3A_47, %add3A_208 : vector<16xi32>
      %select_n3A_210 = arith.select %lt3A_206, %add3A_209, %max3A_47 : vector<16xi1>, vector<16xi32>
      %broadcast_in_dim3A_211 = vector.shape_cast %select_n3A_210 : vector<16xi32> to vector<16x1xi32>
      %gather3A_212 = vector.shape_cast %broadcast_in_dim3A_211 : vector<16x1xi32> to vector<16xi32>
      %gather3A_213 = tpu.dynamic_gather %masked_cummax3A_173[%gather3A_212] in [0] : vector<16xf32>, vector<16xi32> -> vector<16xf32>
      %mul3A_214 = arith.constant 4 : i32
      %mul3A_215 = arith.muli %scan3A_104, %mul3A_214 : i32
      %add3A_216 = arith.constant 2 : i32
      %add3A_217 = arith.addi %mul3A_215, %add3A_216 : i32
      %mul3A_218 = arith.constant 16 : i32
      %mul3A_219 = arith.muli %add3A_217, %mul3A_218 : i32
      %get3A_220 = arith.index_cast %mul3A_219 : i32 to index
      %get3A_221 = tpu.vector_load %arg18[%get3A_220] {strides = array<i32>} : memref<16384xf32, #tpu.memory_space<vmem>>, vector<16xf32>,
      %broadcast_in_dim3A_222 = arith.constant true
      %broadcast_in_dim3A_223 = vector.broadcast %broadcast_in_dim3A_222 : i1 to vector<16xi1>
      %masked_cummax3A_224 = tpu.scan <max>, %get3A_221 masked %broadcast_in_dim3A_223 : vector<16xf32>, vector<16xi1> -> vector<16xf32>
      %get3A_225 = arith.index_cast %mul3A_219 : i32 to index
      %get3A_226 = tpu.vector_load %arg19[%get3A_225] {strides = array<i32>} : memref<16384xf32, #tpu.memory_space<vmem>>, vector<16xf32>,
      %broadcast_in_dim3A_227 = arith.constant true
      %broadcast_in_dim3A_228 = vector.broadcast %broadcast_in_dim3A_227 : i1 to vector<16xi1>
      %masked_cummax3A_229 = tpu.scan <max>, %get3A_226 masked %broadcast_in_dim3A_228 : vector<16xf32>, vector<16xi1> -> vector<16xf32>
      %lt3A_230 = arith.constant 0 : i32
      %lt3A_231 = vector.broadcast %lt3A_230 : i32 to vector<16xi32>
      %lt3A_232 = arith.cmpi slt, %broadcast_in_dim3A_10, %lt3A_231 : vector<16xi32>
      %add3A_233 = arith.constant 16 : i32
      %add3A_234 = vector.broadcast %add3A_233 : i32 to vector<16xi32>
      %add3A_235 = arith.addi %broadcast_in_dim3A_10, %add3A_234 : vector<16xi32>
      %select_n3A_236 = arith.select %lt3A_232, %add3A_235, %broadcast_in_dim3A_10 : vector<16xi1>, vector<16xi32>
      %broadcast_in_dim3A_237 = vector.shape_cast %select_n3A_236 : vector<16xi32> to vector<16x1xi32>
      %gather3A_238 = vector.shape_cast %broadcast_in_dim3A_237 : vector<16x1xi32> to vector<16xi32>
      %gather3A_239 = tpu.dynamic_gather %masked_cummax3A_224[%gather3A_238] in [0] : vector<16xf32>, vector<16xi32> -> vector<16xf32>
      %lt3A_240 = arith.constant 0 : i32
      %lt3A_241 = vector.broadcast %lt3A_240 : i32 to vector<16xi32>
      %lt3A_242 = arith.cmpi slt, %broadcast_in_dim3A_10, %lt3A_241 : vector<16xi32>
      %add3A_243 = arith.constant 16 : i32
      %add3A_244 = vector.broadcast %add3A_243 : i32 to vector<16xi32>
      %add3A_245 = arith.addi %broadcast_in_dim3A_10, %add3A_244 : vector<16xi32>
      %select_n3A_246 = arith.select %lt3A_242, %add3A_245, %broadcast_in_dim3A_10 : vector<16xi1>, vector<16xi32>
      %broadcast_in_dim3A_247 = vector.shape_cast %select_n3A_246 : vector<16xi32> to vector<16x1xi32>
      %gather3A_248 = vector.shape_cast %broadcast_in_dim3A_247 : vector<16x1xi32> to vector<16xi32>
      %gather3A_249 = tpu.dynamic_gather %masked_cummax3A_229[%gather3A_248] in [0] : vector<16xf32>, vector<16xi32> -> vector<16xf32>
      %lt3A_250 = arith.constant 0 : i32
      %lt3A_251 = vector.broadcast %lt3A_250 : i32 to vector<16xi32>
      %lt3A_252 = arith.cmpi slt, %max3A_47, %lt3A_251 : vector<16xi32>
      %add3A_253 = arith.constant 16 : i32
      %add3A_254 = vector.broadcast %add3A_253 : i32 to vector<16xi32>
      %add3A_255 = arith.addi %max3A_47, %add3A_254 : vector<16xi32>
      %select_n3A_256 = arith.select %lt3A_252, %add3A_255, %max3A_47 : vector<16xi1>, vector<16xi32>
      %broadcast_in_dim3A_257 = vector.shape_cast %select_n3A_256 : vector<16xi32> to vector<16x1xi32>
      %gather3A_258 = vector.shape_cast %broadcast_in_dim3A_257 : vector<16x1xi32> to vector<16xi32>
      %gather3A_259 = tpu.dynamic_gather %masked_cummax3A_224[%gather3A_258] in [0] : vector<16xf32>, vector<16xi32> -> vector<16xf32>
      %lt3A_260 = arith.constant 0 : i32
      %lt3A_261 = vector.broadcast %lt3A_260 : i32 to vector<16xi32>
      %lt3A_262 = arith.cmpi slt, %max3A_47, %lt3A_261 : vector<16xi32>
      %add3A_263 = arith.constant 16 : i32
      %add3A_264 = vector.broadcast %add3A_263 : i32 to vector<16xi32>
      %add3A_265 = arith.addi %max3A_47, %add3A_264 : vector<16xi32>
      %select_n3A_266 = arith.select %lt3A_262, %add3A_265, %max3A_47 : vector<16xi1>, vector<16xi32>
      %broadcast_in_dim3A_267 = vector.shape_cast %select_n3A_266 : vector<16xi32> to vector<16x1xi32>
      %gather3A_268 = vector.shape_cast %broadcast_in_dim3A_267 : vector<16x1xi32> to vector<16xi32>
      %gather3A_269 = tpu.dynamic_gather %masked_cummax3A_229[%gather3A_268] in [0] : vector<16xf32>, vector<16xi32> -> vector<16xf32>
      %mul3A_270 = arith.constant 4 : i32
      %mul3A_271 = arith.muli %scan3A_104, %mul3A_270 : i32
      %add3A_272 = arith.constant 3 : i32
      %add3A_273 = arith.addi %mul3A_271, %add3A_272 : i32
      %mul3A_274 = arith.constant 16 : i32
      %mul3A_275 = arith.muli %add3A_273, %mul3A_274 : i32
      %get3A_276 = arith.index_cast %mul3A_275 : i32 to index
      %get3A_277 = tpu.vector_load %arg18[%get3A_276] {strides = array<i32>} : memref<16384xf32, #tpu.memory_space<vmem>>, vector<16xf32>,
      %broadcast_in_dim3A_278 = arith.constant true
      %broadcast_in_dim3A_279 = vector.broadcast %broadcast_in_dim3A_278 : i1 to vector<16xi1>
      %masked_cummax3A_280 = tpu.scan <max>, %get3A_277 masked %broadcast_in_dim3A_279 : vector<16xf32>, vector<16xi1> -> vector<16xf32>
      %get3A_281 = arith.index_cast %mul3A_275 : i32 to index
      %get3A_282 = tpu.vector_load %arg19[%get3A_281] {strides = array<i32>} : memref<16384xf32, #tpu.memory_space<vmem>>, vector<16xf32>,
      %broadcast_in_dim3A_283 = arith.constant true
      %broadcast_in_dim3A_284 = vector.broadcast %broadcast_in_dim3A_283 : i1 to vector<16xi1>
      %masked_cummax3A_285 = tpu.scan <max>, %get3A_282 masked %broadcast_in_dim3A_284 : vector<16xf32>, vector<16xi1> -> vector<16xf32>
      %lt3A_286 = arith.constant 0 : i32
      %lt3A_287 = vector.broadcast %lt3A_286 : i32 to vector<16xi32>
      %lt3A_288 = arith.cmpi slt, %broadcast_in_dim3A_10, %lt3A_287 : vector<16xi32>
      %add3A_289 = arith.constant 16 : i32
      %add3A_290 = vector.broadcast %add3A_289 : i32 to vector<16xi32>
      %add3A_291 = arith.addi %broadcast_in_dim3A_10, %add3A_290 : vector<16xi32>
      %select_n3A_292 = arith.select %lt3A_288, %add3A_291, %broadcast_in_dim3A_10 : vector<16xi1>, vector<16xi32>
      %broadcast_in_dim3A_293 = vector.shape_cast %select_n3A_292 : vector<16xi32> to vector<16x1xi32>
      %gather3A_294 = vector.shape_cast %broadcast_in_dim3A_293 : vector<16x1xi32> to vector<16xi32>
      %gather3A_295 = tpu.dynamic_gather %masked_cummax3A_280[%gather3A_294] in [0] : vector<16xf32>, vector<16xi32> -> vector<16xf32>
      %lt3A_296 = arith.constant 0 : i32
      %lt3A_297 = vector.broadcast %lt3A_296 : i32 to vector<16xi32>
      %lt3A_298 = arith.cmpi slt, %broadcast_in_dim3A_10, %lt3A_297 : vector<16xi32>
      %add3A_299 = arith.constant 16 : i32
      %add3A_300 = vector.broadcast %add3A_299 : i32 to vector<16xi32>
      %add3A_301 = arith.addi %broadcast_in_dim3A_10, %add3A_300 : vector<16xi32>
      %select_n3A_302 = arith.select %lt3A_298, %add3A_301, %broadcast_in_dim3A_10 : vector<16xi1>, vector<16xi32>
      %broadcast_in_dim3A_303 = vector.shape_cast %select_n3A_302 : vector<16xi32> to vector<16x1xi32>
      %gather3A_304 = vector.shape_cast %broadcast_in_dim3A_303 : vector<16x1xi32> to vector<16xi32>
      %gather3A_305 = tpu.dynamic_gather %masked_cummax3A_285[%gather3A_304] in [0] : vector<16xf32>, vector<16xi32> -> vector<16xf32>
      %lt3A_306 = arith.constant 0 : i32
      %lt3A_307 = vector.broadcast %lt3A_306 : i32 to vector<16xi32>
      %lt3A_308 = arith.cmpi slt, %max3A_47, %lt3A_307 : vector<16xi32>
      %add3A_309 = arith.constant 16 : i32
      %add3A_310 = vector.broadcast %add3A_309 : i32 to vector<16xi32>
      %add3A_311 = arith.addi %max3A_47, %add3A_310 : vector<16xi32>
      %select_n3A_312 = arith.select %lt3A_308, %add3A_311, %max3A_47 : vector<16xi1>, vector<16xi32>
      %broadcast_in_dim3A_313 = vector.shape_cast %select_n3A_312 : vector<16xi32> to vector<16x1xi32>
      %gather3A_314 = vector.shape_cast %broadcast_in_dim3A_313 : vector<16x1xi32> to vector<16xi32>
      %gather3A_315 = tpu.dynamic_gather %masked_cummax3A_280[%gather3A_314] in [0] : vector<16xf32>, vector<16xi32> -> vector<16xf32>
      %lt3A_316 = arith.constant 0 : i32
      %lt3A_317 = vector.broadcast %lt3A_316 : i32 to vector<16xi32>
      %lt3A_318 = arith.cmpi slt, %max3A_47, %lt3A_317 : vector<16xi32>
      %add3A_319 = arith.constant 16 : i32
      %add3A_320 = vector.broadcast %add3A_319 : i32 to vector<16xi32>
      %add3A_321 = arith.addi %max3A_47, %add3A_320 : vector<16xi32>
      %select_n3A_322 = arith.select %lt3A_318, %add3A_321, %max3A_47 : vector<16xi1>, vector<16xi32>
      %broadcast_in_dim3A_323 = vector.shape_cast %select_n3A_322 : vector<16xi32> to vector<16x1xi32>
      %gather3A_324 = vector.shape_cast %broadcast_in_dim3A_323 : vector<16x1xi32> to vector<16xi32>
      %gather3A_325 = tpu.dynamic_gather %masked_cummax3A_285[%gather3A_324] in [0] : vector<16xf32>, vector<16xi32> -> vector<16xf32>
      %max3A_326 = arith.maximumf %masked_cummax3A, %scan3A_105 : vector<16xf32>
      %max3A_327 = arith.maximumf %masked_cummax3A_120, %scan3A_106 : vector<16xf32>
      %max3A_328 = arith.maximumf %gather3A_147, %scan3A_105 : vector<16xf32>
      %select_n3A_329 = arith.select %eq3A_50, %scan3A_105, %max3A_328 : vector<16xi1>, vector<16xf32>
      %max3A_330 = arith.maximumf %gather3A_157, %scan3A_106 : vector<16xf32>
      %select_n3A_331 = arith.select %eq3A_50, %scan3A_106, %max3A_330 : vector<16xi1>, vector<16xf32>
      %sub3A_332 = arith.subf %max3A_326, %select_n3A_329 : vector<16xf32>
      %swap3A_333 = arith.index_cast %mul3A_112 : i32 to index
      %swap3A_334 = tpu.vector_load %arg18[%swap3A_333] {strides = array<i32>} : memref<16384xf32, #tpu.memory_space<vmem>>, vector<16xf32>,
      tpu.vector_store %arg18[%swap3A_333], %sub3A_332 {strides = array<i32>} : memref<16384xf32, #tpu.memory_space<vmem>>, vector<16xf32>,
      %sub3A_335 = arith.subf %max3A_327, %select_n3A_331 : vector<16xf32>
      %swap3A_336 = arith.index_cast %mul3A_112 : i32 to index
      %swap3A_337 = tpu.vector_load %arg19[%swap3A_336] {strides = array<i32>} : memref<16384xf32, #tpu.memory_space<vmem>>, vector<16xf32>,
      tpu.vector_store %arg19[%swap3A_336], %sub3A_335 {strides = array<i32>} : memref<16384xf32, #tpu.memory_space<vmem>>, vector<16xf32>,
      %max3A_338 = arith.maximumf %scan3A_105, %gather3A_127 : vector<16xf32>
      %max3A_339 = arith.maximumf %scan3A_106, %gather3A_137 : vector<16xf32>
      %max3A_340 = arith.maximumf %masked_cummax3A_168, %max3A_338 : vector<16xf32>
      %max3A_341 = arith.maximumf %masked_cummax3A_173, %max3A_339 : vector<16xf32>
      %max3A_342 = arith.maximumf %gather3A_203, %max3A_338 : vector<16xf32>
      %select_n3A_343 = arith.select %eq3A_50, %max3A_338, %max3A_342 : vector<16xi1>, vector<16xf32>
      %max3A_344 = arith.maximumf %gather3A_213, %max3A_339 : vector<16xf32>
      %select_n3A_345 = arith.select %eq3A_50, %max3A_339, %max3A_344 : vector<16xi1>, vector<16xf32>
      %sub3A_346 = arith.subf %max3A_340, %select_n3A_343 : vector<16xf32>
      %swap3A_347 = arith.index_cast %mul3A_163 : i32 to index
      %swap3A_348 = tpu.vector_load %arg18[%swap3A_347] {strides = array<i32>} : memref<16384xf32, #tpu.memory_space<vmem>>, vector<16xf32>,
      tpu.vector_store %arg18[%swap3A_347], %sub3A_346 {strides = array<i32>} : memref<16384xf32, #tpu.memory_space<vmem>>, vector<16xf32>,
      %sub3A_349 = arith.subf %max3A_341, %select_n3A_345 : vector<16xf32>
      %swap3A_350 = arith.index_cast %mul3A_163 : i32 to index
      %swap3A_351 = tpu.vector_load %arg19[%swap3A_350] {strides = array<i32>} : memref<16384xf32, #tpu.memory_space<vmem>>, vector<16xf32>,
      tpu.vector_store %arg19[%swap3A_350], %sub3A_349 {strides = array<i32>} : memref<16384xf32, #tpu.memory_space<vmem>>, vector<16xf32>,
      %max3A_352 = arith.maximumf %max3A_338, %gather3A_183 : vector<16xf32>
      %max3A_353 = arith.maximumf %max3A_339, %gather3A_193 : vector<16xf32>
      %max3A_354 = arith.maximumf %masked_cummax3A_224, %max3A_352 : vector<16xf32>
      %max3A_355 = arith.maximumf %masked_cummax3A_229, %max3A_353 : vector<16xf32>
      %max3A_356 = arith.maximumf %gather3A_259, %max3A_352 : vector<16xf32>
      %select_n3A_357 = arith.select %eq3A_50, %max3A_352, %max3A_356 : vector<16xi1>, vector<16xf32>
      %max3A_358 = arith.maximumf %gather3A_269, %max3A_353 : vector<16xf32>
      %select_n3A_359 = arith.select %eq3A_50, %max3A_353, %max3A_358 : vector<16xi1>, vector<16xf32>
      %sub3A_360 = arith.subf %max3A_354, %select_n3A_357 : vector<16xf32>
      %swap3A_361 = arith.index_cast %mul3A_219 : i32 to index
      %swap3A_362 = tpu.vector_load %arg18[%swap3A_361] {strides = array<i32>} : memref<16384xf32, #tpu.memory_space<vmem>>, vector<16xf32>,
      tpu.vector_store %arg18[%swap3A_361], %sub3A_360 {strides = array<i32>} : memref<16384xf32, #tpu.memory_space<vmem>>, vector<16xf32>,
      %sub3A_363 = arith.subf %max3A_355, %select_n3A_359 : vector<16xf32>
      %swap3A_364 = arith.index_cast %mul3A_219 : i32 to index
      %swap3A_365 = tpu.vector_load %arg19[%swap3A_364] {strides = array<i32>} : memref<16384xf32, #tpu.memory_space<vmem>>, vector<16xf32>,
      tpu.vector_store %arg19[%swap3A_364], %sub3A_363 {strides = array<i32>} : memref<16384xf32, #tpu.memory_space<vmem>>, vector<16xf32>,
      %max3A_366 = arith.maximumf %max3A_352, %gather3A_239 : vector<16xf32>
      %max3A_367 = arith.maximumf %max3A_353, %gather3A_249 : vector<16xf32>
      %max3A_368 = arith.maximumf %masked_cummax3A_280, %max3A_366 : vector<16xf32>
      %max3A_369 = arith.maximumf %masked_cummax3A_285, %max3A_367 : vector<16xf32>
      %max3A_370 = arith.maximumf %gather3A_315, %max3A_366 : vector<16xf32>
      %select_n3A_371 = arith.select %eq3A_50, %max3A_366, %max3A_370 : vector<16xi1>, vector<16xf32>
      %max3A_372 = arith.maximumf %gather3A_325, %max3A_367 : vector<16xf32>
      %select_n3A_373 = arith.select %eq3A_50, %max3A_367, %max3A_372 : vector<16xi1>, vector<16xf32>
      %sub3A_374 = arith.subf %max3A_368, %select_n3A_371 : vector<16xf32>
      %swap3A_375 = arith.index_cast %mul3A_275 : i32 to index
      %swap3A_376 = tpu.vector_load %arg18[%swap3A_375] {strides = array<i32>} : memref<16384xf32, #tpu.memory_space<vmem>>, vector<16xf32>,
      tpu.vector_store %arg18[%swap3A_375], %sub3A_374 {strides = array<i32>} : memref<16384xf32, #tpu.memory_space<vmem>>, vector<16xf32>,
      %sub3A_377 = arith.subf %max3A_369, %select_n3A_373 : vector<16xf32>
      %swap3A_378 = arith.index_cast %mul3A_275 : i32 to index
      %swap3A_379 = tpu.vector_load %arg19[%swap3A_378] {strides = array<i32>} : memref<16384xf32, #tpu.memory_space<vmem>>, vector<16xf32>,
      tpu.vector_store %arg19[%swap3A_378], %sub3A_377 {strides = array<i32>} : memref<16384xf32, #tpu.memory_space<vmem>>, vector<16xf32>,
      %max3A_380 = arith.maximumf %max3A_366, %gather3A_295 : vector<16xf32>
      %max3A_381 = arith.maximumf %max3A_367, %gather3A_305 : vector<16xf32>
      scf.yield %max3A_380, %max3A_381 : vector<16xf32>, vector<16xf32>
    }
    %scan3A_56 = arith.constant 256 : i32
    %dma_start3A_57 = arith.constant 0 : i32
    %dma_start3A_58 = tpu.memref_slice %arg6[%add3A, %dma_start3A_57] : memref<32x16384xf32, #tpu.memory_space<hbm>> -> memref<1x16384xf32, #tpu.memory_space<hbm>>
    %dma_start3A_59 = tpu.memref_squeeze %dma_start3A_58 : memref<1x16384xf32, #tpu.memory_space<hbm>> -> memref<16384xf32, #tpu.memory_space<hbm>>
    %dma_start3A_60 = arith.constant 0 : i32
    %dma_start3A_61 = tpu.memref_slice %arg6[%add3A, %dma_start3A_60] : memref<32x16384xf32, #tpu.memory_space<hbm>> -> memref<1x16384xf32, #tpu.memory_space<hbm>>
    %dma_start3A_62 = tpu.memref_squeeze %dma_start3A_61 : memref<1x16384xf32, #tpu.memory_space<hbm>> -> memref<16384xf32, #tpu.memory_space<hbm>>
    tpu.enqueue_dma source(%arg18 : memref<16384xf32, #tpu.memory_space<vmem>>) target(%dma_start3A_62 : memref<16384xf32, #tpu.memory_space<hbm>>) target_semaphore(%arg22 : memref<!tpu.dma_semaphore, #tpu.memory_space<semaphore_mem>>)
    %dma_start3A_63 = arith.constant 0 : i32
    %dma_start3A_64 = tpu.memref_slice %arg7[%add3A, %dma_start3A_63] : memref<32x16384xf32, #tpu.memory_space<hbm>> -> memref<1x16384xf32, #tpu.memory_space<hbm>>
    %dma_start3A_65 = tpu.memref_squeeze %dma_start3A_64 : memref<1x16384xf32, #tpu.memory_space<hbm>> -> memref<16384xf32, #tpu.memory_space<hbm>>
    %dma_start3A_66 = arith.constant 0 : i32
    %dma_start3A_67 = tpu.memref_slice %arg7[%add3A, %dma_start3A_66] : memref<32x16384xf32, #tpu.memory_space<hbm>> -> memref<1x16384xf32, #tpu.memory_space<hbm>>
    %dma_start3A_68 = tpu.memref_squeeze %dma_start3A_67 : memref<1x16384xf32, #tpu.memory_space<hbm>> -> memref<16384xf32, #tpu.memory_space<hbm>>
    tpu.enqueue_dma source(%arg19 : memref<16384xf32, #tpu.memory_space<vmem>>) target(%dma_start3A_68 : memref<16384xf32, #tpu.memory_space<hbm>>) target_semaphore(%arg22 : memref<!tpu.dma_semaphore, #tpu.memory_space<semaphore_mem>>)
    %dma_start3A_69 = arith.constant 0 : i32
    %dma_start3A_70 = tpu.memref_slice %arg8[%add3A, %dma_start3A_69] : memref<32x16xf32, #tpu.memory_space<hbm>> -> memref<1x16xf32, #tpu.memory_space<hbm>>
    %dma_start3A_71 = tpu.memref_squeeze %dma_start3A_70 : memref<1x16xf32, #tpu.memory_space<hbm>> -> memref<16xf32, #tpu.memory_space<hbm>>
    %dma_start3A_72 = arith.constant 0 : i32
    %dma_start3A_73 = tpu.memref_slice %arg8[%add3A, %dma_start3A_72] : memref<32x16xf32, #tpu.memory_space<hbm>> -> memref<1x16xf32, #tpu.memory_space<hbm>>
    %dma_start3A_74 = tpu.memref_squeeze %dma_start3A_73 : memref<1x16xf32, #tpu.memory_space<hbm>> -> memref<16xf32, #tpu.memory_space<hbm>>
    tpu.enqueue_dma source(%arg20 : memref<16xf32, #tpu.memory_space<vmem>>) target(%dma_start3A_74 : memref<16xf32, #tpu.memory_space<hbm>>) target_semaphore(%arg22 : memref<!tpu.dma_semaphore, #tpu.memory_space<semaphore_mem>>)
    %dma_start3A_75 = arith.constant 0 : i32
    %dma_start3A_76 = tpu.memref_slice %arg9[%add3A, %dma_start3A_75] : memref<32x16xf32, #tpu.memory_space<hbm>> -> memref<1x16xf32, #tpu.memory_space<hbm>>
    %dma_start3A_77 = tpu.memref_squeeze %dma_start3A_76 : memref<1x16xf32, #tpu.memory_space<hbm>> -> memref<16xf32, #tpu.memory_space<hbm>>
    %dma_start3A_78 = arith.constant 0 : i32
    %dma_start3A_79 = tpu.memref_slice %arg9[%add3A, %dma_start3A_78] : memref<32x16xf32, #tpu.memory_space<hbm>> -> memref<1x16xf32, #tpu.memory_space<hbm>>
    %dma_start3A_80 = tpu.memref_squeeze %dma_start3A_79 : memref<1x16xf32, #tpu.memory_space<hbm>> -> memref<16xf32, #tpu.memory_space<hbm>>
    tpu.enqueue_dma source(%arg21 : memref<16xf32, #tpu.memory_space<vmem>>) target(%dma_start3A_80 : memref<16xf32, #tpu.memory_space<hbm>>) target_semaphore(%arg22 : memref<!tpu.dma_semaphore, #tpu.memory_space<semaphore_mem>>)
    %dma_wait3A = arith.constant 0 : i32
    %dma_wait3A_81 = tpu.memref_slice %arg6[%add3A, %dma_wait3A] : memref<32x16384xf32, #tpu.memory_space<hbm>> -> memref<1x16384xf32, #tpu.memory_space<hbm>>
    %dma_wait3A_82 = tpu.memref_squeeze %dma_wait3A_81 : memref<1x16384xf32, #tpu.memory_space<hbm>> -> memref<16384xf32, #tpu.memory_space<hbm>>
    %dma_wait3A_83 = arith.constant 0 : i32
    %dma_wait3A_84 = tpu.memref_slice %arg6[%add3A, %dma_wait3A_83] : memref<32x16384xf32, #tpu.memory_space<hbm>> -> memref<1x16384xf32, #tpu.memory_space<hbm>>
    %dma_wait3A_85 = tpu.memref_squeeze %dma_wait3A_84 : memref<1x16384xf32, #tpu.memory_space<hbm>> -> memref<16384xf32, #tpu.memory_space<hbm>>
    tpu.wait_dma2 semaphore(%arg22 : memref<!tpu.dma_semaphore, #tpu.memory_space<semaphore_mem>>) src(%arg18 : memref<16384xf32, #tpu.memory_space<vmem>>) dst(%dma_wait3A_85 : memref<16384xf32, #tpu.memory_space<hbm>>)
    %dma_wait3A_86 = arith.constant 0 : i32
    %dma_wait3A_87 = tpu.memref_slice %arg7[%add3A, %dma_wait3A_86] : memref<32x16384xf32, #tpu.memory_space<hbm>> -> memref<1x16384xf32, #tpu.memory_space<hbm>>
    %dma_wait3A_88 = tpu.memref_squeeze %dma_wait3A_87 : memref<1x16384xf32, #tpu.memory_space<hbm>> -> memref<16384xf32, #tpu.memory_space<hbm>>
    %dma_wait3A_89 = arith.constant 0 : i32
    %dma_wait3A_90 = tpu.memref_slice %arg7[%add3A, %dma_wait3A_89] : memref<32x16384xf32, #tpu.memory_space<hbm>> -> memref<1x16384xf32, #tpu.memory_space<hbm>>
    %dma_wait3A_91 = tpu.memref_squeeze %dma_wait3A_90 : memref<1x16384xf32, #tpu.memory_space<hbm>> -> memref<16384xf32, #tpu.memory_space<hbm>>
    tpu.wait_dma2 semaphore(%arg22 : memref<!tpu.dma_semaphore, #tpu.memory_space<semaphore_mem>>) src(%arg19 : memref<16384xf32, #tpu.memory_space<vmem>>) dst(%dma_wait3A_91 : memref<16384xf32, #tpu.memory_space<hbm>>)
    %dma_wait3A_92 = arith.constant 0 : i32
    %dma_wait3A_93 = tpu.memref_slice %arg8[%add3A, %dma_wait3A_92] : memref<32x16xf32, #tpu.memory_space<hbm>> -> memref<1x16xf32, #tpu.memory_space<hbm>>
    %dma_wait3A_94 = tpu.memref_squeeze %dma_wait3A_93 : memref<1x16xf32, #tpu.memory_space<hbm>> -> memref<16xf32, #tpu.memory_space<hbm>>
    %dma_wait3A_95 = arith.constant 0 : i32
    %dma_wait3A_96 = tpu.memref_slice %arg8[%add3A, %dma_wait3A_95] : memref<32x16xf32, #tpu.memory_space<hbm>> -> memref<1x16xf32, #tpu.memory_space<hbm>>
    %dma_wait3A_97 = tpu.memref_squeeze %dma_wait3A_96 : memref<1x16xf32, #tpu.memory_space<hbm>> -> memref<16xf32, #tpu.memory_space<hbm>>
    tpu.wait_dma2 semaphore(%arg22 : memref<!tpu.dma_semaphore, #tpu.memory_space<semaphore_mem>>) src(%arg20 : memref<16xf32, #tpu.memory_space<vmem>>) dst(%dma_wait3A_97 : memref<16xf32, #tpu.memory_space<hbm>>)
    %dma_wait3A_98 = arith.constant 0 : i32
    %dma_wait3A_99 = tpu.memref_slice %arg9[%add3A, %dma_wait3A_98] : memref<32x16xf32, #tpu.memory_space<hbm>> -> memref<1x16xf32, #tpu.memory_space<hbm>>
    %dma_wait3A_100 = tpu.memref_squeeze %dma_wait3A_99 : memref<1x16xf32, #tpu.memory_space<hbm>> -> memref<16xf32, #tpu.memory_space<hbm>>
    %dma_wait3A_101 = arith.constant 0 : i32
    %dma_wait3A_102 = tpu.memref_slice %arg9[%add3A, %dma_wait3A_101] : memref<32x16xf32, #tpu.memory_space<hbm>> -> memref<1x16xf32, #tpu.memory_space<hbm>>
    %dma_wait3A_103 = tpu.memref_squeeze %dma_wait3A_102 : memref<1x16xf32, #tpu.memory_space<hbm>> -> memref<16xf32, #tpu.memory_space<hbm>>
    tpu.wait_dma2 semaphore(%arg22 : memref<!tpu.dma_semaphore, #tpu.memory_space<semaphore_mem>>) src(%arg21 : memref<16xf32, #tpu.memory_space<vmem>>) dst(%dma_wait3A_103 : memref<16xf32, #tpu.memory_space<hbm>>)
    return
  }
}

module attributes {stable_mosaic.version = 14 : i64} {
  func.func @_finalize_body(%arg0: memref<1xi32, #tpu.memory_space<smem>>, %arg1: memref<32x16384xf32, #tpu.memory_space<vmem>>, %arg2: memref<32x16384xf32, #tpu.memory_space<vmem>>, %arg3: memref<32x16xf32, #tpu.memory_space<vmem>>, %arg4: memref<32x16xf32, #tpu.memory_space<vmem>>, %arg5: memref<1x16384xf32, #tpu.memory_space<vmem>>) attributes {dimension_semantics = [], scalar_prefetch = 0 : i64, scratch_operands = 0 : i64, tpu.core_type = #tpu.core_type<tc>} {
    %get3A = arith.constant 0 : index
    %get3A_0 = arith.constant 0 : index
    %get3A_1 = vector.load %arg1[%get3A, %get3A_0] : memref<32x16384xf32, #tpu.memory_space<vmem>>, vector<32x16384xf32>
    %reduce_sum3A = arith.constant dense<0.000000e+00> : vector<16384xf32>
    %reduce_sum3A_2 = vector.multi_reduction <add>, %get3A_1, %reduce_sum3A [0] : vector<32x16384xf32> to vector<16384xf32>
    %broadcast_in_dim3A = vector.shape_cast %reduce_sum3A_2 : vector<16384xf32> to vector<1x16384xf32>
    %get3A_3 = arith.constant 0 : index
    %get3A_4 = arith.constant 0 : index
    %get3A_5 = vector.load %arg2[%get3A_3, %get3A_4] : memref<32x16384xf32, #tpu.memory_space<vmem>>, vector<32x16384xf32>
    %reduce_sum3A_6 = arith.constant dense<0.000000e+00> : vector<16384xf32>
    %reduce_sum3A_7 = vector.multi_reduction <add>, %get3A_5, %reduce_sum3A_6 [0] : vector<32x16384xf32> to vector<16384xf32>
    %broadcast_in_dim3A_8 = vector.shape_cast %reduce_sum3A_7 : vector<16384xf32> to vector<1x16384xf32>
    %add3A = arith.constant 1.000000e-10 : f32
    %add3A_9 = vector.broadcast %add3A : f32 to vector<1x16384xf32>
    %add3A_10 = arith.addf %broadcast_in_dim3A_8, %add3A_9 : vector<1x16384xf32>
    %div3A = arith.divf %broadcast_in_dim3A, %add3A_10 : vector<1x16384xf32>
    %get3A_11 = arith.constant 0 : index
    %get3A_12 = arith.constant 0 : index
    %get3A_13 = vector.load %arg3[%get3A_11, %get3A_12] : memref<32x16xf32, #tpu.memory_space<vmem>>, vector<32x16xf32>
    %reduce_min3A = vector.shape_cast %get3A_13 : vector<32x16xf32> to vector<1x32x16xf32>
    %reduce_min3A_14 = arith.constant dense<0x7F800000> : vector<1xf32>
    %reduce_min3A_15 = vector.multi_reduction <minimumf>, %reduce_min3A, %reduce_min3A_14 [1, 2] : vector<1x32x16xf32> to vector<1xf32>
    %reduce_min3A_16 = vector.shape_cast %reduce_min3A_15 : vector<1xf32> to vector<1x1x1xf32>
    %reduce_min3A_17 = vector.extract %reduce_min3A_16[0, 0, 0] : f32 from vector<1x1x1xf32>
    %get3A_18 = arith.constant 0 : index
    %get3A_19 = arith.constant 0 : index
    %get3A_20 = vector.load %arg4[%get3A_18, %get3A_19] : memref<32x16xf32, #tpu.memory_space<vmem>>, vector<32x16xf32>
    %reduce_max3A = vector.shape_cast %get3A_20 : vector<32x16xf32> to vector<1x32x16xf32>
    %reduce_max3A_21 = arith.constant dense<0xFF800000> : vector<1xf32>
    %reduce_max3A_22 = vector.multi_reduction <maximumf>, %reduce_max3A, %reduce_max3A_21 [1, 2] : vector<1x32x16xf32> to vector<1xf32>
    %reduce_max3A_23 = vector.shape_cast %reduce_max3A_22 : vector<1xf32> to vector<1x1x1xf32>
    %reduce_max3A_24 = vector.extract %reduce_max3A_23[0, 0, 0] : f32 from vector<1x1x1xf32>
    %max3A = vector.broadcast %reduce_min3A_17 : f32 to vector<1x16384xf32>
    %max3A_25 = arith.maximumf %max3A, %div3A : vector<1x16384xf32>
    %min3A = vector.broadcast %reduce_max3A_24 : f32 to vector<1x16384xf32>
    %min3A_26 = arith.minimumf %min3A, %max3A_25 : vector<1x16384xf32>
    %reduce_min3A_27 = vector.shape_cast %min3A_26 : vector<1x16384xf32> to vector<1x1x16384xf32>
    %reduce_min3A_28 = arith.constant dense<0x7F800000> : vector<1xf32>
    %reduce_min3A_29 = vector.multi_reduction <minimumf>, %reduce_min3A_27, %reduce_min3A_28 [1, 2] : vector<1x1x16384xf32> to vector<1xf32>
    %reduce_min3A_30 = vector.shape_cast %reduce_min3A_29 : vector<1xf32> to vector<1x1x1xf32>
    %reduce_min3A_31 = vector.extract %reduce_min3A_30[0, 0, 0] : f32 from vector<1x1x1xf32>
    %reduce_max3A_32 = vector.shape_cast %min3A_26 : vector<1x16384xf32> to vector<1x1x16384xf32>
    %reduce_max3A_33 = arith.constant dense<0xFF800000> : vector<1xf32>
    %reduce_max3A_34 = vector.multi_reduction <maximumf>, %reduce_max3A_32, %reduce_max3A_33 [1, 2] : vector<1x1x16384xf32> to vector<1xf32>
    %reduce_max3A_35 = vector.shape_cast %reduce_max3A_34 : vector<1xf32> to vector<1x1x1xf32>
    %reduce_max3A_36 = vector.extract %reduce_max3A_35[0, 0, 0] : f32 from vector<1x1x1xf32>
    %sub3A = vector.broadcast %reduce_min3A_31 : f32 to vector<1x16384xf32>
    %sub3A_37 = arith.subf %min3A_26, %sub3A : vector<1x16384xf32>
    %sub3A_38 = arith.subf %reduce_max3A_36, %reduce_min3A_31 : f32
    %add3A_39 = arith.constant 1.000000e-10 : f32
    %add3A_40 = arith.addf %sub3A_38, %add3A_39 : f32
    %div3A_41 = vector.broadcast %add3A_40 : f32 to vector<1x16384xf32>
    %div3A_42 = arith.divf %sub3A_37, %div3A_41 : vector<1x16384xf32>
    %sub3A_43 = arith.constant 1.000000e+00 : f32
    %sub3A_44 = vector.broadcast %sub3A_43 : f32 to vector<1x16384xf32>
    %sub3A_45 = arith.subf %sub3A_44, %div3A_42 : vector<1x16384xf32>
    %jit3A = arith.constant 0.000000e+00 : f32
    %jit3A_46 = arith.constant 1.000000e+00 : f32
    %max3A_47 = vector.broadcast %jit3A : f32 to vector<1x16384xf32>
    %max3A_48 = arith.maximumf %max3A_47, %sub3A_45 : vector<1x16384xf32>
    %min3A_49 = vector.broadcast %jit3A_46 : f32 to vector<1x16384xf32>
    %min3A_50 = arith.minimumf %min3A_49, %max3A_48 : vector<1x16384xf32>
    %get3A_51 = arith.constant 0 : index
    %get3A_52 = memref.load %arg0[%get3A_51] : memref<1xi32, #tpu.memory_space<smem>>
    %ne3A = arith.constant 0 : i32
    %ne3A_53 = arith.cmpi ne, %get3A_52, %ne3A : i32
    %select_n3A = arith.select %ne3A_53, %min3A_50, %min3A_26 : vector<1x16384xf32>
    %swap3A = arith.constant 0 : index
    %swap3A_54 = arith.constant 0 : index
    %swap3A_55 = vector.load %arg5[%swap3A, %swap3A_54] : memref<1x16384xf32, #tpu.memory_space<vmem>>, vector<1x16384xf32>
    tpu.vector_store %arg5[%swap3A, %swap3A_54], %select_n3A {strides = array<i32>} : memref<1x16384xf32, #tpu.memory_space<vmem>>, vector<1x16384xf32>,
    return
  }
}

</mosaic_0001>

<sc_bundles>
// kernel: kernel.4.cloned.1.call-start
scs
__scs_entry_jumppad:
0x0: {  	(pc) =	sbr.rel $0x88, $3  }
0x1: {  	(tag) =	ssettag $0x0;
	lr =	simm.s32 $0x1  }
0x2: {  	[smem:$0x3F9C] =	sst lr;
	_ =	strace $0xD0000000  }
0x3: {  	_ = 	snop  }
0x4: {  	_ = 	snop  }
0x5: {  	_ = 	snop  }
0x6: {  	_ = 	snop  }
0x7: {  	_ = 	snop  }
__scs_overlays_trampoline_lowered:
0x8: {  	[smem:$0x3FAB] =	sst s0  }
0x9: {  	[smem:$0x3FAC] =	sst s1  }
0xa: {  	[smem:$0x3FAD] =	sst s2  }
0xb: {  	[smem:$0x3FAE] =	sst s3  }
0xc: {  	[smem:$0x3FAF] =	sst s4  }
0xd: {  	[smem:$0x3FB0] =	sst s5  }
0xe: {  	[smem:$0x3FB1] =	sst s6  }
0xf: {  	[smem:$0x3FB2] =	sst s7  }
0x10: {  	[smem:$0x3FB3] =	sst s8  }
0x11: {  	[smem:$0x3FB4] =	sst s9;
	s0 =	simm.s32 @!p0 $0x0  }
0x12: {  	s1 =	sld [smem:$0x3F9A];
	s0 =	simm.s32 @p0 $0x1  }
0x13: {  	[smem:$0x3FB5] =	sst s0;
	s0 =	simm.s32 @!p1 $0x0  }
0x14: {  	s2 =	sld [smem:$0x3F99];
	s0 =	simm.s32 @p1 $0x1  }
0x15: {  	[smem:$0x3FB6] =	sst s0;
	s0 =	simm.s32 @!p2 $0x0  }
0x16: {  	s3 =	sld [smem:$0x3FDB];
	s0 =	simm.s32 @p2 $0x1  }
0x17: {  	s4 =	simm.s32 $0x1BF5;
	[smem:$0x3FB8] =	sst s0  }
0x18: {  	s0 =	sld [smem:$0x3F9B];
	_ =	swait.ge [sflag:s4], $0x0  }
0x19: {  	s7 =	sld [smem:$0x3F9C]  }
0x1a: {  	s8 =	sadd.s32 $0xFFFFE003, lr  }
0x1b: {  	s9 =	sadd.s32 $0xFFFFFEF7, lr;
	s5 =	simm.s32 $0xFFFFFFFF;
	p2 =	slt.u32 s8, $0xFFFFF086  }
0x1c: {  	p1 =	slt.u32 s9, $0xF7A;
	s5 =	simm.s32 @!p2 $0x0  }
0x1d: {  	s5 =	simm.s32 @p1 $0x1;
	p0 =	seq.s32 s7, s2  }
0x1e: {  	s7 =	smul.u32 @!p0 $0xF7A, s2;
	p2 =	seq.s32 @!p0 s5, $0x0  }
0x1f: {  	s9 =	smul.u32 $0xF7A, s1;
	s8 =	simm.s32 @!p0 $0x1BF5;
	p2 =	por !p2, p0  }
0x20: {  	[sflag:s8] =	ssyncset.s32 @!p0 $0xFFFFF086;
	s6 =	sadd.s32 @!p0 s3, s7;
	s7 =	simm.s32 @!p0 $0x108  }
0x21: {  	s3 =	sadd.s32 s3, s9;
	s6 =	sadd.s32 @!p0 $0x88, s6;
	s7 =	simm.s32 @p2 $0x1082  }
0x22: {  	[simem:s7], [sflag:s8] =	dma.local @!p0 [hbm:s6], $0xF7A  }
0x23: {  	s9 =	sor.u32 $0xD0000000, s2;
	s6 =	simm.s32 $0x108;
	_ =	swait.ge @!p0 [sflag:s8], $0x0  }
0x24: {  	s3 =	sadd.s32 $0x88, s3;
	s6 =	simm.s32 @!p1 $0x1082;
	[sflag:s4] =	ssyncset.s32 $0xFFFFF086  }
0x25: {  	[simem:s6], [sflag:s4] =	dma.local [hbm:s3], $0xF7A  }
0x26: {  	[smem:$0x3F9C] =	sst s1;
	(tag) =	ssettag s2;
	_ =	strace s9  }
0x27: {  	s1 =	sld [smem:$0x3FAC]  }
0x28: {  	s2 =	sld [smem:$0x3FAD]  }
0x29: {  	s4 =	sld [smem:$0x3FAF]  }
0x2a: {  	p0 =	seq.s32 s5, $0x0;
	s5 =	sld [smem:$0x3FB0]  }
0x2b: {  	s6 =	sld [smem:$0x3FB1]  }
0x2c: {  	s7 =	sld [smem:$0x3FB2]  }
0x2d: {  	s3 =	simm.s32 $0x108;
	s8 =	sld [smem:$0x3FB3]  }
0x2e: {  	s3 =	simm.s32 @!p0 $0x1082;
	s9 =	sld [smem:$0x3FB4]  }
0x2f: {  	lr =	sadd.s32 s0, s3;
	s0 =	sld [smem:$0x3FAB]  }
0x30: {  	s3 =	sld [smem:$0x3FAE]  }
0x31: {  	[smem:$0x3FB7] =	sst s10  }
0x32: {  	s10 =	sld [smem:$0x3FB5];
	_ =	sdelay $0x3  }
0x33: {  	p0 =	seq.s32 s10, $0x1;
	s10 =	sld [smem:$0x3FB7];
	_ =	sdelay $0x3  }
0x34: {  	[smem:$0x3FB7] =	sst s10  }
0x35: {  	s10 =	sld [smem:$0x3FB6];
	_ =	sdelay $0x3  }
0x36: {  	p1 =	seq.s32 s10, $0x1;
	s10 =	sld [smem:$0x3FB7];
	_ =	sdelay $0x3  }
0x37: {  	[smem:$0x3FB7] =	sst s10  }
0x38: {  	s10 =	sld [smem:$0x3FB8]  }
0x39: {  	_ = 	snop;
	(pc) =	sbr.ind lr, $3  }
0x3a: {  	_ = 	snop  }
0x3b: {  	_ = 	snop  }
0x3c: {  	p2 =	seq.s32 s10, $0x1;
	s10 =	sld [smem:$0x3FB7]  }
0x3d: {  	_ =	shalt  }
0x3e: {  	_ =	shalt  }
0x3f: {  	_ =	shalt  }
0x40: {  	_ =	shalt  }
0x41: {  	_ =	shalt  }
0x42: {  	_ =	shalt  }
0x43: {  	_ =	shalt  }
0x44: {  	_ =	shalt  }
0x45: {  	_ =	shalt  }
0x46: {  	_ =	shalt  }
0x47: {  	_ =	shalt  }
0x48: {  	_ =	shalt  }
0x49: {  	_ =	shalt  }
0x4a: {  	_ =	shalt  }
0x4b: {  	_ =	shalt  }
0x4c: {  	_ =	shalt  }
0x4d: {  	_ =	shalt  }
0x4e: {  	_ =	shalt  }
0x4f: {  	_ =	shalt  }
0x50: {  	_ =	shalt  }
0x51: {  	_ =	shalt  }
0x52: {  	_ =	shalt  }
0x53: {  	_ =	shalt  }
0x54: {  	_ =	shalt  }
0x55: {  	_ =	shalt  }
0x56: {  	_ =	shalt  }
0x57: {  	_ =	shalt  }
0x58: {  	_ =	shalt  }
0x59: {  	_ =	shalt  }
0x5a: {  	_ =	shalt  }
0x5b: {  	_ =	shalt  }
0x5c: {  	_ =	shalt  }
0x5d: {  	_ =	shalt  }
0x5e: {  	_ =	shalt  }
0x5f: {  	_ =	shalt  }
0x60: {  	_ =	shalt  }
0x61: {  	_ =	shalt  }
0x62: {  	_ =	shalt  }
0x63: {  	_ =	shalt  }
0x64: {  	_ =	shalt  }
0x65: {  	_ =	shalt  }
0x66: {  	_ =	shalt  }
0x67: {  	_ =	shalt  }
0x68: {  	_ =	shalt  }
0x69: {  	_ =	shalt  }
0x6a: {  	_ =	shalt  }
0x6b: {  	_ =	shalt  }
0x6c: {  	_ =	shalt  }
0x6d: {  	_ =	shalt  }
0x6e: {  	_ =	shalt  }
0x6f: {  	_ =	shalt  }
0x70: {  	_ =	shalt  }
0x71: {  	_ =	shalt  }
0x72: {  	_ =	shalt  }
0x73: {  	_ =	shalt  }
0x74: {  	_ =	shalt  }
0x75: {  	_ =	shalt  }
0x76: {  	_ =	shalt  }
0x77: {  	_ =	shalt  }
0x78: {  	_ =	shalt  }
0x79: {  	_ =	shalt  }
0x7a: {  	_ =	shalt  }
0x7b: {  	_ =	shalt  }
0x7c: {  	_ =	shalt  }
0x7d: {  	_ =	shalt  }
0x7e: {  	_ =	shalt  }
0x7f: {  	_ =	shalt  }
0x80: {  	_ =	shalt  }
0x81: {  	_ =	shalt  }
0x82: {  	_ =	shalt  }
0x83: {  	_ =	shalt  }
0x84: {  	_ =	shalt  }
0x85: {  	_ =	shalt  }
0x86: {  	_ =	shalt  }
0x87: {  	_ =	shalt  }
.Lfunc_end0:
.L_simem_size_0:
called_computation_lowered:
.L_overlay_start_0:
0x88: {  	s2 =	sld [smem:$0x3FD9]  }
0x89: {  	s3 =	sld [smem:$0x3FFE];
	_ =	sdelay $0x1  }
0x8a: {  	s1 =	srdreg.scid  }
0x8b: {  	s0 =	sand.u32 $0x1, s1  }
0x8c: {  	s17 =	sshll.u32 s0, $0xA;
	s2 =	sadd.s32 s3, s2  }
0x8d: {  	s2 =	sadd.s32 s2, s17  }
0x8e: {  	[smem:$0x3FC3] =	sst s2  }
0x8f: {  	_ = 	snop  }
0x90: {  	s2 =	sld [smem:$0x3FC9]  }
0x91: {  	s18 =	sld [smem:$0x3FC8]  }
0x92: {  	s4 =	sld [smem:$0x3FC7]  }
0x93: {  	s5 =	sld [smem:$0x3FC6]  }
0x94: {  	s6 =	sld [smem:$0x3FD0];
	(tm) =	ssettm $0x1  }
0x95: {  	s7 =	sld [smem:$0x3FFB];
	_ =	sdelay $0x3  }
0x96: {  	_ =	strace s7  }
0x97: {  	s7 =	sld [smem:$0x3FFC];
	_ =	sdelay $0x3  }
0x98: {  	_ =	strace s7  }
0x99: {  	s7 =	sld [smem:$0x3FFD];
	_ =	sdelay $0x3  }
0x9a: {  	_ =	strace s7  }
0x9b: {  	_ =	strace $0x8FFFFFFF  }
0x9c: {  	s19 =	sld [smem:$0x3FDB];
	_ =	sdelay $0x1  }
0x9d: {  	s8 =	simm.s32 $_scs_section_size  }
0x9e: {  	s9 =	simm.s32 $_size__tile_overlayer_lowered;
	s10 =	simm.s32 $_tile_overlayer_lowered  }
0x9f: {  	s22 =	simm.s32 $0x1BFF;
	s21 =	sshll.u32 s10, $0x1;
	s7 =	sadd.s32 s8, s19  }
0xa0: {  	s11 =	simm.s32 $0x0;
	s20 =	sshll.u32 s9, $0x1;
	s9 =	sadd.s32 s21, s7  }
0xa1: {  	[timem:s11], [sflag:s22] =	dma.local [hbm:s9], s20  }
0xa2: {  	_ =	swait.ge [sflag:s22], s20  }
0xa3: {  	s8 =	ssub.s32 $0x0, s20;
	[sflag:s22] =	ssyncset.done $0x0  }
0xa4: {  	[sflag:s22] =	ssyncadd.s32 s8;
	_ =	sdelay $0x1  }
0xa5: {  	s23 =	simm.s32 $0x1B8B  }
0xa6: {  	_ =	swait.ge [sflag:s23], $0x1  }
0xa7: {  	[sflag:s23] =	ssyncset.done $0x0  }
0xa8: {  	s25 =	simm.s32 $0x1B8E;
	s24 =	sld [smem:$0x3FFE];
	[sflag:s23] =	ssyncadd.s32 $0xFFFFFFFF  }
0xa9: {  	s26 =	simm.s32 $execute0_lowered;
	[smem:$0x3FD2] =	sst s25  }
0xaa: {  	s9 =	sshll.u32 s26, $0x1;
	_ =	strace $0x80000046;
	[dreg:$0x1] =	wrdreg $0xFFFFFFFF  }
0xab: {  	s28 =	simm.s32 $_size_execute0_lowered;
	s7 =	sadd.s32 s7, s9;
	[dreg:$0x0] =	wrdreg $0x0  }
0xac: {  	s9 =	sshll.u32 s28, $0x1;
	[dreg:$0x2] =	wrdreg s7  }
0xad: {  	[dreg:$0x3] =	wrdreg s9  }
0xae: {  	[dreg:$0x4] =	wrdreg $0xC0  }
0xaf: {  	_ =	task [dreg:s11], $0x5FFFF  }
0xb0: {  	[dreg:$0x1] =	wrdreg $0xFFFFFFFF  }
0xb1: {  	[dreg:$0x0] =	wrdreg $0x60  }
0xb2: {  	[dreg:$0x2] =	wrdreg s5  }
0xb3: {  	[dreg:$0x3] =	wrdreg s2  }
0xb4: {  	[dreg:$0x4] =	wrdreg s18  }
0xb5: {  	[dreg:$0x5] =	wrdreg s4  }
0xb6: {  	[dreg:$0x6] =	wrdreg s24  }
0xb7: {  	[dreg:$0x7] =	wrdreg s6  }
0xb8: {  	[dreg:$0x8] =	wrdreg $0x9  }
0xb9: {  	_ =	task.clear_ibuf [dreg:s11], $0x9FFFF;
	_ =	strace $0x90000046  }
0xba: {  	s29 =	simm.s32 $0x9;
	_ =	strace $0x80000048  }
0xbb: {  	_ =	swait.ge [sflag:s29], $0x1  }
0xbc: {  	[sflag:s29] =	ssyncadd.s32 $0xFFFFFFFF  }
0xbd: {  	_ =	strace $0x90000048  }
0xbe: {  	_ =	sfence  }
0xbf: {  	s30 =	sld [smem:$0x0];
	_ =	sdelay $0x2  }
0xc0: {  	s31 =	sshll.u32 s1, $0xD;
	s1 =	sshrl.u32 s1, $0x2  }
0xc1: {  	s3 =	sand.u32 $0x4000, s31;
	s1 =	sadd.s32 s1, s30  }
0xc2: {  	s0 =	sor.u32 s3, s0;
	s1 =	sshll.u32 s1, $0x11  }
0xc3: {  	s0 =	sor.u32 s1, s0  }
0xc4: {  	s0 =	sadd.s32 $0x8F2B, s0  }
0xc5: {  	[sflag:s0] =	ssyncadd.remote.s32 $0x1  }
0xc6: {  	_ =	sfence.sel $0xFFFF  }
0xc7: {  	[dreg:$0x0] =	wrdreg $0xFFFFFFFF;
	(pc) =	sbr.abs _section_cstart, $3  }
0xc8: {  	[dreg:$0x1] =	wrdreg $0xFFFFFFFF  }
0xc9: {  	_ =	task.clear_ibuf [dreg:s11], $0x2FFFF;
	_ =	strace $0x9FFFFFFF  }
0xca: {  	(tm) =	ssettm $0x7FFFFFFF  }
0xcb: {  	_ =	shalt  }
tec
execute0_lowered:
.L_overlay_start_1:
0x0: {  	(tag) =	ssettag $0x1  }
0x1: {  	s0 =	rddreg [dreg:$0x0]  }
0x2: {  	s1 =	rddreg [dreg:$0x1]  }
0x3: {  	s3 =	rddreg [dreg:$0x2]  }
0x4: {  	s4 =	rddreg [dreg:$0x3]  }
0x5: {  	s2 =	rddreg [dreg:$0x4]  }
0x6: {  	s5 =	srdreg.scid;
	s8 =	stileid.u32  }
0x7: {  	s6 =	rddreg [dreg:$0x5];
	s10 =	simm.s32 $0x0;
	s21 =	simm.s32 $0x1  }
0x8: {  	s22 =	simm.s32 $0x8080;
	s23 =	simm.s32 $0xA100;
	s28 =	simm.s32 $0x14100  }
0x9: {  	s29 =	simm.s32 $0x2;
	s30 =	simm.s32 $0x80;
	s31 =	simm.s32 $0x400  }
0xa: {  	s18 =	simm.s32 $0x0;
	s5 =	sand.u32 $0x1, s5;
	s7 =	sshll.u32 s8, $0x1  }
0xb: {  	s8 =	sshrl.u32 s8, $0x2;
	[smem:$0x7FF] =	sst s10;
	s7 =	sor.u32 s5, s7  }
0xc: {  	s24 =	sshll.u32 s8, $0x11;
	_ =	strace $0x80000047;
	s5 =	ssub.s32 $0x2, s5  }
0xd: {  	s8 =	sshll.u32 s8, $0xA;
	s9 =	sshll.u32 s7, $0x7;
	s25 =	sshrl.u32 s5, $0x1  }
0xe: {  	v0 =	vimm.s32 $0xFFEDCBA9;
	v1 =	vimm.s32 $0x87654321;
	s11 =	sshll.u32 s7, $0xD;
	s7 =	sshll.u32 s7, $0x10;
	s9 =	sand.u32 $0x380, s9  }
0xf: {  	v2 =	vimm.s32 $0xEDCBA987;
	v0 =	vunpack.c.l.s4.s8 v0;
	v1 =	vunpack.c.l.s4.s8 v1;
	s5 =	ssub.s32 s5, s25;
	s26 =	sadd.s32 s0, s11;
	s12 =	sor.u32 $0x4000, s7  }
0x10: {  	v3 =	vimm.s32 $0x65432100;
	v2 =	vunpack.c.l.s4.s8 v2;
	s25 =	simm.s32 $0xE100;
	s10 =	sor.u32 s24, s9;
	s8 =	sor.u32 s8, s9  }
0x11: {  	v3 =	vunpack.c.l.s4.s8 v3;
	v0 =	vunpack.c.0.s8.s32 v0;
	v1 =	vunpack.c.0.s8.s32 v1;
	[dreg:$0x7] =	wrdreg s26;
	s9 =	sadd.s32 s1, s11;
	s17 =	smax.u32 s5, $0x1  }
0x12: {  	v2 =	vunpack.c.0.s8.s32 v2;
	s24 =	simm.s32 $0xC100;
	s10 =	sshrl.u32 s10, $0x3;
	s15 =	sshrl.u32 s8, $0x3  }
0x13: {  	v3 =	vunpack.c.0.s8.s32 v3;
	v1 =	vcombine.low v1, v0;
	s26 =	simm.s32 $0x10100;
	s14 =	sadd.s32 s10, s2;
	s2 =	sadd.s32 s15, s2  }
0x14: {  	vm0 =	vcmask $0x3F3C;
	v0 =	vimm.f32 $0.0e+00;
	v4 =	vand.u32 $0xF, v2;
	s10 =	sadd.s32 s3, s11;
	s11 =	sadd.s32 s4, s11;
	s15 =	sadd.s32 s6, s15  }
0x15: {  	v2 =	vimm.s32 $0xF;
	v3 =	vcombine.low v3, v4;
	v1 =	vand.u32 $0xF, v1;
	s13 =	sadd.s32 $0x1000, s14;
	s14 =	sadd.s32 $0x11000, s14;
	s16 =	sadd.s32 $0x21000, s2  }
.LBB2_1:
0x16: {  	s2 =	simm.s32 $0x0;
	s5 =	simm.s32 $0x200  }
.LBB2_2:
0x17: {  	p0 =	sne.s32 s5, $0xFE00;
	[tilespmem:s2+$0x14170] =	vst v0  }
0x18: {  	[tilespmem:s2+$0x10100] =	vst v0  }
0x19: {  	[tilespmem:s2+$0x14100] =	vst v0  }
0x1a: {  	[tilespmem:s2+$0x10110] =	vst v0  }
0x1b: {  	[tilespmem:s2+$0x14110] =	vst v0  }
0x1c: {  	[tilespmem:s2+$0x10120] =	vst v0  }
0x1d: {  	[tilespmem:s2+$0x14120] =	vst v0  }
0x1e: {  	[tilespmem:s2+$0x10130] =	vst v0  }
0x1f: {  	[tilespmem:s2+$0x14130] =	vst v0  }
0x20: {  	[tilespmem:s2+$0x10140] =	vst v0  }
0x21: {  	[tilespmem:s2+$0x14140] =	vst v0  }
.Ltmp0:
0x22: {  	[tilespmem:s2+$0x10150] =	vst v0;
	(pc) =	sbr.rel @p0 .LBB2_2-.Ltmp0, $4  }
0x23: {  	[tilespmem:s2+$0x14150] =	vst v0  }
0x24: {  	[tilespmem:s2+$0x10160] =	vst v0  }
0x25: {  	[tilespmem:s2+$0x14160] =	vst v0  }
0x26: {  	[tilespmem:s2+$0x10170] =	vst v0;
	s2 =	sshra.s32 s5, $0x2;
	s5 =	sadd.s32 $0x200, s5  }
0x27: {  	[tilespmem:s2+$0x14170] =	vst v0  }
0x28: {  	[tilespmem:s2+$0x10100] =	vst v0  }
0x29: {  	[tilespmem:s2+$0x14100] =	vst v0  }
0x2a: {  	[tilespmem:s2+$0x10110] =	vst v0  }
0x2b: {  	[tilespmem:s2+$0x14110] =	vst v0  }
0x2c: {  	[tilespmem:s2+$0x10120] =	vst v0  }
0x2d: {  	[tilespmem:s2+$0x14120] =	vst v0  }
0x2e: {  	[tilespmem:s2+$0x10130] =	vst v0  }
0x2f: {  	[tilespmem:s2+$0x14130] =	vst v0  }
0x30: {  	[tilespmem:s2+$0x10140] =	vst v0  }
0x31: {  	[tilespmem:s2+$0x14140] =	vst v0  }
0x32: {  	[tilespmem:s2+$0x10150] =	vst v0  }
0x33: {  	[tilespmem:s2+$0x14150] =	vst v0  }
0x34: {  	[tilespmem:s2+$0x10160] =	vst v0  }
0x35: {  	[tilespmem:s2+$0x14160] =	vst v0  }
0x36: {  	[tilespmem:s2+$0x10170] =	vst v0;
	s19 =	simm.s32 $0x0;
	s5 =	rddreg [dreg:$0x7]  }
0x37: {  	[tilespmem:s19], [sflag:$0x1] =	stream.linear.gather [hbm4b:s5+s19], $0x2000, $0x38;
	[tilespmem:$0x18200] =	vst v63  }
0x38: {  	s6 =	simm.s32 $0x2080  }
0x39: {  	[tilespmem:s6], [sflag:$0x1] =	stream.linear.gather [hbm4b:s9+s19], $0x2000, $0x38;
	[tilespmem:$0x18200] =	vst v63  }
0x3a: {  	s8 =	simm.s32 $0x4080  }
0x3b: {  	[tilespmem:s8], [sflag:$0x1] =	stream.linear.gather [hbm4b:s10+s19], $0x2000, $0x38;
	[tilespmem:$0x18200] =	vst v63  }
0x3c: {  	s20 =	simm.s32 $0x6080  }
0x3d: {  	v7 =	vimm.f32 $+Inf;
	[tilespmem:s20], [sflag:$0x1] =	stream.linear.gather [hbm4b:s11+s19], $0x2000, $0x38;
	[tilespmem:$0x18200] =	vst v63  }
0x3e: {  	v6 =	vimm.f32 $-Inf;
	v4 =	vimm.f32 $0.0e+00;
	v5 =	vimm.f32 $0.0e+00;
	s20 =	simm.s32 $0x0  }
.LBB2_4:
0x3f: {  	_ =	swait.ge [sflag:s21], $0x2000  }
0x40: {  	[sflag:s21] =	ssyncset.done $0x0  }
0x41: {  	[sflag:s21] =	ssyncadd.s32 $0xFFFFE000  }
0x42: {  	_ =	swait.ge [sflag:s21], $0x2000  }
0x43: {  	[sflag:s21] =	ssyncset.done $0x0  }
0x44: {  	[sflag:s21] =	ssyncadd.s32 $0xFFFFE000  }
0x45: {  	_ =	swait.ge [sflag:s21], $0x2000  }
0x46: {  	s5 =	sshll.u32 s20, $0xE;
	[sflag:s21] =	ssyncset.done $0x0  }
0x47: {  	s2 =	sor.u32 s5, s7;
	[sflag:s21] =	ssyncadd.s32 $0xFFFFE000  }
0x48: {  	s2 =	sshrl.u32 s2, $0x3;
	_ =	swait.ge [sflag:s21], $0x2000  }
0x49: {  	s2 =	sor.u32 $0x400, s2;
	[sflag:s21] =	ssyncset.done $0x0  }
0x4a: {  	s6 =	sadd.s32 s0, s2;
	[sflag:s21] =	ssyncadd.s32 $0xFFFFE000  }
0x4b: {  	[tilespmem:s22], [sflag:$0x2] =	stream.linear.gather [hbm4b:s6+s19], $0x2000, $0x38;
	[tilespmem:$0x18200] =	vst v63  }
0x4c: {  	s8 =	sadd.s32 s1, s2  }
0x4d: {  	[tilespmem:s23], [sflag:$0x2] =	stream.linear.gather [hbm4b:s8+s19], $0x2000, $0x38;
	[tilespmem:$0x18200] =	vst v63  }
0x4e: {  	s8 =	sadd.s32 s3, s2  }
0x4f: {  	[tilespmem:s24], [sflag:$0x2] =	stream.linear.gather [hbm4b:s8+s19], $0x2000, $0x38;
	[tilespmem:$0x18200] =	vst v63  }
0x50: {  	s2 =	sadd.s32 s4, s2  }
0x51: {  	[tilespmem:s25], [sflag:$0x2] =	stream.linear.gather [hbm4b:s2+s19], $0x2000, $0x38;
	[tilespmem:$0x18200] =	vst v63  }
0x52: {  	s2 =	simm.s32 $0x0  }
.LBB2_5:
0x53: {  	s6 =	sshra.s32 s2, $0x2  }
0x54: {  	v8 =	vld [tilespmem:s6+$0x2080]  }
0x55: {  	v9 =	vld [tilespmem:s6+$0x4080]  }
0x56: {  	v10 =	vld [tilespmem:s6+$0x6080]  }
0x57: {  	v11 =	vld [tilespmem:s6+$0x2090]  }
0x58: {  	v12 =	vld [tilespmem:s6+$0x4090]  }
0x59: {  	v13 =	vld [tilespmem:s6+$0x6090]  }
0x5a: {  	v15 =	vld [tilespmem:s6+$0x40A0]  }
0x5b: {  	v16 =	vld [tilespmem:s6+$0x60A0]  }
0x5c: {  	v17 =	vld [tilespmem:s6+$0x40B0]  }
0x5d: {  	v18 =	vld [tilespmem:s6+$0x60B0]  }
0x5e: {  	v40 =	vld [tilespmem:s6+$0x40C0]  }
0x5f: {  	v20 =	vld [tilespmem:s6+$0x60C0]  }
0x60: {  	v22 =	vld [tilespmem:s6+$0x0]  }
0x61: {  	v23 =	vld [tilespmem:s6+$0x20]  }
0x62: {  	v24 =	vld [tilespmem:s6+$0x30]  }
0x63: {  	v30 =	vld [tilespmem:s6+$0x50]  }
0x64: {  	v41 =	vld [tilespmem:s6+$0x40D0]  }
0x65: {  	v42 =	vld [tilespmem:s6+$0x60D0];
	v9 =	vadd.f32 v10, v9  }
0x66: {  	v14 =	vld [tilespmem:s6+$0x20A0];
	v12 =	vadd.f32 v13, v12;
	v51 =	vperm.xlane v22, v1  }
0x67: {  	v39 =	vld [tilespmem:s6+$0x20B0];
	v15 =	vadd.f32 v16, v15;
	v56 =	vperm.xlane v23, v1;
	v9 =	vmul.f32 $5.000000000e-01, v9  }
0x68: {  	v43 =	vld [tilespmem:s6+$0x20C0];
	v17 =	vadd.f32 v18, v17;
	v59 =	vperm.xlane v24, v1;
	v63 =	vperm.xlane v30, v1  }
0x69: {  	v45 =	vld [tilespmem:s6+$0x60E0];
	v13 =	vadd.f32 v20, v40;
	v12 =	vmul.f32 $5.000000000e-01, v12;
	v19 =	vmul.f32 v9, v8  }
0x6a: {  	v46 =	vld [tilespmem:s6+$0x20D0];
	v16 =	vadd.f32 v42, v41;
	v15 =	vmul.f32 $5.000000000e-01, v15;
	v17 =	vmul.f32 $5.000000000e-01, v17  }
0x6b: {  	v60 =	vld [tilespmem:s6+$0x40F0];
	v13 =	vmul.f32 $5.000000000e-01, v13;
	v21 =	vmul.f32 v12, v11;
	(xrf2) =	vadd.scan.msk.f32 $0xffff, v19  }
0x6c: {  	v16 =	vmul.f32 $5.000000000e-01, v16;
	vm1 =	vne.s32 v22, v51;
	vm3 =	vne.s32 v23, v56;
	v19 =	vld [tilespmem:s6+$0x10];
	(xrf2) =	vadd.scan.msk.f32 $0xffff, v8  }
0x6d: {  	vm4 =	vne.s32 v24, v59;
	vm5 =	vne.s32 v30, v63;
	v44 =	vmul.f32 v15, v14;
	v8 =	vld [tilespmem:s6+$0x40E0];
	(xrf2) =	vadd.scan.msk.f32 $0xffff, v21  }
0x6e: {  	v61 =	vld [tilespmem:s6+$0x60F0];
	vm1 =	vmor vm1, vm0;
	v7 =	vmin.f32 v7, v9;
	v6 =	vmax.f32 v6, v9;
	(xrf2) =	vadd.scan.msk.f32 $0xffff, v11  }
0x6f: {  	v29 =	vld [tilespmem:s6+$0x40];
	v47 =	vmul.f32 v17, v39;
	v7 =	vmin.f32 v7, v12;
	v6 =	vmax.f32 v6, v12;
	(xrf2) =	vadd.scan.msk.f32 $0xffff, v44  }
0x70: {  	v48 =	vmul.f32 v13, v43;
	v7 =	vmin.f32 v7, v15;
	v6 =	vmax.f32 v6, v15;
	(xrf2) =	vadd.scan.msk.f32 $0xffff, v14  }
0x71: {  	v49 =	vld [tilespmem:s6+$0x20E0];
	v50 =	vmul.f32 v16, v46;
	v7 =	vmin.f32 v7, v17;
	v6 =	vmax.f32 v6, v17;
	(xrf2) =	vadd.scan.msk.f32 $0xffff, v47  }
0x72: {  	v7 =	vmin.f32 v7, v13;
	v52 =	vperm.xlane v19, v1;
	v8 =	vadd.f32 v45, v8;
	v45 =	vld [tilespmem:s6+$0x20F0];
	(xrf2) =	vadd.scan.msk.f32 $0xffff, v39  }
0x73: {  	v6 =	vmax.f32 v6, v13;
	v7 =	vmin.f32 v7, v16;
	v14 =	vadd.f32 v61, v60  }
0x74: {  	v33 =	vld [tilespmem:s6+$0x60];
	vm2 =	vne.s32 v19, v52;
	v39 =	vperm.xlane v29, v1;
	(xrf2) =	vadd.scan.msk.f32 $0xffff, v48;
	v8 =	vmul.f32 $5.000000000e-01, v8  }
0x75: {  	v6 =	vmax.f32 v6, v16;
	v14 =	vmul.f32 $5.000000000e-01, v14;
	vm2 =	vmor vm2, vm0;
	v20, _, _ =	vpop (xrf2);
	(xrf2) =	vadd.scan.msk.f32 $0xffff, v43;
	v43 =	vld [tilespmem:s6+$0x70]  }
0x76: {  	vm6 =	vne.s32 v29, v39;
	v53 =	vmul.f32 v8, v49;
	v7 =	vmin.f32 v7, v8;
	(xrf2) =	vadd.scan.msk.f32 $0xffff, v50;
	v10, _, _ =	vpop (xrf2)  }
0x77: {  	v6 =	vmax.f32 v6, v8;
	v18 =	vperm.xlane v20, v2;
	v52 =	vmul.f32 v14, v45;
	(xrf2) =	vadd.scan.msk.f32 $0xffff, v46;
	v25, _, _ =	vpop (xrf2)  }
0x78: {  	v20 =	vadd.f32 v20, v5;
	v26 =	vperm.xlane v10, v2;
	v54, _, _ =	vpop (xrf2);
	v27 =	vperm.xlane v25, v2;
	(xrf2) =	vadd.scan.msk.f32 $0xffff, v53  }
0x79: {  	v5 =	vadd.f32 v18, v5;
	v55 =	vperm.xlane v54, v2;
	v28, _, _ =	vpop (xrf2);
	(xrf2) =	vadd.scan.msk.f32 $0xffff, v49;
	v49 =	vperm.xlane v33, v1  }
0x7a: {  	vm3 =	vmor vm3, vm0;
	[tilespmem:v22+s26+$0x0] =	vst.idx.msk vm1, v20;
	v57, _, _ =	vpop (xrf2);
	v58 =	vperm.xlane v28, v2;
	v8 =	vperm.xlane v43, v1  }
0x7b: {  	v53 =	vadd.f32 v25, v5;
	v5 =	vadd.f32 v27, v5;
	v31, _, _ =	vpop (xrf2);
	v32 =	vperm.xlane v57, v2  }
0x7c: {  	v34, _, _ =	vpop (xrf2);
	vm8 =	vne.s32 v43, v8;
	v8 =	vadd.f32 v10, v4;
	v4 =	vadd.f32 v26, v4  }
0x7d: {  	vm7 =	vne.s32 v33, v49;
	v36 =	vperm.xlane v31, v2;
	v37 =	vperm.xlane v34, v2  }
0x7e: {  	vm4 =	vmor vm4, vm0;
	v35, _, _ =	vpop (xrf2);
	[tilespmem:v22+s28+$0x0] =	vst.idx.msk vm1, v8;
	v8 =	vadd.f32 v54, v4;
	v4 =	vadd.f32 v55, v4  }
0x7f: {  	vm6 =	vmor vm6, vm0;
	v54 =	vadd.f32 v28, v5;
	v5 =	vadd.f32 v58, v5;
	v38, _, _ =	vpop (xrf2);
	[tilespmem:v19+s26+$0x0] =	vst.idx.msk vm2, v53  }
0x80: {  	v62 =	vperm.xlane v35, v2;
	(xrf2) =	vadd.scan.msk.f32 $0xffff, v52;
	v40, _, _ =	vpop (xrf2);
	[tilespmem:v19+s28+$0x0] =	vst.idx.msk vm2, v8;
	v8 =	vadd.f32 v57, v4  }
0x81: {  	v41 =	vperm.xlane v38, v2;
	v4 =	vadd.f32 v32, v4;
	v55 =	vadd.f32 v31, v5;
	v42, _, _ =	vpop (xrf2);
	(xrf2) =	vadd.scan.msk.f32 $0xffff, v45  }
0x82: {  	v5 =	vadd.f32 v36, v5;
	v48 =	vperm.xlane v40, v2;
	[tilespmem:v23+s26+$0x0] =	vst.idx.msk vm3, v54  }
0x83: {  	vm1 =	vmor vm5, vm0;
	v46, _, _ =	vpop (xrf2);
	[tilespmem:v23+s28+$0x0] =	vst.idx.msk vm3, v8;
	v8 =	vadd.f32 v34, v4;
	v4 =	vadd.f32 v37, v4  }
0x84: {  	v44 =	vperm.xlane v42, v2;
	v56 =	vadd.f32 v35, v5;
	v5 =	vadd.f32 v62, v5;
	v50, _, _ =	vpop (xrf2)  }
0x85: {  	vm2 =	vmor vm7, vm0;
	v51 =	vperm.xlane v46, v2;
	[tilespmem:v24+s26+$0x0] =	vst.idx.msk vm4, v55;
	v47 =	vperm.xlane v50, v2  }
0x86: {  	[tilespmem:v24+s28+$0x0] =	vst.idx.msk vm4, v8;
	v8 =	vadd.f32 v38, v4;
	v4 =	vadd.f32 v41, v4  }
0x87: {  	vm3 =	vmor vm8, vm0;
	v57 =	vadd.f32 v40, v5;
	v5 =	vadd.f32 v48, v5;
	[tilespmem:v29+s26+$0x0] =	vst.idx.msk vm6, v56  }
0x88: {  	[tilespmem:v29+s28+$0x0] =	vst.idx.msk vm6, v8;
	v8 =	vadd.f32 v42, v4;
	v4 =	vadd.f32 v44, v4  }
0x89: {  	p0 =	sne.s32 s2, $0x7E00;
	v58 =	vadd.f32 v46, v5;
	v5 =	vadd.f32 v51, v5;
	[tilespmem:v30+s26+$0x0] =	vst.idx.msk vm1, v57  }
.Ltmp1:
0x8a: {  	[tilespmem:v30+s28+$0x0] =	vst.idx.msk vm1, v8;
	v8 =	vadd.f32 v50, v4;
	v4 =	vadd.f32 v47, v4;
	v59, _, _ =	vpop (xrf2);
	(pc) =	sbr.rel @p0 .LBB2_5-.Ltmp1, $4  }
0x8b: {  	[tilespmem:v33+s26+$0x0] =	vst.idx.msk vm2, v58;
	v61 =	vperm.xlane v59, v2;
	v62 =	vadd.f32 v59, v5;
	v60, _, _ =	vpop (xrf2)  }
0x8c: {  	[tilespmem:v33+s28+$0x0] =	vst.idx.msk vm2, v8;
	v63 =	vperm.xlane v60, v2;
	v8 =	vadd.f32 v60, v4  }
0x8d: {  	v7 =	vmin.f32 v7, v14;
	v6 =	vmax.f32 v6, v14;
	[tilespmem:v43+s26+$0x0] =	vst.idx.msk vm3, v62  }
0x8e: {  	s2 =	sadd.s32 $0x200, s2;
	v5 =	vadd.f32 v61, v5;
	[tilespmem:v43+s28+$0x0] =	vst.idx.msk vm3, v8;
	v4 =	vadd.f32 v63, v4  }
0x8f: {  	_ =	swait.ge [sflag:s29], $0x2000  }
0x90: {  	[sflag:s29] =	ssyncset.done $0x0  }
0x91: {  	[sflag:s29] =	ssyncadd.s32 $0xFFFFE000  }
0x92: {  	_ =	swait.ge [sflag:s29], $0x2000  }
0x93: {  	[sflag:s29] =	ssyncset.done $0x0  }
0x94: {  	[sflag:s29] =	ssyncadd.s32 $0xFFFFE000  }
0x95: {  	_ =	swait.ge [sflag:s29], $0x2000  }
0x96: {  	[sflag:s29] =	ssyncset.done $0x0  }
0x97: {  	p0 =	seq.s32 s20, $0x3;
	[sflag:s29] =	ssyncadd.s32 $0xFFFFE000  }
0x98: {  	s2 =	sadd.s32 @!p0 s5, s12;
	_ =	swait.ge [sflag:s29], $0x2000  }
0x99: {  	s2 =	sshrl.u32 @!p0 s2, $0x3;
	[sflag:s29] =	ssyncset.done $0x0  }
0x9a: {  	s6 =	simm.s32 @!p0 $0x0;
	s5 =	sadd.s32 @!p0 s0, s2;
	[sflag:s29] =	ssyncadd.s32 $0xFFFFE000  }
0x9b: {  	[tilespmem:s6], [sflag:$0x1] =	stream.linear.gather @!p0 [hbm4b:s5+s6], $0x2000, $0x38;
	[tilespmem:$0x18200] =	vst v63  }
0x9c: {  	s8 =	simm.s32 @!p0 $0x2080;
	s5 =	sadd.s32 @!p0 s1, s2  }
0x9d: {  	[tilespmem:s8], [sflag:$0x1] =	stream.linear.gather @!p0 [hbm4b:s5+s6], $0x2000, $0x38;
	[tilespmem:$0x18200] =	vst v63  }
0x9e: {  	s5 =	sadd.s32 @!p0 s3, s2;
	s8 =	simm.s32 @!p0 $0x4080  }
0x9f: {  	[tilespmem:s8], [sflag:$0x1] =	stream.linear.gather @!p0 [hbm4b:s5+s6], $0x2000, $0x38;
	[tilespmem:$0x18200] =	vst v63  }
0xa0: {  	s2 =	sadd.s32 @!p0 s4, s2;
	s5 =	simm.s32 @!p0 $0x6080  }
0xa1: {  	[tilespmem:s5], [sflag:$0x1] =	stream.linear.gather @!p0 [hbm4b:s2+s6], $0x2000, $0x38;
	[tilespmem:$0x18200] =	vst v63  }
0xa2: {  	s2 =	simm.s32 $0x0  }
.LBB2_7:
0xa3: {  	s5 =	sshra.s32 s2, $0x2  }
0xa4: {  	v8 =	vld [tilespmem:s5+$0xA100]  }
0xa5: {  	v9 =	vld [tilespmem:s5+$0xC100]  }
0xa6: {  	v10 =	vld [tilespmem:s5+$0xE100]  }
0xa7: {  	v11 =	vld [tilespmem:s5+$0xA110]  }
0xa8: {  	v12 =	vld [tilespmem:s5+$0xC110]  }
0xa9: {  	v13 =	vld [tilespmem:s5+$0xE110]  }
0xaa: {  	v15 =	vld [tilespmem:s5+$0xC120]  }
0xab: {  	v16 =	vld [tilespmem:s5+$0xE120]  }
0xac: {  	v17 =	vld [tilespmem:s5+$0xC130]  }
0xad: {  	v18 =	vld [tilespmem:s5+$0xE130]  }
0xae: {  	v40 =	vld [tilespmem:s5+$0xC140]  }
0xaf: {  	v20 =	vld [tilespmem:s5+$0xE140]  }
0xb0: {  	v22 =	vld [tilespmem:s5+$0x8080]  }
0xb1: {  	v23 =	vld [tilespmem:s5+$0x80A0]  }
0xb2: {  	v24 =	vld [tilespmem:s5+$0x80B0]  }
0xb3: {  	v30 =	vld [tilespmem:s5+$0x80D0]  }
0xb4: {  	v41 =	vld [tilespmem:s5+$0xC150]  }
0xb5: {  	v42 =	vld [tilespmem:s5+$0xE150];
	v9 =	vadd.f32 v10, v9  }
0xb6: {  	v14 =	vld [tilespmem:s5+$0xA120];
	v12 =	vadd.f32 v13, v12;
	v51 =	vperm.xlane v22, v1  }
0xb7: {  	v39 =	vld [tilespmem:s5+$0xA130];
	v15 =	vadd.f32 v16, v15;
	v56 =	vperm.xlane v23, v1;
	v9 =	vmul.f32 $5.000000000e-01, v9  }
0xb8: {  	v43 =	vld [tilespmem:s5+$0xA140];
	v17 =	vadd.f32 v18, v17;
	v59 =	vperm.xlane v24, v1;
	v63 =	vperm.xlane v30, v1  }
0xb9: {  	v45 =	vld [tilespmem:s5+$0xE160];
	v13 =	vadd.f32 v20, v40;
	v12 =	vmul.f32 $5.000000000e-01, v12;
	v19 =	vmul.f32 v9, v8  }
0xba: {  	v46 =	vld [tilespmem:s5+$0xA150];
	v16 =	vadd.f32 v42, v41;
	v15 =	vmul.f32 $5.000000000e-01, v15;
	v17 =	vmul.f32 $5.000000000e-01, v17  }
0xbb: {  	v60 =	vld [tilespmem:s5+$0xC170];
	v13 =	vmul.f32 $5.000000000e-01, v13;
	v21 =	vmul.f32 v12, v11;
	(xrf2) =	vadd.scan.msk.f32 $0xffff, v19  }
0xbc: {  	v16 =	vmul.f32 $5.000000000e-01, v16;
	vm1 =	vne.s32 v22, v51;
	vm3 =	vne.s32 v23, v56;
	v19 =	vld [tilespmem:s5+$0x8090];
	(xrf2) =	vadd.scan.msk.f32 $0xffff, v8  }
0xbd: {  	vm4 =	vne.s32 v24, v59;
	vm5 =	vne.s32 v30, v63;
	v44 =	vmul.f32 v15, v14;
	v8 =	vld [tilespmem:s5+$0xC160];
	(xrf2) =	vadd.scan.msk.f32 $0xffff, v21  }
0xbe: {  	v61 =	vld [tilespmem:s5+$0xE170];
	vm1 =	vmor vm1, vm0;
	v7 =	vmin.f32 v7, v9;
	v6 =	vmax.f32 v6, v9;
	(xrf2) =	vadd.scan.msk.f32 $0xffff, v11  }
0xbf: {  	v29 =	vld [tilespmem:s5+$0x80C0];
	v47 =	vmul.f32 v17, v39;
	v7 =	vmin.f32 v7, v12;
	v6 =	vmax.f32 v6, v12;
	(xrf2) =	vadd.scan.msk.f32 $0xffff, v44  }
0xc0: {  	v48 =	vmul.f32 v13, v43;
	v7 =	vmin.f32 v7, v15;
	v6 =	vmax.f32 v6, v15;
	(xrf2) =	vadd.scan.msk.f32 $0xffff, v14  }
0xc1: {  	v49 =	vld [tilespmem:s5+$0xA160];
	v50 =	vmul.f32 v16, v46;
	v7 =	vmin.f32 v7, v17;
	v6 =	vmax.f32 v6, v17;
	(xrf2) =	vadd.scan.msk.f32 $0xffff, v47  }
0xc2: {  	v7 =	vmin.f32 v7, v13;
	v52 =	vperm.xlane v19, v1;
	v8 =	vadd.f32 v45, v8;
	v45 =	vld [tilespmem:s5+$0xA170];
	(xrf2) =	vadd.scan.msk.f32 $0xffff, v39  }
0xc3: {  	v6 =	vmax.f32 v6, v13;
	v7 =	vmin.f32 v7, v16;
	v14 =	vadd.f32 v61, v60  }
0xc4: {  	v33 =	vld [tilespmem:s5+$0x80E0];
	vm2 =	vne.s32 v19, v52;
	v39 =	vperm.xlane v29, v1;
	(xrf2) =	vadd.scan.msk.f32 $0xffff, v48;
	v8 =	vmul.f32 $5.000000000e-01, v8  }
0xc5: {  	v6 =	vmax.f32 v6, v16;
	v14 =	vmul.f32 $5.000000000e-01, v14;
	vm2 =	vmor vm2, vm0;
	v20, _, _ =	vpop (xrf2);
	(xrf2) =	vadd.scan.msk.f32 $0xffff, v43;
	v43 =	vld [tilespmem:s5+$0x80F0]  }
0xc6: {  	vm6 =	vne.s32 v29, v39;
	v53 =	vmul.f32 v8, v49;
	v7 =	vmin.f32 v7, v8;
	(xrf2) =	vadd.scan.msk.f32 $0xffff, v50;
	v10, _, _ =	vpop (xrf2)  }
0xc7: {  	v6 =	vmax.f32 v6, v8;
	v18 =	vperm.xlane v20, v2;
	v52 =	vmul.f32 v14, v45;
	(xrf2) =	vadd.scan.msk.f32 $0xffff, v46;
	v25, _, _ =	vpop (xrf2)  }
0xc8: {  	v20 =	vadd.f32 v20, v5;
	v26 =	vperm.xlane v10, v2;
	v54, _, _ =	vpop (xrf2);
	v27 =	vperm.xlane v25, v2;
	(xrf2) =	vadd.scan.msk.f32 $0xffff, v53  }
0xc9: {  	v5 =	vadd.f32 v18, v5;
	v55 =	vperm.xlane v54, v2;
	v28, _, _ =	vpop (xrf2);
	(xrf2) =	vadd.scan.msk.f32 $0xffff, v49;
	v49 =	vperm.xlane v33, v1  }
0xca: {  	vm3 =	vmor vm3, vm0;
	[tilespmem:v22+s26+$0x0] =	vst.idx.msk vm1, v20;
	v57, _, _ =	vpop (xrf2);
	v58 =	vperm.xlane v28, v2;
	v8 =	vperm.xlane v43, v1  }
0xcb: {  	v53 =	vadd.f32 v25, v5;
	v5 =	vadd.f32 v27, v5;
	v31, _, _ =	vpop (xrf2);
	v32 =	vperm.xlane v57, v2  }
0xcc: {  	v34, _, _ =	vpop (xrf2);
	vm8 =	vne.s32 v43, v8;
	v8 =	vadd.f32 v10, v4;
	v4 =	vadd.f32 v26, v4  }
0xcd: {  	vm7 =	vne.s32 v33, v49;
	v36 =	vperm.xlane v31, v2;
	v37 =	vperm.xlane v34, v2  }
0xce: {  	vm4 =	vmor vm4, vm0;
	v35, _, _ =	vpop (xrf2);
	[tilespmem:v22+s28+$0x0] =	vst.idx.msk vm1, v8;
	v8 =	vadd.f32 v54, v4;
	v4 =	vadd.f32 v55, v4  }
0xcf: {  	vm6 =	vmor vm6, vm0;
	v54 =	vadd.f32 v28, v5;
	v5 =	vadd.f32 v58, v5;
	v38, _, _ =	vpop (xrf2);
	[tilespmem:v19+s26+$0x0] =	vst.idx.msk vm2, v53  }
0xd0: {  	v62 =	vperm.xlane v35, v2;
	(xrf2) =	vadd.scan.msk.f32 $0xffff, v52;
	v40, _, _ =	vpop (xrf2);
	[tilespmem:v19+s28+$0x0] =	vst.idx.msk vm2, v8;
	v8 =	vadd.f32 v57, v4  }
0xd1: {  	v41 =	vperm.xlane v38, v2;
	v4 =	vadd.f32 v32, v4;
	v55 =	vadd.f32 v31, v5;
	v42, _, _ =	vpop (xrf2);
	(xrf2) =	vadd.scan.msk.f32 $0xffff, v45  }
0xd2: {  	v5 =	vadd.f32 v36, v5;
	v48 =	vperm.xlane v40, v2;
	[tilespmem:v23+s26+$0x0] =	vst.idx.msk vm3, v54  }
0xd3: {  	vm1 =	vmor vm5, vm0;
	v46, _, _ =	vpop (xrf2);
	[tilespmem:v23+s28+$0x0] =	vst.idx.msk vm3, v8;
	v8 =	vadd.f32 v34, v4;
	v4 =	vadd.f32 v37, v4  }
0xd4: {  	v44 =	vperm.xlane v42, v2;
	v56 =	vadd.f32 v35, v5;
	v5 =	vadd.f32 v62, v5;
	v50, _, _ =	vpop (xrf2)  }
0xd5: {  	vm2 =	vmor vm7, vm0;
	v51 =	vperm.xlane v46, v2;
	[tilespmem:v24+s26+$0x0] =	vst.idx.msk vm4, v55;
	v47 =	vperm.xlane v50, v2  }
0xd6: {  	[tilespmem:v24+s28+$0x0] =	vst.idx.msk vm4, v8;
	v8 =	vadd.f32 v38, v4;
	v4 =	vadd.f32 v41, v4  }
0xd7: {  	vm3 =	vmor vm8, vm0;
	v57 =	vadd.f32 v40, v5;
	v5 =	vadd.f32 v48, v5;
	[tilespmem:v29+s26+$0x0] =	vst.idx.msk vm6, v56  }
0xd8: {  	[tilespmem:v29+s28+$0x0] =	vst.idx.msk vm6, v8;
	v8 =	vadd.f32 v42, v4;
	v4 =	vadd.f32 v44, v4  }
0xd9: {  	p0 =	sne.s32 s2, $0x7E00;
	v58 =	vadd.f32 v46, v5;
	v5 =	vadd.f32 v51, v5;
	[tilespmem:v30+s26+$0x0] =	vst.idx.msk vm1, v57  }
.Ltmp2:
0xda: {  	[tilespmem:v30+s28+$0x0] =	vst.idx.msk vm1, v8;
	v8 =	vadd.f32 v50, v4;
	v4 =	vadd.f32 v47, v4;
	v59, _, _ =	vpop (xrf2);
	(pc) =	sbr.rel @p0 .LBB2_7-.Ltmp2, $4  }
0xdb: {  	[tilespmem:v33+s26+$0x0] =	vst.idx.msk vm2, v58;
	v61 =	vperm.xlane v59, v2;
	v62 =	vadd.f32 v59, v5;
	v60, _, _ =	vpop (xrf2)  }
0xdc: {  	[tilespmem:v33+s28+$0x0] =	vst.idx.msk vm2, v8;
	v63 =	vperm.xlane v60, v2;
	v8 =	vadd.f32 v60, v4  }
0xdd: {  	v7 =	vmin.f32 v7, v14;
	v6 =	vmax.f32 v6, v14;
	[tilespmem:v43+s26+$0x0] =	vst.idx.msk vm3, v62  }
0xde: {  	s2 =	sadd.s32 $0x200, s2;
	v5 =	vadd.f32 v61, v5;
	[tilespmem:v43+s28+$0x0] =	vst.idx.msk vm3, v8;
	v4 =	vadd.f32 v63, v4  }
0xdf: {  	s20 =	sadd.s32 $0x1, s20  }
0xe0: {  	p0 =	sne.s32 s20, $0x4  }
.Ltmp3:
0xe1: {  	_ = 	snop;
	(pc) =	sbr.rel @p0 .LBB2_4-.Ltmp3, $1  }
0xe2: {  	_ =	sdelay $0x3  }
0xe3: {  	[tilespmem:$0x18100] =	vst v7  }
0xe4: {  	[tilespmem:$0x18180] =	vst v6;
	s5 =	simm.s32 $0x0  }
0xe5: {  	v4 =	vld [tilespmem:s5+$0x10100];
	_ =	sdelay $0x1  }
0xe6: {  	v5 =	vld [tilespmem:s5+$0x10110];
	_ =	sdelay $0x2  }
0xe7: {  	(xrf0) =	vmax.scan.msk.f32 $0xffff, v4  }
0xe8: {  	v4 =	vld [tilespmem:s5+$0x10120]  }
0xe9: {  	(xrf0) =	vmax.scan.msk.f32 $0xffff, v5;
	_ =	sdelay $0x3  }
0xea: {  	(xrf0) =	vmax.scan.msk.f32 $0xffff, v4;
	v5, _, _ =	vpop (xrf0)  }
0xeb: {  	v6 =	vld [tilespmem:s5+$0x10130];
	v4 =	vperm.xlane v5, v3  }
0xec: {  	v7 =	vimm.f32 $0.0e+00;
	vm1 =	vmmov $0x1;
	v8 =	vperm.xlane v5, v2;
	v9, _, _ =	vpop (xrf0)  }
0xed: {  	vm2 =	vmmov vm1;
	v10 =	vperm.xlane v9, v3;
	v4 =	vmax.f32 v4, v7  }
0xee: {  	v5 =	vmax.f32 v5, v7;
	v8 =	vmax.f32 v7, v8;
	v4 =	vsel vm2, v7, v4  }
0xef: {  	v4 =	vsub.f32 v5, v4;
	v5 =	vmax.f32 v10, v8  }
0xf0: {  	(xrf0) =	vmax.scan.msk.f32 $0xffff, v6;
	v6 =	vld [tilespmem:s5+$0x14100];
	v10 =	vperm.xlane v9, v2;
	v9 =	vmax.f32 v9, v8;
	v11, _, _ =	vpop (xrf0);
	v5 =	vsel vm2, v8, v5  }
0xf1: {  	s19 =	simm.s32 $0x40;
	v12 =	vperm.xlane v11, v3;
	[tilespmem:s5+$0x10100] =	vst v4;
	v4 =	vsub.f32 v9, v5  }
0xf2: {  	v8 =	vmax.f32 v8, v10;
	v5 =	vld [tilespmem:s19+$0x10100]  }
0xf3: {  	v9 =	vmax.f32 v12, v8;
	[tilespmem:s5+$0x10110] =	vst v4  }
0xf4: {  	v4 =	vmax.f32 v11, v8;
	v9 =	vsel vm2, v8, v9;
	v10 =	vld [tilespmem:s19+$0x10110]  }
0xf5: {  	(xrf0) =	vmax.scan.msk.f32 $0xffff, v6;
	v6 =	vperm.xlane v11, v2;
	v4 =	vsub.f32 v4, v9  }
0xf6: {  	v11, _, _ =	vpop (xrf0);
	v9 =	vld [tilespmem:s5+$0x14110]  }
0xf7: {  	[tilespmem:s5+$0x10120] =	vst v4;
	v4 =	vmax.f32 v8, v6;
	(xrf0) =	vmax.scan.msk.f32 $0xffff, v5;
	v5 =	vperm.xlane v11, v3  }
0xf8: {  	v8 =	vmax.f32 v11, v4  }
0xf9: {  	vm3 =	vmmov vm2;
	v6 =	vld [tilespmem:s19+$0x10120];
	v5 =	vmax.f32 v5, v4;
	(xrf0) =	vmax.scan.msk.f32 $0xffff, v10  }
0xfa: {  	v10 =	vperm.xlane v11, v2;
	v5 =	vsel vm3, v4, v5  }
0xfb: {  	(xrf0) =	vmax.scan.msk.f32 $0xffff, v9;
	v5 =	vsub.f32 v8, v5;
	v8, _, _ =	vpop (xrf0)  }
0xfc: {  	v9 =	vld [tilespmem:s5+$0x14120];
	v11 =	vperm.xlane v8, v3  }
0xfd: {  	v4 =	vmax.f32 v4, v10;
	v12 =	vperm.xlane v8, v2  }
0xfe: {  	(xrf0) =	vmax.scan.msk.f32 $0xffff, v6;
	v8 =	vmax.f32 v8, v7;
	v10, _, _ =	vpop (xrf0);
	[tilespmem:s5+$0x10130] =	vst v5;
	v11 =	vmax.f32 v11, v7  }
0xff: {  	v5 =	vperm.xlane v10, v2;
	v6 =	vperm.xlane v10, v3;
	v13 =	vld [tilespmem:s19+$0x10130];
	v14, _, _ =	vpop (xrf0);
	v11 =	vsel vm3, v7, v11  }
0x100: {  	v10 =	vmax.f32 v10, v4;
	v8 =	vsub.f32 v8, v11;
	v11 =	vperm.xlane v14, v3  }
0x101: {  	v12 =	vmax.f32 v7, v12;
	(xrf0) =	vmax.scan.msk.f32 $0xffff, v9;
	v6 =	vmax.f32 v6, v4;
	v5 =	vmax.f32 v4, v5;
	v7, _, _ =	vpop (xrf0)  }
0x102: {  	v4 =	vsel vm2, v4, v6;
	v9 =	vperm.xlane v7, v3;
	[tilespmem:s5+$0x14100] =	vst v8;
	v8 =	vmax.f32 v11, v5  }
0x103: {  	v6 =	vld [tilespmem:s5+$0x14130];
	v4 =	vsub.f32 v10, v4;
	v11 =	vmax.f32 v14, v5;
	v8 =	vsel vm2, v5, v8  }
0x104: {  	v10 =	vperm.xlane v14, v2;
	v14, _, _ =	vpop (xrf0);
	(xrf0) =	vmax.scan.msk.f32 $0xffff, v13;
	v8 =	vsub.f32 v11, v8  }
0x105: {  	s20 =	simm.s32 $0x80;
	v16 =	vperm.xlane v7, v2;
	v13 =	vld [tilespmem:s19+$0x14100];
	v15 =	vperm.xlane v14, v3;
	[tilespmem:s19+$0x10100] =	vst v4;
	v4 =	vmax.f32 v9, v12  }
0x106: {  	v9 =	vmax.f32 v7, v12;
	v10 =	vmax.f32 v5, v10;
	v11 =	vld [tilespmem:s20+$0x10100];
	v4 =	vsel vm3, v12, v4  }
0x107: {  	v5 =	vmax.f32 v15, v10;
	v4 =	vsub.f32 v9, v4;
	v9 =	vmax.f32 v14, v10  }
0x108: {  	[tilespmem:s19+$0x10110] =	vst v8;
	v14 =	vperm.xlane v14, v2;
	v8, _, _ =	vpop (xrf0);
	(xrf0) =	vmax.scan.msk.f32 $0xffff, v6;
	v6 =	vsel vm2, v10, v5  }
0x109: {  	vm4 =	vmmov vm3;
	v5 =	vld [tilespmem:s20+$0x10110];
	[tilespmem:s5+$0x14110] =	vst v4;
	v15 =	vsub.f32 v9, v6;
	v17 =	vperm.xlane v8, v3  }
0x10a: {  	v4 =	vmax.f32 v10, v14;
	v10 =	vmax.f32 v12, v16;
	v7 =	vperm.xlane v8, v2;
	(xrf0) =	vmax.scan.msk.f32 $0xffff, v13;
	v9, _, _ =	vpop (xrf0)  }
0x10b: {  	s2 =	simm.s32 $0x300;
	v6 =	vld [tilespmem:s19+$0x14110];
	(xrf0) =	vmax.scan.msk.f32 $0xffff, v11;
	v11 =	vperm.xlane v9, v3;
	[tilespmem:s19+$0x10120] =	vst v15;
	v12 =	vmax.f32 v17, v10  }
.LBB2_10:
0x10c: {  	v13 =	vperm.xlane v9, v2;
	v8 =	vmax.f32 v8, v10  }
0x10d: {  	s6 =	sshra.s32 s2, $0x2;
	p0 =	sne.s32 s2, $0xFF00;
	s2 =	sadd.s32 $0x100, s2;
	v12 =	vsel vm4, v10, v12;
	vm3 =	vmmov vm2;
	vm2 =	vmmov vm1  }
0x10e: {  	v7 =	vmax.f32 v10, v7;
	v14 =	vld [tilespmem:s20+$0x10120];
	v11 =	vmax.f32 v11, v4;
	v8 =	vsub.f32 v8, v12;
	v10, _, _ =	vpop (xrf0)  }
0x10f: {  	(xrf0) =	vmax.scan.msk.f32 $0xffff, v5;
	v5 =	vmax.f32 v9, v4;
	v12 =	vsel vm3, v4, v11;
	v11 =	vperm.xlane v10, v3  }
0x110: {  	v5 =	vsub.f32 v5, v12;
	(xrf0) =	vmax.scan.msk.f32 $0xffff, v6;
	v6 =	vperm.xlane v10, v2;
	[tilespmem:s5+$0x14120] =	vst v8  }
0x111: {  	v4 =	vmax.f32 v4, v13;
	v10 =	vmax.f32 v10, v7;
	v8 =	vld [tilespmem:s19+$0x14120];
	v9, _, _ =	vpop (xrf0);
	v11 =	vmax.f32 v11, v7  }
0x112: {  	v12, _, _ =	vpop (xrf0);
	v13 =	vperm.xlane v9, v2;
	v16 =	vperm.xlane v9, v3;
	[tilespmem:s19+$0x10130] =	vst v5;
	v5 =	vsel vm4, v7, v11  }
0x113: {  	v6 =	vmax.f32 v7, v6;
	v11 =	vperm.xlane v12, v2;
	(xrf0) =	vmax.scan.msk.f32 $0xffff, v14;
	v5 =	vsub.f32 v10, v5  }
0x114: {  	v7 =	vperm.xlane v12, v3;
	v17 =	vmax.f32 v9, v6;
	v10 =	vld [tilespmem:s20+$0x10130];
	v14 =	vmax.f32 v16, v6  }
0x115: {  	v12 =	vmax.f32 v12, v4;
	v13 =	vmax.f32 v6, v13;
	v15, _, _ =	vpop (xrf0);
	v14 =	vsel vm3, v6, v14;
	[tilespmem:s5+$0x14130] =	vst v5;
	s5 =	smov.u32 s19;
	s19 =	smov.u32 s20;
	s20 =	smov.u32 s6  }
0x116: {  	v5 =	vmax.f32 v7, v4;
	v6 =	vmax.f32 v4, v11;
	v7 =	vsub.f32 v17, v14;
	v9, _, _ =	vpop (xrf0);
	(xrf0) =	vmax.scan.msk.f32 $0xffff, v8  }
0x117: {  	v8 =	vperm.xlane v15, v2;
	v11 =	vperm.xlane v15, v3;
	v4 =	vsel vm2, v4, v5;
	v5 =	vld [tilespmem:s5+$0x14130]  }
0x118: {  	v4 =	vsub.f32 v12, v4;
	v12 =	vperm.xlane v9, v2;
	v14 =	vperm.xlane v9, v3;
	[tilespmem:s5+$0x14100] =	vst v7  }
0x119: {  	v9 =	vmax.f32 v9, v13;
	v7 =	vmax.f32 v15, v6;
	v11 =	vmax.f32 v11, v6;
	v15, _, _ =	vpop (xrf0);
	(xrf0) =	vmax.scan.msk.f32 $0xffff, v10  }
0x11a: {  	v10 =	vld [tilespmem:s19+$0x14100];
	v16 =	vperm.xlane v15, v3;
	[tilespmem:s19+$0x10100] =	vst v4;
	v4 =	vsel vm2, v6, v11;
	v11 =	vmax.f32 v14, v13  }
0x11b: {  	v17 =	vmax.f32 v6, v8;
	v14 =	vld [tilespmem:s20+$0x10100];
	v4 =	vsub.f32 v7, v4;
	v6 =	vsel vm3, v13, v11  }
.Ltmp4:
0x11c: {  	v11 =	vmax.f32 v15, v17;
	v7 =	vmax.f32 v16, v17;
	v6 =	vsub.f32 v9, v6;
	v8, _, _ =	vpop (xrf0);
	(xrf0) =	vmax.scan.msk.f32 $0xffff, v5;
	(pc) =	sbr.rel @p0 .LBB2_10-.Ltmp4, $4  }
0x11d: {  	v18 =	vperm.xlane v15, v2;
	[tilespmem:s19+$0x10110] =	vst v4;
	v4 =	vsel vm2, v17, v7;
	v7 =	vperm.xlane v8, v2  }
0x11e: {  	v16 =	vperm.xlane v8, v3;
	v5 =	vld [tilespmem:s20+$0x10110];
	v15 =	vsub.f32 v11, v4;
	[tilespmem:s5+$0x14110] =	vst v6  }
0x11f: {  	vm4 =	vmmov vm3;
	v4 =	vmax.f32 v17, v18;
	v6 =	vld [tilespmem:s19+$0x14110];
	(xrf0) =	vmax.scan.msk.f32 $0xffff, v10;
	v9, _, _ =	vpop (xrf0);
	v10 =	vmax.f32 v13, v12  }
0x120: {  	(xrf0) =	vmax.scan.msk.f32 $0xffff, v14;
	v11 =	vperm.xlane v9, v3;
	[tilespmem:s19+$0x10120] =	vst v15;
	v12 =	vmax.f32 v16, v10  }
0x121: {  	v13 =	vperm.xlane v9, v2  }
0x122: {  	v8 =	vmax.f32 v8, v10;
	v12 =	vsel vm4, v10, v12;
	vm2 =	vmmov vm2;
	v14, _, _ =	vpop (xrf0)  }
0x123: {  	v15 =	vld [tilespmem:s20+$0x10120];
	v7 =	vmax.f32 v10, v7;
	v11 =	vmax.f32 v11, v4;
	v58 =	vperm.xlane v14, v3  }
0x124: {  	v59 =	vmax.f32 v9, v4;
	v8 =	vsub.f32 v8, v12;
	v60 =	vsel vm2, v4, v11  }
0x125: {  	vm1 =	vmmov vm1;
	(xrf0) =	vmax.scan.msk.f32 $0xffff, v5;
	v5 =	vsub.f32 v59, v60;
	v61 =	vmax.f32 v58, v7  }
0x126: {  	v62 =	vperm.xlane v14, v2;
	v17 =	vmax.f32 v14, v7;
	[tilespmem:s5+$0x14120] =	vst v8;
	v16, _, _ =	vpop (xrf0);
	v8 =	vsel vm4, v7, v61  }
0x127: {  	(xrf0) =	vmax.scan.msk.f32 $0xffff, v6;
	v63 =	vld [tilespmem:s19+$0x14120];
	v18 =	vperm.xlane v16, v3;
	[tilespmem:s19+$0x10130] =	vst v5;
	v5 =	vsub.f32 v17, v8  }
0x128: {  	v4 =	vmax.f32 v4, v13;
	v6 =	vmax.f32 v7, v62;
	v19, _, _ =	vpop (xrf0);
	v20 =	vperm.xlane v16, v2;
	(xrf0) =	vmax.scan.msk.f32 $0xffff, v15  }
0x129: {  	v21 =	vld [tilespmem:s20+$0x10130];
	v22 =	vperm.xlane v19, v2;
	v23 =	vperm.xlane v19, v3;
	v12 =	vmax.f32 v18, v6;
	[tilespmem:s5+$0x14130] =	vst v5  }
0x12a: {  	v8 =	vmax.f32 v19, v4;
	v5 =	vmax.f32 v16, v6;
	v24 =	vsel vm2, v6, v12;
	v25 =	vld [tilespmem:s19+$0x14130]  }
0x12b: {  	v26, _, _ =	vpop (xrf0);
	v6 =	vmax.f32 v6, v20;
	v27 =	vmax.f32 v23, v4;
	v13 =	vmax.f32 v4, v22  }
0x12c: {  	v5 =	vsub.f32 v5, v24;
	(xrf0) =	vmax.scan.msk.f32 $0xffff, v63;
	v29 =	vperm.xlane v26, v3;
	v4 =	vsel vm1, v4, v27  }
0x12d: {  	v28, _, _ =	vpop (xrf0);
	v30 =	vperm.xlane v26, v2;
	v15 =	vmax.f32 v26, v13;
	v4 =	vsub.f32 v8, v4  }
0x12e: {  	v31 =	vperm.xlane v28, v2;
	v32 =	vperm.xlane v28, v3;
	v33 =	vmax.f32 v28, v6;
	v16, _, _ =	vpop (xrf0);
	(xrf0) =	vmax.scan.msk.f32 $0xffff, v21  }
0x12f: {  	v9 =	vmax.f32 v29, v13;
	v11 =	vmax.f32 v13, v30;
	v34 =	vperm.xlane v16, v3;
	(xrf0) =	vmax.scan.msk.f32 $0xffff, v25  }
0x130: {  	v9 =	vsel vm1, v13, v9;
	v35 =	vmax.f32 v32, v6;
	v13 =	vmax.f32 v16, v11  }
0x131: {  	v37 =	vperm.xlane v16, v2;
	v9 =	vsub.f32 v15, v9;
	v12 =	vsel vm2, v6, v35  }
0x132: {  	[tilespmem:s19+$0x14100] =	vst v5;
	v6 =	vmax.f32 v6, v31;
	vm2 =	vmmov vm2;
	v10 =	vmax.f32 v34, v11;
	v36, _, _ =	vpop (xrf0)  }
0x133: {  	[tilespmem:s20+$0x10100] =	vst v4;
	v5 =	vsub.f32 v33, v12;
	v4 =	vmax.f32 v11, v37;
	v40 =	vperm.xlane v36, v3  }
0x134: {  	v10 =	vsel vm1, v11, v10;
	vm1 =	vmmov vm1;
	v39 =	vperm.xlane v36, v2;
	v41, _, _ =	vpop (xrf0)  }
0x135: {  	[tilespmem:s20+$0x10110] =	vst v9;
	v10 =	vsub.f32 v13, v10;
	v42 =	vperm.xlane v41, v3;
	v43 =	vmax.f32 v40, v6;
	v44, _, _ =	vpop (xrf0)  }
0x136: {  	v38 =	vld [tilespmem:s20+$0x14100];
	v7 =	vmax.f32 v36, v6;
	[tilespmem:s19+$0x14110] =	vst v5;
	v5 =	vsel vm2, v6, v43;
	v45 =	vperm.xlane v44, v3  }
0x137: {  	v6 =	vmax.f32 v6, v39;
	v8 =	vmax.f32 v42, v4;
	v5 =	vsub.f32 v7, v5  }
0x138: {  	[tilespmem:s20+$0x10120] =	vst v10;
	v47 =	vmax.f32 v41, v4;
	v4 =	vsel vm1, v4, v8;
	v48 =	vmax.f32 v45, v6  }
0x139: {  	v46 =	vld [tilespmem:s20+$0x14110];
	v4 =	vsub.f32 v47, v4;
	[tilespmem:s19+$0x14120] =	vst v5;
	v5 =	vmax.f32 v44, v6;
	v49 =	vsel vm2, v6, v48  }
0x13a: {  	v5 =	vsub.f32 v5, v49  }
0x13b: {  	v50 =	vld [tilespmem:s20+$0x14120];
	[tilespmem:s20+$0x10130] =	vst v4  }
0x13c: {  	(xrf0) =	vmax.scan.msk.f32 $0xffff, v38;
	[tilespmem:s19+$0x14130] =	vst v5  }
0x13d: {  	v4 =	vld [tilespmem:s20+$0x14130]  }
0x13e: {  	(xrf0) =	vmax.scan.msk.f32 $0xffff, v46;
	_ =	sdelay $0x1  }
0x13f: {  	(xrf0) =	vmax.scan.msk.f32 $0xffff, v50;
	_ =	sdelay $0x1  }
0x140: {  	v51, _, _ =	vpop (xrf0);
	v5 =	vperm.xlane v44, v2;
	(xrf0) =	vmax.scan.msk.f32 $0xffff, v4  }
0x141: {  	v52 =	vperm.xlane v51, v3  }
0x142: {  	v53, _, _ =	vpop (xrf0);
	v4 =	vmax.f32 v6, v5;
	v5 =	vperm.xlane v51, v2  }
0x143: {  	v54 =	vperm.xlane v53, v3;
	v55 =	vperm.xlane v53, v2;
	v6 =	vmax.f32 v52, v4  }
0x144: {  	v7 =	vmax.f32 v51, v4;
	v58, _, _ =	vpop (xrf0);
	v6 =	vsel vm1, v4, v6;
	v4 =	vmax.f32 v4, v5  }
0x145: {  	v59 =	vperm.xlane v58, v2;
	v60 =	vperm.xlane v58, v3;
	v57 =	vmax.f32 v54, v4  }
0x146: {  	v5 =	vsub.f32 v7, v6;
	v56 =	vmax.f32 v53, v4;
	v8 =	vsel vm1, v4, v57;
	v61, _, _ =	vpop (xrf0)  }
0x147: {  	v4 =	vmax.f32 v4, v55;
	vm1 =	vmmov vm1;
	v62 =	vperm.xlane v61, v3  }
0x148: {  	v7 =	vsub.f32 v56, v8;
	v63 =	vmax.f32 v60, v4;
	v10 =	vmax.f32 v4, v59  }
0x149: {  	v9 =	vmax.f32 v58, v4;
	v4 =	vsel vm1, v4, v63;
	v6 =	vmax.f32 v62, v10  }
0x14a: {  	[tilespmem:s20+$0x14100] =	vst v5;
	v4 =	vsub.f32 v9, v4;
	v5 =	vmax.f32 v61, v10;
	v6 =	vsel vm1, v10, v6  }
0x14b: {  	[tilespmem:s20+$0x14110] =	vst v7;
	v5 =	vsub.f32 v5, v6  }
0x14c: {  	[tilespmem:s20+$0x14120] =	vst v4  }
0x14d: {  	[tilespmem:s20+$0x14130] =	vst v5  }
0x14e: {  	[hbm4b:s13+s30] =	stream.strided.scatter [tilespmem:s26], [sflag:$0x1], $0x4000, s31, s30, $0x38;
	[tilespmem:$0x18200] =	vst v63  }
0x14f: {  	_ = 	snop  }
0x150: {  	[hbm4b:s14+s30] =	stream.strided.scatter [tilespmem:s28], [sflag:$0x1], $0x4000, s31, s30, $0x38;
	[tilespmem:$0x18200] =	vst v63  }
0x151: {  	s2 =	simm.s32 $0x0;
	s19 =	simm.s32 $0x18100  }
0x152: {  	[hbm4b:s15+s2] =	stream.linear.scatter [tilespmem:s19], [sflag:$0x1], $0x80, $0x38;
	[tilespmem:$0x18200] =	vst v63  }
0x153: {  	s20 =	simm.s32 $0x18180  }
0x154: {  	[hbm4b:s16+s2] =	stream.linear.scatter [tilespmem:s20], [sflag:$0x1], $0x80, $0x38;
	[tilespmem:$0x18200] =	vst v63  }
0x155: {  	_ =	swait.ge [sflag:s21], $0x4000  }
0x156: {  	[sflag:s21] =	ssyncset.done $0x0  }
0x157: {  	[sflag:s21] =	ssyncadd.s32 $0xFFFFC000  }
0x158: {  	_ =	swait.ge [sflag:s21], $0x4000  }
0x159: {  	[sflag:s21] =	ssyncset.done $0x0  }
0x15a: {  	s18 =	sadd.s32 $0x1, s18;
	[sflag:s21] =	ssyncadd.s32 $0xFFFFC000  }
0x15b: {  	p0 =	sne.s32 s18, s17;
	_ =	swait.ge [sflag:s21], $0x80  }
.Ltmp5:
0x15c: {  	[sflag:s21] =	ssyncset.done $0x0;
	(pc) =	sbr.rel @p0 .LBB2_1-.Ltmp5, $4  }
0x15d: {  	[sflag:s21] =	ssyncadd.s32 $0xFFFFFF80  }
0x15e: {  	_ =	swait.ge [sflag:s21], $0x80  }
0x15f: {  	[sflag:s21] =	ssyncset.done $0x0  }
0x160: {  	[sflag:s21] =	ssyncadd.s32 $0xFFFFFF80  }
0x161: {  	_ =	sfence.sel $0x180000  }
0x162: {  	[bflag:$0x0] =	sbarrier.arrive $0xFFFF  }
0x163: {  	_ =	strace $0x90000047  }
0x164: {  	s0 =	stileid.u32;
	[bflag:$0x2] =	sbarrier.arrive $0xFFFF  }
0x165: {  	p0 =	sne.s32 s0, $0x0;
	s0 =	rddreg [dreg:$0x6]  }
0x166: {  	s0 =	sadd.s32 @!p0 $0x100000, s0  }
0x167: {  	[sflag:s0] =	ssyncadd.tile.s32 @!p0 $0x1;
	_ =	shalt  }
.Lfunc_end2:
_tile_overlayer_lowered:
.L_overlay_start_2:
0x168: {  	(tag) =	ssettag $0x2  }
0x169: {  	s0 =	rddreg [dreg:$0x0];
	s2 =	stileid.u32  }
0x16a: {  	s1 =	rddreg [dreg:$0x1];
	p0 =	sne.s32 s2, $0x0  }
0x16b: {  	s3 =	rddreg [dreg:$0x2];
	[bflag:$0x3] =	sbarrier.arrive $0xFFFF;
	s2 =	simm.s32 @!p0 $0x1C03  }
0x16c: {  	[timem:s3], [sflag:s2] =	dma.local @!p0 [hbm:s0], s1  }
0x16d: {  	s0 =	simm.s32 @!p0 $0x3  }
0x16e: {  	_ =	swait.ge @!p0 [sflag:s0], s1  }
0x16f: {  	s1 =	ssub.s32 @!p0 $0x0, s1;
	[sflag:s0] =	ssyncset.done @!p0 $0x0  }
0x170: {  	[sflag:s0] =	ssyncadd.s32 @!p0 s1  }
0x171: {  	[bflag:$0x3] =	sbarrier.arrive $0xFFFF  }
0x172: {  	_ =	shalt  }

</sc_bundles>
